<compile_context>
chip_gen: v7x
topology: tpu7x:2x2x1
jax: 0.10.2.dev20260603
libtpu: 0.0.44.dev20260713+nightly
codegen_flags: <defaults>
</compile_context>

<pallas_src>
import functools

import jax
import jax.numpy as jnp
from jax import lax
from jax.experimental import pallas as pl
from jax.experimental.pallas import tpu as pltpu
from jax.experimental.pallas import tpu_sc as plsc

VOCAB = 30522
HIDDEN = 1024
MAX_POS = 512
EPS = 1e-12

_INFO = plsc.get_sparse_core_info()
_NC = _INFO.num_cores
_NS = _INFO.num_subcores
_NW = _NC * _NS

_CHUNK = 32


def _make_sc_gather(total_tokens: int):
  b_per_w = total_tokens // _NW
  n_chunks = b_per_w // _CHUNK
  mesh = plsc.VectorSubcoreMesh(core_axis_name="c", subcore_axis_name="s")

  @functools.partial(
      pl.kernel,
      mesh=mesh,
      out_type=jax.ShapeDtypeStruct((total_tokens, HIDDEN), jnp.float32),
      scratch_types=[
          pltpu.VMEM((b_per_w,), jnp.int32),
          pltpu.VMEM((2, _CHUNK, HIDDEN), jnp.float32),
          pltpu.SemaphoreType.DMA,
          pltpu.SemaphoreType.DMA,
          pltpu.SemaphoreType.DMA,
          pltpu.SemaphoreType.DMA,
      ],
  )
  def sc_gather(table_hbm, idx_hbm, out_hbm, idx_v, rows_v, g0, g1, s0, s1):
    gsem = (g0, g1)
    ssem = (s0, s1)
    wid = lax.axis_index("s") * _NC + lax.axis_index("c")
    base = wid * b_per_w
    pltpu.sync_copy(idx_hbm.at[pl.ds(base, b_per_w)], idx_v)

    def gather(c):
      buf = c % 2
      return pltpu.async_copy(
          table_hbm.at[idx_v.at[pl.ds(c * _CHUNK, _CHUNK)]],
          rows_v.at[buf], gsem[buf])

    def scatter(c):
      buf = c % 2
      return pltpu.async_copy(
          rows_v.at[buf],
          out_hbm.at[pl.ds(base + c * _CHUNK, _CHUNK)], ssem[buf])

    gathers = {0: gather(0)}
    scatters = {}
    for c in range(n_chunks):
      if c + 1 < n_chunks:
        if c - 1 in scatters:
          scatters[c - 1].wait()
        gathers[c + 1] = gather(c + 1)
      gathers[c].wait()
      scatters[c] = scatter(c)
    scatters[n_chunks - 2].wait()
    scatters[n_chunks - 1].wait()

  return sc_gather


def _ln_body(words_ref, pos_ref, type_ref, tt_ref, w_ref, b_ref, out_ref):
  x = words_ref[0]
  x = x + pos_ref[...]
  ttf = tt_ref[0]
  t0 = type_ref[0, :]
  t1 = type_ref[1, :]
  x = x + t0[None, :] + ttf * (t1 - t0)[None, :]
  u = jnp.mean(x, axis=-1, keepdims=True)
  xc = x - u
  s = jnp.mean(xc * xc, axis=-1, keepdims=True)
  y = xc * lax.rsqrt(s + EPS)
  out_ref[0] = y * w_ref[0][None, :] + b_ref[0][None, :]


_NSEG = 2
_SEQ_BLK = 512


def _ln_body_carry(words_ref, pos_ref, type_ref, tt_ref, w_ref, b_ref,
                   carry_ref, out_ref):
  del carry_ref
  _ln_body(words_ref, pos_ref, type_ref, tt_ref, w_ref, b_ref, out_ref)


def _make_tc_ln_seg(batch: int, seq: int, seg_rows: int, base: int,
                    aliased: bool):
  sb = _SEQ_BLK
  common_in = [
      pl.BlockSpec((1, sb, HIDDEN), lambda i, j: (i, j, 0)),
      pl.BlockSpec((sb, HIDDEN), lambda i, j: (j, 0)),
      pl.BlockSpec((2, HIDDEN), lambda i, j: (0, 0)),
      pl.BlockSpec((1, sb, 1), lambda i, j: (i, j, 0)),
      pl.BlockSpec((1, HIDDEN), lambda i, j: (0, 0)),
      pl.BlockSpec((1, HIDDEN), lambda i, j: (0, 0)),
  ]
  if aliased:
    common_in.append(pl.BlockSpec(memory_space=pl.ANY))
  return pl.pallas_call(
      _ln_body_carry if aliased else _ln_body,
      grid=(seg_rows, seq // sb),
      in_specs=common_in,
      out_specs=pl.BlockSpec((1, sb, HIDDEN), lambda i, j: (i + base, j, 0)),
      out_shape=jax.ShapeDtypeStruct((batch, seq, HIDDEN), jnp.float32),
      input_output_aliases={6: 0} if aliased else {},
  )


def kernel(input_ids, token_type_ids, word_emb, pos_emb, type_emb,
           ln_weight, ln_bias):
  batch, seq = input_ids.shape
  total = batch * seq
  ids_flat = input_ids.reshape(total).astype(jnp.int32)
  ttf = token_type_ids.reshape(batch, seq, 1).astype(jnp.float32)
  lnw = ln_weight.reshape(1, HIDDEN)
  lnb = ln_bias.reshape(1, HIDDEN)

  seg_tokens = total // _NSEG
  seg_rows = batch // _NSEG
  sc_gather = _make_sc_gather(seg_tokens)

  out = None
  for g in range(_NSEG):
    ids_g = lax.slice(ids_flat, (g * seg_tokens,), ((g + 1) * seg_tokens,))
    words_g = sc_gather(word_emb, ids_g).reshape(seg_rows, seq, HIDDEN)
    tt_g = lax.slice(ttf, (g * seg_rows, 0, 0),
                     ((g + 1) * seg_rows, seq, 1))
    tc_ln = _make_tc_ln_seg(batch, seq, seg_rows, g * seg_rows, g > 0)
    args = (words_g, pos_emb, type_emb, tt_g, lnw, lnb)
    out = tc_ln(*args) if g == 0 else tc_ln(*args, out)
  return out

# --- scband reference (transcript-rebuilt; emitter-appended) ---
"""Pipeline reference for scband-bert-embeddings-56650618634985 (READ-ONLY COPY).

The authoritative reference and input builder live on the scoring server;
editing this copy changes nothing except your own understanding.
"""

import jax, jax.numpy as jnp
import numpy as np

VOCAB = 30522
HIDDEN = 1024
MAX_POS = 512
TYPE_VOCAB = 2
EPS = 1e-12


def setup_inputs(seed: int = 0) -> dict:
    key = jax.random.key(seed)
    k1, k2, k3, k4, k5 = jax.random.split(key, 5)
    input_ids = jax.random.randint(k1, (32, 512), 0, VOCAB, dtype=jnp.int64 if jax.config.jax_enable_x64 else jnp.int32)
    token_type_ids = jax.random.randint(k2, (32, 512), 0, TYPE_VOCAB, dtype=input_ids.dtype)
    word_emb = jax.random.normal(k3, (VOCAB, HIDDEN), dtype=jnp.float32) * 0.02
    # padding_idx=0 row zeroed like nn.Embedding(padding_idx=0)
    word_emb = word_emb.at[0].set(0.0)
    pos_emb = jax.random.normal(k4, (MAX_POS, HIDDEN), dtype=jnp.float32) * 0.02
    type_emb = jax.random.normal(k5, (TYPE_VOCAB, HIDDEN), dtype=jnp.float32) * 0.02
    ln_weight = jnp.ones((HIDDEN,), dtype=jnp.float32)
    ln_bias = jnp.zeros((HIDDEN,), dtype=jnp.float32)
    return {
        "input_ids": input_ids,
        "token_type_ids": token_type_ids,
        "word_emb": word_emb,
        "pos_emb": pos_emb,
        "type_emb": type_emb,
        "ln_weight": ln_weight,
        "ln_bias": ln_bias,
    }


def _layer_norm(x, weight, bias, eps):
    u = jnp.mean(x, axis=-1, keepdims=True)
    s = jnp.mean((x - u) ** 2, axis=-1, keepdims=True)
    x = (x - u) / jnp.sqrt(s + eps)
    return weight * x + bias


def reference(input_ids, token_type_ids, word_emb, pos_emb, type_emb, ln_weight, ln_bias):
    seq_length = input_ids.shape[1]
    position_ids = jnp.arange(seq_length, dtype=input_ids.dtype)
    position_ids = jnp.broadcast_to(position_ids[None, :], input_ids.shape)
    words_embeddings = jnp.take(word_emb, input_ids, axis=0)
    position_embeddings = jnp.take(pos_emb, position_ids, axis=0)
    token_type_embeddings = jnp.take(type_emb, token_type_ids, axis=0)
    embeddings = words_embeddings + position_embeddings + token_type_embeddings
    embeddings = _layer_norm(embeddings, ln_weight, ln_bias, EPS)
    # dropout is identity in eval mode
    return embeddings

if __name__ == "__main__":
    import jax
    _d = setup_inputs()
    print(jax.jit(kernel)(*tuple(_d.values())))

</pallas_src>

<mosaic_0001>
#map = affine_map<(d0, d1) -> (0, 0)>
#map1 = affine_map<(d0, d1) -> (0)>
module attributes {stable_mosaic.version = 14 : i64} {
  func.func @sc_gather(%arg0: i32, %arg1: i32, %arg2: memref<30522x1024xf32, #tpu.memory_space<hbm>>, %arg3: memref<8192xi32, #tpu.memory_space<hbm>>, %arg4: memref<8192x1024xf32, #tpu.memory_space<hbm>>, %arg5: memref<256xi32, #tpu.memory_space<vmem>>, %arg6: memref<2x32x1024xf32, #tpu.memory_space<vmem>>, %arg7: memref<!tpu.dma_semaphore, #tpu.memory_space<semaphore_mem>>, %arg8: memref<!tpu.dma_semaphore, #tpu.memory_space<semaphore_mem>>, %arg9: memref<!tpu.dma_semaphore, #tpu.memory_space<semaphore_mem>>, %arg10: memref<!tpu.dma_semaphore, #tpu.memory_space<semaphore_mem>>) attributes {dimension_semantics = [#tpu.dimension_semantics<core_parallel>, #tpu.dimension_semantics<subcore_parallel>], iteration_bounds = array<i64: 2, 16>, scalar_prefetch = 0 : i64, scratch_operands = 6 : i64, tpu.core_type = #tpu.core_type<sc_vector_subcore>, window_params = [{transform_indices = #map}, {transform_indices = #map1}, {transform_indices = #map}]} {
    %mul3A = arith.constant 2 : i32
    %mul3A_0 = arith.muli %arg1, %mul3A : i32
    %add3A = arith.addi %mul3A_0, %arg0 : i32
    %mul3A_1 = arith.constant 256 : i32
    %mul3A_2 = arith.muli %add3A, %mul3A_1 : i32
    "tpu.region"() ({
      %run_scoped3A = tpu.sem_alloc : memref<!tpu.dma_semaphore, #tpu.memory_space<semaphore_mem>>
      %dma_start3A_385 = tpu.memref_slice %arg3[%mul3A_2] : memref<8192xi32, #tpu.memory_space<hbm>> -> memref<256xi32, #tpu.memory_space<hbm>>
      %dma_start3A_386 = tpu.memref_slice %arg3[%mul3A_2] : memref<8192xi32, #tpu.memory_space<hbm>> -> memref<256xi32, #tpu.memory_space<hbm>>
      tpu.enqueue_dma source(%dma_start3A_386 : memref<256xi32, #tpu.memory_space<hbm>>) target(%arg5 : memref<256xi32, #tpu.memory_space<vmem>>) target_semaphore(%run_scoped3A : memref<!tpu.dma_semaphore, #tpu.memory_space<semaphore_mem>>)
      %dma_wait3A_387 = tpu.memref_slice %arg3[%mul3A_2] : memref<8192xi32, #tpu.memory_space<hbm>> -> memref<256xi32, #tpu.memory_space<hbm>>
      %dma_wait3A_388 = tpu.memref_slice %arg3[%mul3A_2] : memref<8192xi32, #tpu.memory_space<hbm>> -> memref<256xi32, #tpu.memory_space<hbm>>
      tpu.wait_dma2 semaphore(%run_scoped3A : memref<!tpu.dma_semaphore, #tpu.memory_space<semaphore_mem>>) src(%dma_wait3A_388 : memref<256xi32, #tpu.memory_space<hbm>>) dst(%arg5 : memref<256xi32, #tpu.memory_space<vmem>>)
      tpu.yield
    }) : () -> ()
    %dma_start3A = arith.constant 0 : i32
    %dma_start3A_3 = arith.constant 0 : i32
    %dma_start3A_4 = arith.constant 0 : i32
    %dma_start3A_5 = tpu.memref_slice %arg6[%dma_start3A, %dma_start3A_3, %dma_start3A_4] : memref<2x32x1024xf32, #tpu.memory_space<vmem>> -> memref<1x32x1024xf32, #tpu.memory_space<vmem>>
    %dma_start3A_6 = tpu.memref_squeeze %dma_start3A_5 : memref<1x32x1024xf32, #tpu.memory_space<vmem>> -> memref<32x1024xf32, #tpu.memory_space<vmem>>
    %dma_start3A_7 = arith.constant 0 : i32
    %dma_start3A_8 = tpu.memref_slice %arg5[%dma_start3A_7] : memref<256xi32, #tpu.memory_space<vmem>> -> memref<32xi32, #tpu.memory_space<vmem>>
    %dma_start3A_9 = arith.constant 0 : i32
    %dma_start3A_10 = arith.constant 0 : i32
    %dma_start3A_11 = tpu.memref_slice %arg2[%dma_start3A_9, %dma_start3A_10] : memref<30522x1024xf32, #tpu.memory_space<hbm>> -> memref<30522x1024xf32, #tpu.memory_space<hbm>>
    tpu.enqueue_indirect_dma source(%dma_start3A_11 : memref<30522x1024xf32, #tpu.memory_space<hbm>>) target(%dma_start3A_6 : memref<32x1024xf32, #tpu.memory_space<vmem>>) offsets(%dma_start3A_8 : memref<32xi32, #tpu.memory_space<vmem>>) semaphore(%arg7 : memref<!tpu.dma_semaphore, #tpu.memory_space<semaphore_mem>>)
    %dma_start3A_12 = arith.constant 1 : i32
    %dma_start3A_13 = arith.constant 0 : i32
    %dma_start3A_14 = arith.constant 0 : i32
    %dma_start3A_15 = tpu.memref_slice %arg6[%dma_start3A_12, %dma_start3A_13, %dma_start3A_14] : memref<2x32x1024xf32, #tpu.memory_space<vmem>> -> memref<1x32x1024xf32, #tpu.memory_space<vmem>>
    %dma_start3A_16 = tpu.memref_squeeze %dma_start3A_15 : memref<1x32x1024xf32, #tpu.memory_space<vmem>> -> memref<32x1024xf32, #tpu.memory_space<vmem>>
    %dma_start3A_17 = arith.constant 32 : i32
    %dma_start3A_18 = tpu.memref_slice %arg5[%dma_start3A_17] : memref<256xi32, #tpu.memory_space<vmem>> -> memref<32xi32, #tpu.memory_space<vmem>>
    %dma_start3A_19 = arith.constant 0 : i32
    %dma_start3A_20 = arith.constant 0 : i32
    %dma_start3A_21 = tpu.memref_slice %arg2[%dma_start3A_19, %dma_start3A_20] : memref<30522x1024xf32, #tpu.memory_space<hbm>> -> memref<30522x1024xf32, #tpu.memory_space<hbm>>
    tpu.enqueue_indirect_dma source(%dma_start3A_21 : memref<30522x1024xf32, #tpu.memory_space<hbm>>) target(%dma_start3A_16 : memref<32x1024xf32, #tpu.memory_space<vmem>>) offsets(%dma_start3A_18 : memref<32xi32, #tpu.memory_space<vmem>>) semaphore(%arg8 : memref<!tpu.dma_semaphore, #tpu.memory_space<semaphore_mem>>)
    %dma_wait3A = arith.constant 0 : i32
    %dma_wait3A_22 = arith.constant 0 : i32
    %dma_wait3A_23 = arith.constant 0 : i32
    %dma_wait3A_24 = tpu.memref_slice %arg6[%dma_wait3A, %dma_wait3A_22, %dma_wait3A_23] : memref<2x32x1024xf32, #tpu.memory_space<vmem>> -> memref<1x32x1024xf32, #tpu.memory_space<vmem>>
    %dma_wait3A_25 = tpu.memref_squeeze %dma_wait3A_24 : memref<1x32x1024xf32, #tpu.memory_space<vmem>> -> memref<32x1024xf32, #tpu.memory_space<vmem>>
    %dma_wait3A_26 = arith.constant 0 : i32
    %dma_wait3A_27 = tpu.memref_slice %arg5[%dma_wait3A_26] : memref<256xi32, #tpu.memory_space<vmem>> -> memref<32xi32, #tpu.memory_space<vmem>>
    %dma_wait3A_28 = arith.constant 0 : i32
    %dma_wait3A_29 = arith.constant 0 : i32
    %dma_wait3A_30 = tpu.memref_slice %arg2[%dma_wait3A_28, %dma_wait3A_29] : memref<30522x1024xf32, #tpu.memory_space<hbm>> -> memref<30522x1024xf32, #tpu.memory_space<hbm>>
    tpu.wait_indirect_dma semaphore(%arg7 : memref<!tpu.dma_semaphore, #tpu.memory_space<semaphore_mem>>) src(%dma_wait3A_30 : memref<30522x1024xf32, #tpu.memory_space<hbm>>) dst(%dma_wait3A_25 : memref<32x1024xf32, #tpu.memory_space<vmem>>)
    %add3A_31 = arith.constant 0 : i32
    %add3A_32 = arith.addi %mul3A_2, %add3A_31 : i32
    %dma_start3A_33 = arith.constant 0 : i32
    %dma_start3A_34 = arith.constant 0 : i32
    %dma_start3A_35 = arith.constant 0 : i32
    %dma_start3A_36 = tpu.memref_slice %arg6[%dma_start3A_33, %dma_start3A_34, %dma_start3A_35] : memref<2x32x1024xf32, #tpu.memory_space<vmem>> -> memref<1x32x1024xf32, #tpu.memory_space<vmem>>
    %dma_start3A_37 = tpu.memref_squeeze %dma_start3A_36 : memref<1x32x1024xf32, #tpu.memory_space<vmem>> -> memref<32x1024xf32, #tpu.memory_space<vmem>>
    %dma_start3A_38 = arith.constant 0 : i32
    %dma_start3A_39 = tpu.memref_slice %arg4[%add3A_32, %dma_start3A_38] : memref<8192x1024xf32, #tpu.memory_space<hbm>> -> memref<32x1024xf32, #tpu.memory_space<hbm>>
    %dma_start3A_40 = arith.constant 0 : i32
    %dma_start3A_41 = tpu.memref_slice %arg4[%add3A_32, %dma_start3A_40] : memref<8192x1024xf32, #tpu.memory_space<hbm>> -> memref<32x1024xf32, #tpu.memory_space<hbm>>
    %dma_start3A_42 = arith.constant 0 : i32
    %dma_start3A_43 = arith.constant 0 : i32
    %dma_start3A_44 = tpu.memref_slice %arg6[%dma_start3A_33, %dma_start3A_42, %dma_start3A_43] : memref<2x32x1024xf32, #tpu.memory_space<vmem>> -> memref<1x32x1024xf32, #tpu.memory_space<vmem>>
    %dma_start3A_45 = tpu.memref_squeeze %dma_start3A_44 : memref<1x32x1024xf32, #tpu.memory_space<vmem>> -> memref<32x1024xf32, #tpu.memory_space<vmem>>
    tpu.enqueue_dma source(%dma_start3A_45 : memref<32x1024xf32, #tpu.memory_space<vmem>>) target(%dma_start3A_41 : memref<32x1024xf32, #tpu.memory_space<hbm>>) target_semaphore(%arg9 : memref<!tpu.dma_semaphore, #tpu.memory_space<semaphore_mem>>)
    %dma_wait3A_46 = arith.constant 0 : i32
    %dma_wait3A_47 = arith.constant 0 : i32
    %dma_wait3A_48 = arith.constant 0 : i32
    %dma_wait3A_49 = tpu.memref_slice %arg6[%dma_wait3A_46, %dma_wait3A_47, %dma_wait3A_48] : memref<2x32x1024xf32, #tpu.memory_space<vmem>> -> memref<1x32x1024xf32, #tpu.memory_space<vmem>>
    %dma_wait3A_50 = tpu.memref_squeeze %dma_wait3A_49 : memref<1x32x1024xf32, #tpu.memory_space<vmem>> -> memref<32x1024xf32, #tpu.memory_space<vmem>>
    %dma_wait3A_51 = arith.constant 0 : i32
    %dma_wait3A_52 = tpu.memref_slice %arg4[%add3A_32, %dma_wait3A_51] : memref<8192x1024xf32, #tpu.memory_space<hbm>> -> memref<32x1024xf32, #tpu.memory_space<hbm>>
    %dma_wait3A_53 = arith.constant 0 : i32
    %dma_wait3A_54 = tpu.memref_slice %arg4[%add3A_32, %dma_wait3A_53] : memref<8192x1024xf32, #tpu.memory_space<hbm>> -> memref<32x1024xf32, #tpu.memory_space<hbm>>
    %dma_wait3A_55 = arith.constant 0 : i32
    %dma_wait3A_56 = arith.constant 0 : i32
    %dma_wait3A_57 = tpu.memref_slice %arg6[%dma_wait3A_46, %dma_wait3A_55, %dma_wait3A_56] : memref<2x32x1024xf32, #tpu.memory_space<vmem>> -> memref<1x32x1024xf32, #tpu.memory_space<vmem>>
    %dma_wait3A_58 = tpu.memref_squeeze %dma_wait3A_57 : memref<1x32x1024xf32, #tpu.memory_space<vmem>> -> memref<32x1024xf32, #tpu.memory_space<vmem>>
    tpu.wait_dma2 semaphore(%arg9 : memref<!tpu.dma_semaphore, #tpu.memory_space<semaphore_mem>>) src(%dma_wait3A_58 : memref<32x1024xf32, #tpu.memory_space<vmem>>) dst(%dma_wait3A_54 : memref<32x1024xf32, #tpu.memory_space<hbm>>)
    %dma_start3A_59 = arith.constant 0 : i32
    %dma_start3A_60 = arith.constant 0 : i32
    %dma_start3A_61 = arith.constant 0 : i32
    %dma_start3A_62 = tpu.memref_slice %arg6[%dma_start3A_59, %dma_start3A_60, %dma_start3A_61] : memref<2x32x1024xf32, #tpu.memory_space<vmem>> -> memref<1x32x1024xf32, #tpu.memory_space<vmem>>
    %dma_start3A_63 = tpu.memref_squeeze %dma_start3A_62 : memref<1x32x1024xf32, #tpu.memory_space<vmem>> -> memref<32x1024xf32, #tpu.memory_space<vmem>>
    %dma_start3A_64 = arith.constant 64 : i32
    %dma_start3A_65 = tpu.memref_slice %arg5[%dma_start3A_64] : memref<256xi32, #tpu.memory_space<vmem>> -> memref<32xi32, #tpu.memory_space<vmem>>
    %dma_start3A_66 = arith.constant 0 : i32
    %dma_start3A_67 = arith.constant 0 : i32
    %dma_start3A_68 = tpu.memref_slice %arg2[%dma_start3A_66, %dma_start3A_67] : memref<30522x1024xf32, #tpu.memory_space<hbm>> -> memref<30522x1024xf32, #tpu.memory_space<hbm>>
    tpu.enqueue_indirect_dma source(%dma_start3A_68 : memref<30522x1024xf32, #tpu.memory_space<hbm>>) target(%dma_start3A_63 : memref<32x1024xf32, #tpu.memory_space<vmem>>) offsets(%dma_start3A_65 : memref<32xi32, #tpu.memory_space<vmem>>) semaphore(%arg7 : memref<!tpu.dma_semaphore, #tpu.memory_space<semaphore_mem>>)
    %dma_wait3A_69 = arith.constant 1 : i32
    %dma_wait3A_70 = arith.constant 0 : i32
    %dma_wait3A_71 = arith.constant 0 : i32
    %dma_wait3A_72 = tpu.memref_slice %arg6[%dma_wait3A_69, %dma_wait3A_70, %dma_wait3A_71] : memref<2x32x1024xf32, #tpu.memory_space<vmem>> -> memref<1x32x1024xf32, #tpu.memory_space<vmem>>
    %dma_wait3A_73 = tpu.memref_squeeze %dma_wait3A_72 : memref<1x32x1024xf32, #tpu.memory_space<vmem>> -> memref<32x1024xf32, #tpu.memory_space<vmem>>
    %dma_wait3A_74 = arith.constant 32 : i32
    %dma_wait3A_75 = tpu.memref_slice %arg5[%dma_wait3A_74] : memref<256xi32, #tpu.memory_space<vmem>> -> memref<32xi32, #tpu.memory_space<vmem>>
    %dma_wait3A_76 = arith.constant 0 : i32
    %dma_wait3A_77 = arith.constant 0 : i32
    %dma_wait3A_78 = tpu.memref_slice %arg2[%dma_wait3A_76, %dma_wait3A_77] : memref<30522x1024xf32, #tpu.memory_space<hbm>> -> memref<30522x1024xf32, #tpu.memory_space<hbm>>
    tpu.wait_indirect_dma semaphore(%arg8 : memref<!tpu.dma_semaphore, #tpu.memory_space<semaphore_mem>>) src(%dma_wait3A_78 : memref<30522x1024xf32, #tpu.memory_space<hbm>>) dst(%dma_wait3A_73 : memref<32x1024xf32, #tpu.memory_space<vmem>>)
    %add3A_79 = arith.constant 32 : i32
    %add3A_80 = arith.addi %mul3A_2, %add3A_79 : i32
    %dma_start3A_81 = arith.constant 1 : i32
    %dma_start3A_82 = arith.constant 0 : i32
    %dma_start3A_83 = arith.constant 0 : i32
    %dma_start3A_84 = tpu.memref_slice %arg6[%dma_start3A_81, %dma_start3A_82, %dma_start3A_83] : memref<2x32x1024xf32, #tpu.memory_space<vmem>> -> memref<1x32x1024xf32, #tpu.memory_space<vmem>>
    %dma_start3A_85 = tpu.memref_squeeze %dma_start3A_84 : memref<1x32x1024xf32, #tpu.memory_space<vmem>> -> memref<32x1024xf32, #tpu.memory_space<vmem>>
    %dma_start3A_86 = arith.constant 0 : i32
    %dma_start3A_87 = tpu.memref_slice %arg4[%add3A_80, %dma_start3A_86] : memref<8192x1024xf32, #tpu.memory_space<hbm>> -> memref<32x1024xf32, #tpu.memory_space<hbm>>
    %dma_start3A_88 = arith.constant 0 : i32
    %dma_start3A_89 = tpu.memref_slice %arg4[%add3A_80, %dma_start3A_88] : memref<8192x1024xf32, #tpu.memory_space<hbm>> -> memref<32x1024xf32, #tpu.memory_space<hbm>>
    %dma_start3A_90 = arith.constant 0 : i32
    %dma_start3A_91 = arith.constant 0 : i32
    %dma_start3A_92 = tpu.memref_slice %arg6[%dma_start3A_81, %dma_start3A_90, %dma_start3A_91] : memref<2x32x1024xf32, #tpu.memory_space<vmem>> -> memref<1x32x1024xf32, #tpu.memory_space<vmem>>
    %dma_start3A_93 = tpu.memref_squeeze %dma_start3A_92 : memref<1x32x1024xf32, #tpu.memory_space<vmem>> -> memref<32x1024xf32, #tpu.memory_space<vmem>>
    tpu.enqueue_dma source(%dma_start3A_93 : memref<32x1024xf32, #tpu.memory_space<vmem>>) target(%dma_start3A_89 : memref<32x1024xf32, #tpu.memory_space<hbm>>) target_semaphore(%arg10 : memref<!tpu.dma_semaphore, #tpu.memory_space<semaphore_mem>>)
    %dma_wait3A_94 = arith.constant 1 : i32
    %dma_wait3A_95 = arith.constant 0 : i32
    %dma_wait3A_96 = arith.constant 0 : i32
    %dma_wait3A_97 = tpu.memref_slice %arg6[%dma_wait3A_94, %dma_wait3A_95, %dma_wait3A_96] : memref<2x32x1024xf32, #tpu.memory_space<vmem>> -> memref<1x32x1024xf32, #tpu.memory_space<vmem>>
    %dma_wait3A_98 = tpu.memref_squeeze %dma_wait3A_97 : memref<1x32x1024xf32, #tpu.memory_space<vmem>> -> memref<32x1024xf32, #tpu.memory_space<vmem>>
    %dma_wait3A_99 = arith.constant 0 : i32
    %dma_wait3A_100 = tpu.memref_slice %arg4[%add3A_80, %dma_wait3A_99] : memref<8192x1024xf32, #tpu.memory_space<hbm>> -> memref<32x1024xf32, #tpu.memory_space<hbm>>
    %dma_wait3A_101 = arith.constant 0 : i32
    %dma_wait3A_102 = tpu.memref_slice %arg4[%add3A_80, %dma_wait3A_101] : memref<8192x1024xf32, #tpu.memory_space<hbm>> -> memref<32x1024xf32, #tpu.memory_space<hbm>>
    %dma_wait3A_103 = arith.constant 0 : i32
    %dma_wait3A_104 = arith.constant 0 : i32
    %dma_wait3A_105 = tpu.memref_slice %arg6[%dma_wait3A_94, %dma_wait3A_103, %dma_wait3A_104] : memref<2x32x1024xf32, #tpu.memory_space<vmem>> -> memref<1x32x1024xf32, #tpu.memory_space<vmem>>
    %dma_wait3A_106 = tpu.memref_squeeze %dma_wait3A_105 : memref<1x32x1024xf32, #tpu.memory_space<vmem>> -> memref<32x1024xf32, #tpu.memory_space<vmem>>
    tpu.wait_dma2 semaphore(%arg10 : memref<!tpu.dma_semaphore, #tpu.memory_space<semaphore_mem>>) src(%dma_wait3A_106 : memref<32x1024xf32, #tpu.memory_space<vmem>>) dst(%dma_wait3A_102 : memref<32x1024xf32, #tpu.memory_space<hbm>>)
    %dma_start3A_107 = arith.constant 1 : i32
    %dma_start3A_108 = arith.constant 0 : i32
    %dma_start3A_109 = arith.constant 0 : i32
    %dma_start3A_110 = tpu.memref_slice %arg6[%dma_start3A_107, %dma_start3A_108, %dma_start3A_109] : memref<2x32x1024xf32, #tpu.memory_space<vmem>> -> memref<1x32x1024xf32, #tpu.memory_space<vmem>>
    %dma_start3A_111 = tpu.memref_squeeze %dma_start3A_110 : memref<1x32x1024xf32, #tpu.memory_space<vmem>> -> memref<32x1024xf32, #tpu.memory_space<vmem>>
    %dma_start3A_112 = arith.constant 96 : i32
    %dma_start3A_113 = tpu.memref_slice %arg5[%dma_start3A_112] : memref<256xi32, #tpu.memory_space<vmem>> -> memref<32xi32, #tpu.memory_space<vmem>>
    %dma_start3A_114 = arith.constant 0 : i32
    %dma_start3A_115 = arith.constant 0 : i32
    %dma_start3A_116 = tpu.memref_slice %arg2[%dma_start3A_114, %dma_start3A_115] : memref<30522x1024xf32, #tpu.memory_space<hbm>> -> memref<30522x1024xf32, #tpu.memory_space<hbm>>
    tpu.enqueue_indirect_dma source(%dma_start3A_116 : memref<30522x1024xf32, #tpu.memory_space<hbm>>) target(%dma_start3A_111 : memref<32x1024xf32, #tpu.memory_space<vmem>>) offsets(%dma_start3A_113 : memref<32xi32, #tpu.memory_space<vmem>>) semaphore(%arg8 : memref<!tpu.dma_semaphore, #tpu.memory_space<semaphore_mem>>)
    %dma_wait3A_117 = arith.constant 0 : i32
    %dma_wait3A_118 = arith.constant 0 : i32
    %dma_wait3A_119 = arith.constant 0 : i32
    %dma_wait3A_120 = tpu.memref_slice %arg6[%dma_wait3A_117, %dma_wait3A_118, %dma_wait3A_119] : memref<2x32x1024xf32, #tpu.memory_space<vmem>> -> memref<1x32x1024xf32, #tpu.memory_space<vmem>>
    %dma_wait3A_121 = tpu.memref_squeeze %dma_wait3A_120 : memref<1x32x1024xf32, #tpu.memory_space<vmem>> -> memref<32x1024xf32, #tpu.memory_space<vmem>>
    %dma_wait3A_122 = arith.constant 64 : i32
    %dma_wait3A_123 = tpu.memref_slice %arg5[%dma_wait3A_122] : memref<256xi32, #tpu.memory_space<vmem>> -> memref<32xi32, #tpu.memory_space<vmem>>
    %dma_wait3A_124 = arith.constant 0 : i32
    %dma_wait3A_125 = arith.constant 0 : i32
    %dma_wait3A_126 = tpu.memref_slice %arg2[%dma_wait3A_124, %dma_wait3A_125] : memref<30522x1024xf32, #tpu.memory_space<hbm>> -> memref<30522x1024xf32, #tpu.memory_space<hbm>>
    tpu.wait_indirect_dma semaphore(%arg7 : memref<!tpu.dma_semaphore, #tpu.memory_space<semaphore_mem>>) src(%dma_wait3A_126 : memref<30522x1024xf32, #tpu.memory_space<hbm>>) dst(%dma_wait3A_121 : memref<32x1024xf32, #tpu.memory_space<vmem>>)
    %add3A_127 = arith.constant 64 : i32
    %add3A_128 = arith.addi %mul3A_2, %add3A_127 : i32
    %dma_start3A_129 = arith.constant 0 : i32
    %dma_start3A_130 = arith.constant 0 : i32
    %dma_start3A_131 = arith.constant 0 : i32
    %dma_start3A_132 = tpu.memref_slice %arg6[%dma_start3A_129, %dma_start3A_130, %dma_start3A_131] : memref<2x32x1024xf32, #tpu.memory_space<vmem>> -> memref<1x32x1024xf32, #tpu.memory_space<vmem>>
    %dma_start3A_133 = tpu.memref_squeeze %dma_start3A_132 : memref<1x32x1024xf32, #tpu.memory_space<vmem>> -> memref<32x1024xf32, #tpu.memory_space<vmem>>
    %dma_start3A_134 = arith.constant 0 : i32
    %dma_start3A_135 = tpu.memref_slice %arg4[%add3A_128, %dma_start3A_134] : memref<8192x1024xf32, #tpu.memory_space<hbm>> -> memref<32x1024xf32, #tpu.memory_space<hbm>>
    %dma_start3A_136 = arith.constant 0 : i32
    %dma_start3A_137 = tpu.memref_slice %arg4[%add3A_128, %dma_start3A_136] : memref<8192x1024xf32, #tpu.memory_space<hbm>> -> memref<32x1024xf32, #tpu.memory_space<hbm>>
    %dma_start3A_138 = arith.constant 0 : i32
    %dma_start3A_139 = arith.constant 0 : i32
    %dma_start3A_140 = tpu.memref_slice %arg6[%dma_start3A_129, %dma_start3A_138, %dma_start3A_139] : memref<2x32x1024xf32, #tpu.memory_space<vmem>> -> memref<1x32x1024xf32, #tpu.memory_space<vmem>>
    %dma_start3A_141 = tpu.memref_squeeze %dma_start3A_140 : memref<1x32x1024xf32, #tpu.memory_space<vmem>> -> memref<32x1024xf32, #tpu.memory_space<vmem>>
    tpu.enqueue_dma source(%dma_start3A_141 : memref<32x1024xf32, #tpu.memory_space<vmem>>) target(%dma_start3A_137 : memref<32x1024xf32, #tpu.memory_space<hbm>>) target_semaphore(%arg9 : memref<!tpu.dma_semaphore, #tpu.memory_space<semaphore_mem>>)
    %dma_wait3A_142 = arith.constant 0 : i32
    %dma_wait3A_143 = arith.constant 0 : i32
    %dma_wait3A_144 = arith.constant 0 : i32
    %dma_wait3A_145 = tpu.memref_slice %arg6[%dma_wait3A_142, %dma_wait3A_143, %dma_wait3A_144] : memref<2x32x1024xf32, #tpu.memory_space<vmem>> -> memref<1x32x1024xf32, #tpu.memory_space<vmem>>
    %dma_wait3A_146 = tpu.memref_squeeze %dma_wait3A_145 : memref<1x32x1024xf32, #tpu.memory_space<vmem>> -> memref<32x1024xf32, #tpu.memory_space<vmem>>
    %dma_wait3A_147 = arith.constant 0 : i32
    %dma_wait3A_148 = tpu.memref_slice %arg4[%add3A_128, %dma_wait3A_147] : memref<8192x1024xf32, #tpu.memory_space<hbm>> -> memref<32x1024xf32, #tpu.memory_space<hbm>>
    %dma_wait3A_149 = arith.constant 0 : i32
    %dma_wait3A_150 = tpu.memref_slice %arg4[%add3A_128, %dma_wait3A_149] : memref<8192x1024xf32, #tpu.memory_space<hbm>> -> memref<32x1024xf32, #tpu.memory_space<hbm>>
    %dma_wait3A_151 = arith.constant 0 : i32
    %dma_wait3A_152 = arith.constant 0 : i32
    %dma_wait3A_153 = tpu.memref_slice %arg6[%dma_wait3A_142, %dma_wait3A_151, %dma_wait3A_152] : memref<2x32x1024xf32, #tpu.memory_space<vmem>> -> memref<1x32x1024xf32, #tpu.memory_space<vmem>>
    %dma_wait3A_154 = tpu.memref_squeeze %dma_wait3A_153 : memref<1x32x1024xf32, #tpu.memory_space<vmem>> -> memref<32x1024xf32, #tpu.memory_space<vmem>>
    tpu.wait_dma2 semaphore(%arg9 : memref<!tpu.dma_semaphore, #tpu.memory_space<semaphore_mem>>) src(%dma_wait3A_154 : memref<32x1024xf32, #tpu.memory_space<vmem>>) dst(%dma_wait3A_150 : memref<32x1024xf32, #tpu.memory_space<hbm>>)
    %dma_start3A_155 = arith.constant 0 : i32
    %dma_start3A_156 = arith.constant 0 : i32
    %dma_start3A_157 = arith.constant 0 : i32
    %dma_start3A_158 = tpu.memref_slice %arg6[%dma_start3A_155, %dma_start3A_156, %dma_start3A_157] : memref<2x32x1024xf32, #tpu.memory_space<vmem>> -> memref<1x32x1024xf32, #tpu.memory_space<vmem>>
    %dma_start3A_159 = tpu.memref_squeeze %dma_start3A_158 : memref<1x32x1024xf32, #tpu.memory_space<vmem>> -> memref<32x1024xf32, #tpu.memory_space<vmem>>
    %dma_start3A_160 = arith.constant 128 : i32
    %dma_start3A_161 = tpu.memref_slice %arg5[%dma_start3A_160] : memref<256xi32, #tpu.memory_space<vmem>> -> memref<32xi32, #tpu.memory_space<vmem>>
    %dma_start3A_162 = arith.constant 0 : i32
    %dma_start3A_163 = arith.constant 0 : i32
    %dma_start3A_164 = tpu.memref_slice %arg2[%dma_start3A_162, %dma_start3A_163] : memref<30522x1024xf32, #tpu.memory_space<hbm>> -> memref<30522x1024xf32, #tpu.memory_space<hbm>>
    tpu.enqueue_indirect_dma source(%dma_start3A_164 : memref<30522x1024xf32, #tpu.memory_space<hbm>>) target(%dma_start3A_159 : memref<32x1024xf32, #tpu.memory_space<vmem>>) offsets(%dma_start3A_161 : memref<32xi32, #tpu.memory_space<vmem>>) semaphore(%arg7 : memref<!tpu.dma_semaphore, #tpu.memory_space<semaphore_mem>>)
    %dma_wait3A_165 = arith.constant 1 : i32
    %dma_wait3A_166 = arith.constant 0 : i32
    %dma_wait3A_167 = arith.constant 0 : i32
    %dma_wait3A_168 = tpu.memref_slice %arg6[%dma_wait3A_165, %dma_wait3A_166, %dma_wait3A_167] : memref<2x32x1024xf32, #tpu.memory_space<vmem>> -> memref<1x32x1024xf32, #tpu.memory_space<vmem>>
    %dma_wait3A_169 = tpu.memref_squeeze %dma_wait3A_168 : memref<1x32x1024xf32, #tpu.memory_space<vmem>> -> memref<32x1024xf32, #tpu.memory_space<vmem>>
    %dma_wait3A_170 = arith.constant 96 : i32
    %dma_wait3A_171 = tpu.memref_slice %arg5[%dma_wait3A_170] : memref<256xi32, #tpu.memory_space<vmem>> -> memref<32xi32, #tpu.memory_space<vmem>>
    %dma_wait3A_172 = arith.constant 0 : i32
    %dma_wait3A_173 = arith.constant 0 : i32
    %dma_wait3A_174 = tpu.memref_slice %arg2[%dma_wait3A_172, %dma_wait3A_173] : memref<30522x1024xf32, #tpu.memory_space<hbm>> -> memref<30522x1024xf32, #tpu.memory_space<hbm>>
    tpu.wait_indirect_dma semaphore(%arg8 : memref<!tpu.dma_semaphore, #tpu.memory_space<semaphore_mem>>) src(%dma_wait3A_174 : memref<30522x1024xf32, #tpu.memory_space<hbm>>) dst(%dma_wait3A_169 : memref<32x1024xf32, #tpu.memory_space<vmem>>)
    %add3A_175 = arith.constant 96 : i32
    %add3A_176 = arith.addi %mul3A_2, %add3A_175 : i32
    %dma_start3A_177 = arith.constant 1 : i32
    %dma_start3A_178 = arith.constant 0 : i32
    %dma_start3A_179 = arith.constant 0 : i32
    %dma_start3A_180 = tpu.memref_slice %arg6[%dma_start3A_177, %dma_start3A_178, %dma_start3A_179] : memref<2x32x1024xf32, #tpu.memory_space<vmem>> -> memref<1x32x1024xf32, #tpu.memory_space<vmem>>
    %dma_start3A_181 = tpu.memref_squeeze %dma_start3A_180 : memref<1x32x1024xf32, #tpu.memory_space<vmem>> -> memref<32x1024xf32, #tpu.memory_space<vmem>>
    %dma_start3A_182 = arith.constant 0 : i32
    %dma_start3A_183 = tpu.memref_slice %arg4[%add3A_176, %dma_start3A_182] : memref<8192x1024xf32, #tpu.memory_space<hbm>> -> memref<32x1024xf32, #tpu.memory_space<hbm>>
    %dma_start3A_184 = arith.constant 0 : i32
    %dma_start3A_185 = tpu.memref_slice %arg4[%add3A_176, %dma_start3A_184] : memref<8192x1024xf32, #tpu.memory_space<hbm>> -> memref<32x1024xf32, #tpu.memory_space<hbm>>
    %dma_start3A_186 = arith.constant 0 : i32
    %dma_start3A_187 = arith.constant 0 : i32
    %dma_start3A_188 = tpu.memref_slice %arg6[%dma_start3A_177, %dma_start3A_186, %dma_start3A_187] : memref<2x32x1024xf32, #tpu.memory_space<vmem>> -> memref<1x32x1024xf32, #tpu.memory_space<vmem>>
    %dma_start3A_189 = tpu.memref_squeeze %dma_start3A_188 : memref<1x32x1024xf32, #tpu.memory_space<vmem>> -> memref<32x1024xf32, #tpu.memory_space<vmem>>
    tpu.enqueue_dma source(%dma_start3A_189 : memref<32x1024xf32, #tpu.memory_space<vmem>>) target(%dma_start3A_185 : memref<32x1024xf32, #tpu.memory_space<hbm>>) target_semaphore(%arg10 : memref<!tpu.dma_semaphore, #tpu.memory_space<semaphore_mem>>)
    %dma_wait3A_190 = arith.constant 1 : i32
    %dma_wait3A_191 = arith.constant 0 : i32
    %dma_wait3A_192 = arith.constant 0 : i32
    %dma_wait3A_193 = tpu.memref_slice %arg6[%dma_wait3A_190, %dma_wait3A_191, %dma_wait3A_192] : memref<2x32x1024xf32, #tpu.memory_space<vmem>> -> memref<1x32x1024xf32, #tpu.memory_space<vmem>>
    %dma_wait3A_194 = tpu.memref_squeeze %dma_wait3A_193 : memref<1x32x1024xf32, #tpu.memory_space<vmem>> -> memref<32x1024xf32, #tpu.memory_space<vmem>>
    %dma_wait3A_195 = arith.constant 0 : i32
    %dma_wait3A_196 = tpu.memref_slice %arg4[%add3A_176, %dma_wait3A_195] : memref<8192x1024xf32, #tpu.memory_space<hbm>> -> memref<32x1024xf32, #tpu.memory_space<hbm>>
    %dma_wait3A_197 = arith.constant 0 : i32
    %dma_wait3A_198 = tpu.memref_slice %arg4[%add3A_176, %dma_wait3A_197] : memref<8192x1024xf32, #tpu.memory_space<hbm>> -> memref<32x1024xf32, #tpu.memory_space<hbm>>
    %dma_wait3A_199 = arith.constant 0 : i32
    %dma_wait3A_200 = arith.constant 0 : i32
    %dma_wait3A_201 = tpu.memref_slice %arg6[%dma_wait3A_190, %dma_wait3A_199, %dma_wait3A_200] : memref<2x32x1024xf32, #tpu.memory_space<vmem>> -> memref<1x32x1024xf32, #tpu.memory_space<vmem>>
    %dma_wait3A_202 = tpu.memref_squeeze %dma_wait3A_201 : memref<1x32x1024xf32, #tpu.memory_space<vmem>> -> memref<32x1024xf32, #tpu.memory_space<vmem>>
    tpu.wait_dma2 semaphore(%arg10 : memref<!tpu.dma_semaphore, #tpu.memory_space<semaphore_mem>>) src(%dma_wait3A_202 : memref<32x1024xf32, #tpu.memory_space<vmem>>) dst(%dma_wait3A_198 : memref<32x1024xf32, #tpu.memory_space<hbm>>)
    %dma_start3A_203 = arith.constant 1 : i32
    %dma_start3A_204 = arith.constant 0 : i32
    %dma_start3A_205 = arith.constant 0 : i32
    %dma_start3A_206 = tpu.memref_slice %arg6[%dma_start3A_203, %dma_start3A_204, %dma_start3A_205] : memref<2x32x1024xf32, #tpu.memory_space<vmem>> -> memref<1x32x1024xf32, #tpu.memory_space<vmem>>
    %dma_start3A_207 = tpu.memref_squeeze %dma_start3A_206 : memref<1x32x1024xf32, #tpu.memory_space<vmem>> -> memref<32x1024xf32, #tpu.memory_space<vmem>>
    %dma_start3A_208 = arith.constant 160 : i32
    %dma_start3A_209 = tpu.memref_slice %arg5[%dma_start3A_208] : memref<256xi32, #tpu.memory_space<vmem>> -> memref<32xi32, #tpu.memory_space<vmem>>
    %dma_start3A_210 = arith.constant 0 : i32
    %dma_start3A_211 = arith.constant 0 : i32
    %dma_start3A_212 = tpu.memref_slice %arg2[%dma_start3A_210, %dma_start3A_211] : memref<30522x1024xf32, #tpu.memory_space<hbm>> -> memref<30522x1024xf32, #tpu.memory_space<hbm>>
    tpu.enqueue_indirect_dma source(%dma_start3A_212 : memref<30522x1024xf32, #tpu.memory_space<hbm>>) target(%dma_start3A_207 : memref<32x1024xf32, #tpu.memory_space<vmem>>) offsets(%dma_start3A_209 : memref<32xi32, #tpu.memory_space<vmem>>) semaphore(%arg8 : memref<!tpu.dma_semaphore, #tpu.memory_space<semaphore_mem>>)
    %dma_wait3A_213 = arith.constant 0 : i32
    %dma_wait3A_214 = arith.constant 0 : i32
    %dma_wait3A_215 = arith.constant 0 : i32
    %dma_wait3A_216 = tpu.memref_slice %arg6[%dma_wait3A_213, %dma_wait3A_214, %dma_wait3A_215] : memref<2x32x1024xf32, #tpu.memory_space<vmem>> -> memref<1x32x1024xf32, #tpu.memory_space<vmem>>
    %dma_wait3A_217 = tpu.memref_squeeze %dma_wait3A_216 : memref<1x32x1024xf32, #tpu.memory_space<vmem>> -> memref<32x1024xf32, #tpu.memory_space<vmem>>
    %dma_wait3A_218 = arith.constant 128 : i32
    %dma_wait3A_219 = tpu.memref_slice %arg5[%dma_wait3A_218] : memref<256xi32, #tpu.memory_space<vmem>> -> memref<32xi32, #tpu.memory_space<vmem>>
    %dma_wait3A_220 = arith.constant 0 : i32
    %dma_wait3A_221 = arith.constant 0 : i32
    %dma_wait3A_222 = tpu.memref_slice %arg2[%dma_wait3A_220, %dma_wait3A_221] : memref<30522x1024xf32, #tpu.memory_space<hbm>> -> memref<30522x1024xf32, #tpu.memory_space<hbm>>
    tpu.wait_indirect_dma semaphore(%arg7 : memref<!tpu.dma_semaphore, #tpu.memory_space<semaphore_mem>>) src(%dma_wait3A_222 : memref<30522x1024xf32, #tpu.memory_space<hbm>>) dst(%dma_wait3A_217 : memref<32x1024xf32, #tpu.memory_space<vmem>>)
    %add3A_223 = arith.constant 128 : i32
    %add3A_224 = arith.addi %mul3A_2, %add3A_223 : i32
    %dma_start3A_225 = arith.constant 0 : i32
    %dma_start3A_226 = arith.constant 0 : i32
    %dma_start3A_227 = arith.constant 0 : i32
    %dma_start3A_228 = tpu.memref_slice %arg6[%dma_start3A_225, %dma_start3A_226, %dma_start3A_227] : memref<2x32x1024xf32, #tpu.memory_space<vmem>> -> memref<1x32x1024xf32, #tpu.memory_space<vmem>>
    %dma_start3A_229 = tpu.memref_squeeze %dma_start3A_228 : memref<1x32x1024xf32, #tpu.memory_space<vmem>> -> memref<32x1024xf32, #tpu.memory_space<vmem>>
    %dma_start3A_230 = arith.constant 0 : i32
    %dma_start3A_231 = tpu.memref_slice %arg4[%add3A_224, %dma_start3A_230] : memref<8192x1024xf32, #tpu.memory_space<hbm>> -> memref<32x1024xf32, #tpu.memory_space<hbm>>
    %dma_start3A_232 = arith.constant 0 : i32
    %dma_start3A_233 = tpu.memref_slice %arg4[%add3A_224, %dma_start3A_232] : memref<8192x1024xf32, #tpu.memory_space<hbm>> -> memref<32x1024xf32, #tpu.memory_space<hbm>>
    %dma_start3A_234 = arith.constant 0 : i32
    %dma_start3A_235 = arith.constant 0 : i32
    %dma_start3A_236 = tpu.memref_slice %arg6[%dma_start3A_225, %dma_start3A_234, %dma_start3A_235] : memref<2x32x1024xf32, #tpu.memory_space<vmem>> -> memref<1x32x1024xf32, #tpu.memory_space<vmem>>
    %dma_start3A_237 = tpu.memref_squeeze %dma_start3A_236 : memref<1x32x1024xf32, #tpu.memory_space<vmem>> -> memref<32x1024xf32, #tpu.memory_space<vmem>>
    tpu.enqueue_dma source(%dma_start3A_237 : memref<32x1024xf32, #tpu.memory_space<vmem>>) target(%dma_start3A_233 : memref<32x1024xf32, #tpu.memory_space<hbm>>) target_semaphore(%arg9 : memref<!tpu.dma_semaphore, #tpu.memory_space<semaphore_mem>>)
    %dma_wait3A_238 = arith.constant 0 : i32
    %dma_wait3A_239 = arith.constant 0 : i32
    %dma_wait3A_240 = arith.constant 0 : i32
    %dma_wait3A_241 = tpu.memref_slice %arg6[%dma_wait3A_238, %dma_wait3A_239, %dma_wait3A_240] : memref<2x32x1024xf32, #tpu.memory_space<vmem>> -> memref<1x32x1024xf32, #tpu.memory_space<vmem>>
    %dma_wait3A_242 = tpu.memref_squeeze %dma_wait3A_241 : memref<1x32x1024xf32, #tpu.memory_space<vmem>> -> memref<32x1024xf32, #tpu.memory_space<vmem>>
    %dma_wait3A_243 = arith.constant 0 : i32
    %dma_wait3A_244 = tpu.memref_slice %arg4[%add3A_224, %dma_wait3A_243] : memref<8192x1024xf32, #tpu.memory_space<hbm>> -> memref<32x1024xf32, #tpu.memory_space<hbm>>
    %dma_wait3A_245 = arith.constant 0 : i32
    %dma_wait3A_246 = tpu.memref_slice %arg4[%add3A_224, %dma_wait3A_245] : memref<8192x1024xf32, #tpu.memory_space<hbm>> -> memref<32x1024xf32, #tpu.memory_space<hbm>>
    %dma_wait3A_247 = arith.constant 0 : i32
    %dma_wait3A_248 = arith.constant 0 : i32
    %dma_wait3A_249 = tpu.memref_slice %arg6[%dma_wait3A_238, %dma_wait3A_247, %dma_wait3A_248] : memref<2x32x1024xf32, #tpu.memory_space<vmem>> -> memref<1x32x1024xf32, #tpu.memory_space<vmem>>
    %dma_wait3A_250 = tpu.memref_squeeze %dma_wait3A_249 : memref<1x32x1024xf32, #tpu.memory_space<vmem>> -> memref<32x1024xf32, #tpu.memory_space<vmem>>
    tpu.wait_dma2 semaphore(%arg9 : memref<!tpu.dma_semaphore, #tpu.memory_space<semaphore_mem>>) src(%dma_wait3A_250 : memref<32x1024xf32, #tpu.memory_space<vmem>>) dst(%dma_wait3A_246 : memref<32x1024xf32, #tpu.memory_space<hbm>>)
    %dma_start3A_251 = arith.constant 0 : i32
    %dma_start3A_252 = arith.constant 0 : i32
    %dma_start3A_253 = arith.constant 0 : i32
    %dma_start3A_254 = tpu.memref_slice %arg6[%dma_start3A_251, %dma_start3A_252, %dma_start3A_253] : memref<2x32x1024xf32, #tpu.memory_space<vmem>> -> memref<1x32x1024xf32, #tpu.memory_space<vmem>>
    %dma_start3A_255 = tpu.memref_squeeze %dma_start3A_254 : memref<1x32x1024xf32, #tpu.memory_space<vmem>> -> memref<32x1024xf32, #tpu.memory_space<vmem>>
    %dma_start3A_256 = arith.constant 192 : i32
    %dma_start3A_257 = tpu.memref_slice %arg5[%dma_start3A_256] : memref<256xi32, #tpu.memory_space<vmem>> -> memref<32xi32, #tpu.memory_space<vmem>>
    %dma_start3A_258 = arith.constant 0 : i32
    %dma_start3A_259 = arith.constant 0 : i32
    %dma_start3A_260 = tpu.memref_slice %arg2[%dma_start3A_258, %dma_start3A_259] : memref<30522x1024xf32, #tpu.memory_space<hbm>> -> memref<30522x1024xf32, #tpu.memory_space<hbm>>
    tpu.enqueue_indirect_dma source(%dma_start3A_260 : memref<30522x1024xf32, #tpu.memory_space<hbm>>) target(%dma_start3A_255 : memref<32x1024xf32, #tpu.memory_space<vmem>>) offsets(%dma_start3A_257 : memref<32xi32, #tpu.memory_space<vmem>>) semaphore(%arg7 : memref<!tpu.dma_semaphore, #tpu.memory_space<semaphore_mem>>)
    %dma_wait3A_261 = arith.constant 1 : i32
    %dma_wait3A_262 = arith.constant 0 : i32
    %dma_wait3A_263 = arith.constant 0 : i32
    %dma_wait3A_264 = tpu.memref_slice %arg6[%dma_wait3A_261, %dma_wait3A_262, %dma_wait3A_263] : memref<2x32x1024xf32, #tpu.memory_space<vmem>> -> memref<1x32x1024xf32, #tpu.memory_space<vmem>>
    %dma_wait3A_265 = tpu.memref_squeeze %dma_wait3A_264 : memref<1x32x1024xf32, #tpu.memory_space<vmem>> -> memref<32x1024xf32, #tpu.memory_space<vmem>>
    %dma_wait3A_266 = arith.constant 160 : i32
    %dma_wait3A_267 = tpu.memref_slice %arg5[%dma_wait3A_266] : memref<256xi32, #tpu.memory_space<vmem>> -> memref<32xi32, #tpu.memory_space<vmem>>
    %dma_wait3A_268 = arith.constant 0 : i32
    %dma_wait3A_269 = arith.constant 0 : i32
    %dma_wait3A_270 = tpu.memref_slice %arg2[%dma_wait3A_268, %dma_wait3A_269] : memref<30522x1024xf32, #tpu.memory_space<hbm>> -> memref<30522x1024xf32, #tpu.memory_space<hbm>>
    tpu.wait_indirect_dma semaphore(%arg8 : memref<!tpu.dma_semaphore, #tpu.memory_space<semaphore_mem>>) src(%dma_wait3A_270 : memref<30522x1024xf32, #tpu.memory_space<hbm>>) dst(%dma_wait3A_265 : memref<32x1024xf32, #tpu.memory_space<vmem>>)
    %add3A_271 = arith.constant 160 : i32
    %add3A_272 = arith.addi %mul3A_2, %add3A_271 : i32
    %dma_start3A_273 = arith.constant 1 : i32
    %dma_start3A_274 = arith.constant 0 : i32
    %dma_start3A_275 = arith.constant 0 : i32
    %dma_start3A_276 = tpu.memref_slice %arg6[%dma_start3A_273, %dma_start3A_274, %dma_start3A_275] : memref<2x32x1024xf32, #tpu.memory_space<vmem>> -> memref<1x32x1024xf32, #tpu.memory_space<vmem>>
    %dma_start3A_277 = tpu.memref_squeeze %dma_start3A_276 : memref<1x32x1024xf32, #tpu.memory_space<vmem>> -> memref<32x1024xf32, #tpu.memory_space<vmem>>
    %dma_start3A_278 = arith.constant 0 : i32
    %dma_start3A_279 = tpu.memref_slice %arg4[%add3A_272, %dma_start3A_278] : memref<8192x1024xf32, #tpu.memory_space<hbm>> -> memref<32x1024xf32, #tpu.memory_space<hbm>>
    %dma_start3A_280 = arith.constant 0 : i32
    %dma_start3A_281 = tpu.memref_slice %arg4[%add3A_272, %dma_start3A_280] : memref<8192x1024xf32, #tpu.memory_space<hbm>> -> memref<32x1024xf32, #tpu.memory_space<hbm>>
    %dma_start3A_282 = arith.constant 0 : i32
    %dma_start3A_283 = arith.constant 0 : i32
    %dma_start3A_284 = tpu.memref_slice %arg6[%dma_start3A_273, %dma_start3A_282, %dma_start3A_283] : memref<2x32x1024xf32, #tpu.memory_space<vmem>> -> memref<1x32x1024xf32, #tpu.memory_space<vmem>>
    %dma_start3A_285 = tpu.memref_squeeze %dma_start3A_284 : memref<1x32x1024xf32, #tpu.memory_space<vmem>> -> memref<32x1024xf32, #tpu.memory_space<vmem>>
    tpu.enqueue_dma source(%dma_start3A_285 : memref<32x1024xf32, #tpu.memory_space<vmem>>) target(%dma_start3A_281 : memref<32x1024xf32, #tpu.memory_space<hbm>>) target_semaphore(%arg10 : memref<!tpu.dma_semaphore, #tpu.memory_space<semaphore_mem>>)
    %dma_wait3A_286 = arith.constant 1 : i32
    %dma_wait3A_287 = arith.constant 0 : i32
    %dma_wait3A_288 = arith.constant 0 : i32
    %dma_wait3A_289 = tpu.memref_slice %arg6[%dma_wait3A_286, %dma_wait3A_287, %dma_wait3A_288] : memref<2x32x1024xf32, #tpu.memory_space<vmem>> -> memref<1x32x1024xf32, #tpu.memory_space<vmem>>
    %dma_wait3A_290 = tpu.memref_squeeze %dma_wait3A_289 : memref<1x32x1024xf32, #tpu.memory_space<vmem>> -> memref<32x1024xf32, #tpu.memory_space<vmem>>
    %dma_wait3A_291 = arith.constant 0 : i32
    %dma_wait3A_292 = tpu.memref_slice %arg4[%add3A_272, %dma_wait3A_291] : memref<8192x1024xf32, #tpu.memory_space<hbm>> -> memref<32x1024xf32, #tpu.memory_space<hbm>>
    %dma_wait3A_293 = arith.constant 0 : i32
    %dma_wait3A_294 = tpu.memref_slice %arg4[%add3A_272, %dma_wait3A_293] : memref<8192x1024xf32, #tpu.memory_space<hbm>> -> memref<32x1024xf32, #tpu.memory_space<hbm>>
    %dma_wait3A_295 = arith.constant 0 : i32
    %dma_wait3A_296 = arith.constant 0 : i32
    %dma_wait3A_297 = tpu.memref_slice %arg6[%dma_wait3A_286, %dma_wait3A_295, %dma_wait3A_296] : memref<2x32x1024xf32, #tpu.memory_space<vmem>> -> memref<1x32x1024xf32, #tpu.memory_space<vmem>>
    %dma_wait3A_298 = tpu.memref_squeeze %dma_wait3A_297 : memref<1x32x1024xf32, #tpu.memory_space<vmem>> -> memref<32x1024xf32, #tpu.memory_space<vmem>>
    tpu.wait_dma2 semaphore(%arg10 : memref<!tpu.dma_semaphore, #tpu.memory_space<semaphore_mem>>) src(%dma_wait3A_298 : memref<32x1024xf32, #tpu.memory_space<vmem>>) dst(%dma_wait3A_294 : memref<32x1024xf32, #tpu.memory_space<hbm>>)
    %dma_start3A_299 = arith.constant 1 : i32
    %dma_start3A_300 = arith.constant 0 : i32
    %dma_start3A_301 = arith.constant 0 : i32
    %dma_start3A_302 = tpu.memref_slice %arg6[%dma_start3A_299, %dma_start3A_300, %dma_start3A_301] : memref<2x32x1024xf32, #tpu.memory_space<vmem>> -> memref<1x32x1024xf32, #tpu.memory_space<vmem>>
    %dma_start3A_303 = tpu.memref_squeeze %dma_start3A_302 : memref<1x32x1024xf32, #tpu.memory_space<vmem>> -> memref<32x1024xf32, #tpu.memory_space<vmem>>
    %dma_start3A_304 = arith.constant 224 : i32
    %dma_start3A_305 = tpu.memref_slice %arg5[%dma_start3A_304] : memref<256xi32, #tpu.memory_space<vmem>> -> memref<32xi32, #tpu.memory_space<vmem>>
    %dma_start3A_306 = arith.constant 0 : i32
    %dma_start3A_307 = arith.constant 0 : i32
    %dma_start3A_308 = tpu.memref_slice %arg2[%dma_start3A_306, %dma_start3A_307] : memref<30522x1024xf32, #tpu.memory_space<hbm>> -> memref<30522x1024xf32, #tpu.memory_space<hbm>>
    tpu.enqueue_indirect_dma source(%dma_start3A_308 : memref<30522x1024xf32, #tpu.memory_space<hbm>>) target(%dma_start3A_303 : memref<32x1024xf32, #tpu.memory_space<vmem>>) offsets(%dma_start3A_305 : memref<32xi32, #tpu.memory_space<vmem>>) semaphore(%arg8 : memref<!tpu.dma_semaphore, #tpu.memory_space<semaphore_mem>>)
    %dma_wait3A_309 = arith.constant 0 : i32
    %dma_wait3A_310 = arith.constant 0 : i32
    %dma_wait3A_311 = arith.constant 0 : i32
    %dma_wait3A_312 = tpu.memref_slice %arg6[%dma_wait3A_309, %dma_wait3A_310, %dma_wait3A_311] : memref<2x32x1024xf32, #tpu.memory_space<vmem>> -> memref<1x32x1024xf32, #tpu.memory_space<vmem>>
    %dma_wait3A_313 = tpu.memref_squeeze %dma_wait3A_312 : memref<1x32x1024xf32, #tpu.memory_space<vmem>> -> memref<32x1024xf32, #tpu.memory_space<vmem>>
    %dma_wait3A_314 = arith.constant 192 : i32
    %dma_wait3A_315 = tpu.memref_slice %arg5[%dma_wait3A_314] : memref<256xi32, #tpu.memory_space<vmem>> -> memref<32xi32, #tpu.memory_space<vmem>>
    %dma_wait3A_316 = arith.constant 0 : i32
    %dma_wait3A_317 = arith.constant 0 : i32
    %dma_wait3A_318 = tpu.memref_slice %arg2[%dma_wait3A_316, %dma_wait3A_317] : memref<30522x1024xf32, #tpu.memory_space<hbm>> -> memref<30522x1024xf32, #tpu.memory_space<hbm>>
    tpu.wait_indirect_dma semaphore(%arg7 : memref<!tpu.dma_semaphore, #tpu.memory_space<semaphore_mem>>) src(%dma_wait3A_318 : memref<30522x1024xf32, #tpu.memory_space<hbm>>) dst(%dma_wait3A_313 : memref<32x1024xf32, #tpu.memory_space<vmem>>)
    %add3A_319 = arith.constant 192 : i32
    %add3A_320 = arith.addi %mul3A_2, %add3A_319 : i32
    %dma_start3A_321 = arith.constant 0 : i32
    %dma_start3A_322 = arith.constant 0 : i32
    %dma_start3A_323 = arith.constant 0 : i32
    %dma_start3A_324 = tpu.memref_slice %arg6[%dma_start3A_321, %dma_start3A_322, %dma_start3A_323] : memref<2x32x1024xf32, #tpu.memory_space<vmem>> -> memref<1x32x1024xf32, #tpu.memory_space<vmem>>
    %dma_start3A_325 = tpu.memref_squeeze %dma_start3A_324 : memref<1x32x1024xf32, #tpu.memory_space<vmem>> -> memref<32x1024xf32, #tpu.memory_space<vmem>>
    %dma_start3A_326 = arith.constant 0 : i32
    %dma_start3A_327 = tpu.memref_slice %arg4[%add3A_320, %dma_start3A_326] : memref<8192x1024xf32, #tpu.memory_space<hbm>> -> memref<32x1024xf32, #tpu.memory_space<hbm>>
    %dma_start3A_328 = arith.constant 0 : i32
    %dma_start3A_329 = tpu.memref_slice %arg4[%add3A_320, %dma_start3A_328] : memref<8192x1024xf32, #tpu.memory_space<hbm>> -> memref<32x1024xf32, #tpu.memory_space<hbm>>
    %dma_start3A_330 = arith.constant 0 : i32
    %dma_start3A_331 = arith.constant 0 : i32
    %dma_start3A_332 = tpu.memref_slice %arg6[%dma_start3A_321, %dma_start3A_330, %dma_start3A_331] : memref<2x32x1024xf32, #tpu.memory_space<vmem>> -> memref<1x32x1024xf32, #tpu.memory_space<vmem>>
    %dma_start3A_333 = tpu.memref_squeeze %dma_start3A_332 : memref<1x32x1024xf32, #tpu.memory_space<vmem>> -> memref<32x1024xf32, #tpu.memory_space<vmem>>
    tpu.enqueue_dma source(%dma_start3A_333 : memref<32x1024xf32, #tpu.memory_space<vmem>>) target(%dma_start3A_329 : memref<32x1024xf32, #tpu.memory_space<hbm>>) target_semaphore(%arg9 : memref<!tpu.dma_semaphore, #tpu.memory_space<semaphore_mem>>)
    %dma_wait3A_334 = arith.constant 1 : i32
    %dma_wait3A_335 = arith.constant 0 : i32
    %dma_wait3A_336 = arith.constant 0 : i32
    %dma_wait3A_337 = tpu.memref_slice %arg6[%dma_wait3A_334, %dma_wait3A_335, %dma_wait3A_336] : memref<2x32x1024xf32, #tpu.memory_space<vmem>> -> memref<1x32x1024xf32, #tpu.memory_space<vmem>>
    %dma_wait3A_338 = tpu.memref_squeeze %dma_wait3A_337 : memref<1x32x1024xf32, #tpu.memory_space<vmem>> -> memref<32x1024xf32, #tpu.memory_space<vmem>>
    %dma_wait3A_339 = arith.constant 224 : i32
    %dma_wait3A_340 = tpu.memref_slice %arg5[%dma_wait3A_339] : memref<256xi32, #tpu.memory_space<vmem>> -> memref<32xi32, #tpu.memory_space<vmem>>
    %dma_wait3A_341 = arith.constant 0 : i32
    %dma_wait3A_342 = arith.constant 0 : i32
    %dma_wait3A_343 = tpu.memref_slice %arg2[%dma_wait3A_341, %dma_wait3A_342] : memref<30522x1024xf32, #tpu.memory_space<hbm>> -> memref<30522x1024xf32, #tpu.memory_space<hbm>>
    tpu.wait_indirect_dma semaphore(%arg8 : memref<!tpu.dma_semaphore, #tpu.memory_space<semaphore_mem>>) src(%dma_wait3A_343 : memref<30522x1024xf32, #tpu.memory_space<hbm>>) dst(%dma_wait3A_338 : memref<32x1024xf32, #tpu.memory_space<vmem>>)
    %add3A_344 = arith.constant 224 : i32
    %add3A_345 = arith.addi %mul3A_2, %add3A_344 : i32
    %dma_start3A_346 = arith.constant 1 : i32
    %dma_start3A_347 = arith.constant 0 : i32
    %dma_start3A_348 = arith.constant 0 : i32
    %dma_start3A_349 = tpu.memref_slice %arg6[%dma_start3A_346, %dma_start3A_347, %dma_start3A_348] : memref<2x32x1024xf32, #tpu.memory_space<vmem>> -> memref<1x32x1024xf32, #tpu.memory_space<vmem>>
    %dma_start3A_350 = tpu.memref_squeeze %dma_start3A_349 : memref<1x32x1024xf32, #tpu.memory_space<vmem>> -> memref<32x1024xf32, #tpu.memory_space<vmem>>
    %dma_start3A_351 = arith.constant 0 : i32
    %dma_start3A_352 = tpu.memref_slice %arg4[%add3A_345, %dma_start3A_351] : memref<8192x1024xf32, #tpu.memory_space<hbm>> -> memref<32x1024xf32, #tpu.memory_space<hbm>>
    %dma_start3A_353 = arith.constant 0 : i32
    %dma_start3A_354 = tpu.memref_slice %arg4[%add3A_345, %dma_start3A_353] : memref<8192x1024xf32, #tpu.memory_space<hbm>> -> memref<32x1024xf32, #tpu.memory_space<hbm>>
    %dma_start3A_355 = arith.constant 0 : i32
    %dma_start3A_356 = arith.constant 0 : i32
    %dma_start3A_357 = tpu.memref_slice %arg6[%dma_start3A_346, %dma_start3A_355, %dma_start3A_356] : memref<2x32x1024xf32, #tpu.memory_space<vmem>> -> memref<1x32x1024xf32, #tpu.memory_space<vmem>>
    %dma_start3A_358 = tpu.memref_squeeze %dma_start3A_357 : memref<1x32x1024xf32, #tpu.memory_space<vmem>> -> memref<32x1024xf32, #tpu.memory_space<vmem>>
    tpu.enqueue_dma source(%dma_start3A_358 : memref<32x1024xf32, #tpu.memory_space<vmem>>) target(%dma_start3A_354 : memref<32x1024xf32, #tpu.memory_space<hbm>>) target_semaphore(%arg10 : memref<!tpu.dma_semaphore, #tpu.memory_space<semaphore_mem>>)
    %dma_wait3A_359 = arith.constant 0 : i32
    %dma_wait3A_360 = arith.constant 0 : i32
    %dma_wait3A_361 = arith.constant 0 : i32
    %dma_wait3A_362 = tpu.memref_slice %arg6[%dma_wait3A_359, %dma_wait3A_360, %dma_wait3A_361] : memref<2x32x1024xf32, #tpu.memory_space<vmem>> -> memref<1x32x1024xf32, #tpu.memory_space<vmem>>
    %dma_wait3A_363 = tpu.memref_squeeze %dma_wait3A_362 : memref<1x32x1024xf32, #tpu.memory_space<vmem>> -> memref<32x1024xf32, #tpu.memory_space<vmem>>
    %dma_wait3A_364 = arith.constant 0 : i32
    %dma_wait3A_365 = tpu.memref_slice %arg4[%add3A_320, %dma_wait3A_364] : memref<8192x1024xf32, #tpu.memory_space<hbm>> -> memref<32x1024xf32, #tpu.memory_space<hbm>>
    %dma_wait3A_366 = arith.constant 0 : i32
    %dma_wait3A_367 = tpu.memref_slice %arg4[%add3A_320, %dma_wait3A_366] : memref<8192x1024xf32, #tpu.memory_space<hbm>> -> memref<32x1024xf32, #tpu.memory_space<hbm>>
    %dma_wait3A_368 = arith.constant 0 : i32
    %dma_wait3A_369 = arith.constant 0 : i32
    %dma_wait3A_370 = tpu.memref_slice %arg6[%dma_wait3A_359, %dma_wait3A_368, %dma_wait3A_369] : memref<2x32x1024xf32, #tpu.memory_space<vmem>> -> memref<1x32x1024xf32, #tpu.memory_space<vmem>>
    %dma_wait3A_371 = tpu.memref_squeeze %dma_wait3A_370 : memref<1x32x1024xf32, #tpu.memory_space<vmem>> -> memref<32x1024xf32, #tpu.memory_space<vmem>>
    tpu.wait_dma2 semaphore(%arg9 : memref<!tpu.dma_semaphore, #tpu.memory_space<semaphore_mem>>) src(%dma_wait3A_371 : memref<32x1024xf32, #tpu.memory_space<vmem>>) dst(%dma_wait3A_367 : memref<32x1024xf32, #tpu.memory_space<hbm>>)
    %dma_wait3A_372 = arith.constant 1 : i32
    %dma_wait3A_373 = arith.constant 0 : i32
    %dma_wait3A_374 = arith.constant 0 : i32
    %dma_wait3A_375 = tpu.memref_slice %arg6[%dma_wait3A_372, %dma_wait3A_373, %dma_wait3A_374] : memref<2x32x1024xf32, #tpu.memory_space<vmem>> -> memref<1x32x1024xf32, #tpu.memory_space<vmem>>
    %dma_wait3A_376 = tpu.memref_squeeze %dma_wait3A_375 : memref<1x32x1024xf32, #tpu.memory_space<vmem>> -> memref<32x1024xf32, #tpu.memory_space<vmem>>
    %dma_wait3A_377 = arith.constant 0 : i32
    %dma_wait3A_378 = tpu.memref_slice %arg4[%add3A_345, %dma_wait3A_377] : memref<8192x1024xf32, #tpu.memory_space<hbm>> -> memref<32x1024xf32, #tpu.memory_space<hbm>>
    %dma_wait3A_379 = arith.constant 0 : i32
    %dma_wait3A_380 = tpu.memref_slice %arg4[%add3A_345, %dma_wait3A_379] : memref<8192x1024xf32, #tpu.memory_space<hbm>> -> memref<32x1024xf32, #tpu.memory_space<hbm>>
    %dma_wait3A_381 = arith.constant 0 : i32
    %dma_wait3A_382 = arith.constant 0 : i32
    %dma_wait3A_383 = tpu.memref_slice %arg6[%dma_wait3A_372, %dma_wait3A_381, %dma_wait3A_382] : memref<2x32x1024xf32, #tpu.memory_space<vmem>> -> memref<1x32x1024xf32, #tpu.memory_space<vmem>>
    %dma_wait3A_384 = tpu.memref_squeeze %dma_wait3A_383 : memref<1x32x1024xf32, #tpu.memory_space<vmem>> -> memref<32x1024xf32, #tpu.memory_space<vmem>>
    tpu.wait_dma2 semaphore(%arg10 : memref<!tpu.dma_semaphore, #tpu.memory_space<semaphore_mem>>) src(%dma_wait3A_384 : memref<32x1024xf32, #tpu.memory_space<vmem>>) dst(%dma_wait3A_380 : memref<32x1024xf32, #tpu.memory_space<hbm>>)
    return
  }
}

#map = affine_map<(d0, d1) -> (0, 0)>
#map1 = affine_map<(d0, d1) -> (0)>
module attributes {stable_mosaic.version = 14 : i64} {
  func.func @sc_gather(%arg0: i32, %arg1: i32, %arg2: memref<30522x1024xf32, #tpu.memory_space<hbm>>, %arg3: memref<8192xi32, #tpu.memory_space<hbm>>, %arg4: memref<8192x1024xf32, #tpu.memory_space<hbm>>, %arg5: memref<256xi32, #tpu.memory_space<vmem>>, %arg6: memref<2x32x1024xf32, #tpu.memory_space<vmem>>, %arg7: memref<!tpu.dma_semaphore, #tpu.memory_space<semaphore_mem>>, %arg8: memref<!tpu.dma_semaphore, #tpu.memory_space<semaphore_mem>>, %arg9: memref<!tpu.dma_semaphore, #tpu.memory_space<semaphore_mem>>, %arg10: memref<!tpu.dma_semaphore, #tpu.memory_space<semaphore_mem>>) attributes {dimension_semantics = [#tpu.dimension_semantics<core_parallel>, #tpu.dimension_semantics<subcore_parallel>], iteration_bounds = array<i64: 2, 16>, scalar_prefetch = 0 : i64, scratch_operands = 6 : i64, tpu.core_type = #tpu.core_type<sc_vector_subcore>, window_params = [{transform_indices = #map}, {transform_indices = #map1}, {transform_indices = #map}]} {
    %mul3A = arith.constant 2 : i32
    %mul3A_0 = arith.muli %arg1, %mul3A : i32
    %add3A = arith.addi %mul3A_0, %arg0 : i32
    %mul3A_1 = arith.constant 256 : i32
    %mul3A_2 = arith.muli %add3A, %mul3A_1 : i32
    "tpu.region"() ({
      %run_scoped3A = tpu.sem_alloc : memref<!tpu.dma_semaphore, #tpu.memory_space<semaphore_mem>>
      %dma_start3A_385 = tpu.memref_slice %arg3[%mul3A_2] : memref<8192xi32, #tpu.memory_space<hbm>> -> memref<256xi32, #tpu.memory_space<hbm>>
      %dma_start3A_386 = tpu.memref_slice %arg3[%mul3A_2] : memref<8192xi32, #tpu.memory_space<hbm>> -> memref<256xi32, #tpu.memory_space<hbm>>
      tpu.enqueue_dma source(%dma_start3A_386 : memref<256xi32, #tpu.memory_space<hbm>>) target(%arg5 : memref<256xi32, #tpu.memory_space<vmem>>) target_semaphore(%run_scoped3A : memref<!tpu.dma_semaphore, #tpu.memory_space<semaphore_mem>>)
      %dma_wait3A_387 = tpu.memref_slice %arg3[%mul3A_2] : memref<8192xi32, #tpu.memory_space<hbm>> -> memref<256xi32, #tpu.memory_space<hbm>>
      %dma_wait3A_388 = tpu.memref_slice %arg3[%mul3A_2] : memref<8192xi32, #tpu.memory_space<hbm>> -> memref<256xi32, #tpu.memory_space<hbm>>
      tpu.wait_dma2 semaphore(%run_scoped3A : memref<!tpu.dma_semaphore, #tpu.memory_space<semaphore_mem>>) src(%dma_wait3A_388 : memref<256xi32, #tpu.memory_space<hbm>>) dst(%arg5 : memref<256xi32, #tpu.memory_space<vmem>>)
      tpu.yield
    }) : () -> ()
    %dma_start3A = arith.constant 0 : i32
    %dma_start3A_3 = arith.constant 0 : i32
    %dma_start3A_4 = arith.constant 0 : i32
    %dma_start3A_5 = tpu.memref_slice %arg6[%dma_start3A, %dma_start3A_3, %dma_start3A_4] : memref<2x32x1024xf32, #tpu.memory_space<vmem>> -> memref<1x32x1024xf32, #tpu.memory_space<vmem>>
    %dma_start3A_6 = tpu.memref_squeeze %dma_start3A_5 : memref<1x32x1024xf32, #tpu.memory_space<vmem>> -> memref<32x1024xf32, #tpu.memory_space<vmem>>
    %dma_start3A_7 = arith.constant 0 : i32
    %dma_start3A_8 = tpu.memref_slice %arg5[%dma_start3A_7] : memref<256xi32, #tpu.memory_space<vmem>> -> memref<32xi32, #tpu.memory_space<vmem>>
    %dma_start3A_9 = arith.constant 0 : i32
    %dma_start3A_10 = arith.constant 0 : i32
    %dma_start3A_11 = tpu.memref_slice %arg2[%dma_start3A_9, %dma_start3A_10] : memref<30522x1024xf32, #tpu.memory_space<hbm>> -> memref<30522x1024xf32, #tpu.memory_space<hbm>>
    tpu.enqueue_indirect_dma source(%dma_start3A_11 : memref<30522x1024xf32, #tpu.memory_space<hbm>>) target(%dma_start3A_6 : memref<32x1024xf32, #tpu.memory_space<vmem>>) offsets(%dma_start3A_8 : memref<32xi32, #tpu.memory_space<vmem>>) semaphore(%arg7 : memref<!tpu.dma_semaphore, #tpu.memory_space<semaphore_mem>>)
    %dma_start3A_12 = arith.constant 1 : i32
    %dma_start3A_13 = arith.constant 0 : i32
    %dma_start3A_14 = arith.constant 0 : i32
    %dma_start3A_15 = tpu.memref_slice %arg6[%dma_start3A_12, %dma_start3A_13, %dma_start3A_14] : memref<2x32x1024xf32, #tpu.memory_space<vmem>> -> memref<1x32x1024xf32, #tpu.memory_space<vmem>>
    %dma_start3A_16 = tpu.memref_squeeze %dma_start3A_15 : memref<1x32x1024xf32, #tpu.memory_space<vmem>> -> memref<32x1024xf32, #tpu.memory_space<vmem>>
    %dma_start3A_17 = arith.constant 32 : i32
    %dma_start3A_18 = tpu.memref_slice %arg5[%dma_start3A_17] : memref<256xi32, #tpu.memory_space<vmem>> -> memref<32xi32, #tpu.memory_space<vmem>>
    %dma_start3A_19 = arith.constant 0 : i32
    %dma_start3A_20 = arith.constant 0 : i32
    %dma_start3A_21 = tpu.memref_slice %arg2[%dma_start3A_19, %dma_start3A_20] : memref<30522x1024xf32, #tpu.memory_space<hbm>> -> memref<30522x1024xf32, #tpu.memory_space<hbm>>
    tpu.enqueue_indirect_dma source(%dma_start3A_21 : memref<30522x1024xf32, #tpu.memory_space<hbm>>) target(%dma_start3A_16 : memref<32x1024xf32, #tpu.memory_space<vmem>>) offsets(%dma_start3A_18 : memref<32xi32, #tpu.memory_space<vmem>>) semaphore(%arg8 : memref<!tpu.dma_semaphore, #tpu.memory_space<semaphore_mem>>)
    %dma_wait3A = arith.constant 0 : i32
    %dma_wait3A_22 = arith.constant 0 : i32
    %dma_wait3A_23 = arith.constant 0 : i32
    %dma_wait3A_24 = tpu.memref_slice %arg6[%dma_wait3A, %dma_wait3A_22, %dma_wait3A_23] : memref<2x32x1024xf32, #tpu.memory_space<vmem>> -> memref<1x32x1024xf32, #tpu.memory_space<vmem>>
    %dma_wait3A_25 = tpu.memref_squeeze %dma_wait3A_24 : memref<1x32x1024xf32, #tpu.memory_space<vmem>> -> memref<32x1024xf32, #tpu.memory_space<vmem>>
    %dma_wait3A_26 = arith.constant 0 : i32
    %dma_wait3A_27 = tpu.memref_slice %arg5[%dma_wait3A_26] : memref<256xi32, #tpu.memory_space<vmem>> -> memref<32xi32, #tpu.memory_space<vmem>>
    %dma_wait3A_28 = arith.constant 0 : i32
    %dma_wait3A_29 = arith.constant 0 : i32
    %dma_wait3A_30 = tpu.memref_slice %arg2[%dma_wait3A_28, %dma_wait3A_29] : memref<30522x1024xf32, #tpu.memory_space<hbm>> -> memref<30522x1024xf32, #tpu.memory_space<hbm>>
    tpu.wait_indirect_dma semaphore(%arg7 : memref<!tpu.dma_semaphore, #tpu.memory_space<semaphore_mem>>) src(%dma_wait3A_30 : memref<30522x1024xf32, #tpu.memory_space<hbm>>) dst(%dma_wait3A_25 : memref<32x1024xf32, #tpu.memory_space<vmem>>)
    %add3A_31 = arith.constant 0 : i32
    %add3A_32 = arith.addi %mul3A_2, %add3A_31 : i32
    %dma_start3A_33 = arith.constant 0 : i32
    %dma_start3A_34 = arith.constant 0 : i32
    %dma_start3A_35 = arith.constant 0 : i32
    %dma_start3A_36 = tpu.memref_slice %arg6[%dma_start3A_33, %dma_start3A_34, %dma_start3A_35] : memref<2x32x1024xf32, #tpu.memory_space<vmem>> -> memref<1x32x1024xf32, #tpu.memory_space<vmem>>
    %dma_start3A_37 = tpu.memref_squeeze %dma_start3A_36 : memref<1x32x1024xf32, #tpu.memory_space<vmem>> -> memref<32x1024xf32, #tpu.memory_space<vmem>>
    %dma_start3A_38 = arith.constant 0 : i32
    %dma_start3A_39 = tpu.memref_slice %arg4[%add3A_32, %dma_start3A_38] : memref<8192x1024xf32, #tpu.memory_space<hbm>> -> memref<32x1024xf32, #tpu.memory_space<hbm>>
    %dma_start3A_40 = arith.constant 0 : i32
    %dma_start3A_41 = tpu.memref_slice %arg4[%add3A_32, %dma_start3A_40] : memref<8192x1024xf32, #tpu.memory_space<hbm>> -> memref<32x1024xf32, #tpu.memory_space<hbm>>
    %dma_start3A_42 = arith.constant 0 : i32
    %dma_start3A_43 = arith.constant 0 : i32
    %dma_start3A_44 = tpu.memref_slice %arg6[%dma_start3A_33, %dma_start3A_42, %dma_start3A_43] : memref<2x32x1024xf32, #tpu.memory_space<vmem>> -> memref<1x32x1024xf32, #tpu.memory_space<vmem>>
    %dma_start3A_45 = tpu.memref_squeeze %dma_start3A_44 : memref<1x32x1024xf32, #tpu.memory_space<vmem>> -> memref<32x1024xf32, #tpu.memory_space<vmem>>
    tpu.enqueue_dma source(%dma_start3A_45 : memref<32x1024xf32, #tpu.memory_space<vmem>>) target(%dma_start3A_41 : memref<32x1024xf32, #tpu.memory_space<hbm>>) target_semaphore(%arg9 : memref<!tpu.dma_semaphore, #tpu.memory_space<semaphore_mem>>)
    %dma_wait3A_46 = arith.constant 0 : i32
    %dma_wait3A_47 = arith.constant 0 : i32
    %dma_wait3A_48 = arith.constant 0 : i32
    %dma_wait3A_49 = tpu.memref_slice %arg6[%dma_wait3A_46, %dma_wait3A_47, %dma_wait3A_48] : memref<2x32x1024xf32, #tpu.memory_space<vmem>> -> memref<1x32x1024xf32, #tpu.memory_space<vmem>>
    %dma_wait3A_50 = tpu.memref_squeeze %dma_wait3A_49 : memref<1x32x1024xf32, #tpu.memory_space<vmem>> -> memref<32x1024xf32, #tpu.memory_space<vmem>>
    %dma_wait3A_51 = arith.constant 0 : i32
    %dma_wait3A_52 = tpu.memref_slice %arg4[%add3A_32, %dma_wait3A_51] : memref<8192x1024xf32, #tpu.memory_space<hbm>> -> memref<32x1024xf32, #tpu.memory_space<hbm>>
    %dma_wait3A_53 = arith.constant 0 : i32
    %dma_wait3A_54 = tpu.memref_slice %arg4[%add3A_32, %dma_wait3A_53] : memref<8192x1024xf32, #tpu.memory_space<hbm>> -> memref<32x1024xf32, #tpu.memory_space<hbm>>
    %dma_wait3A_55 = arith.constant 0 : i32
    %dma_wait3A_56 = arith.constant 0 : i32
    %dma_wait3A_57 = tpu.memref_slice %arg6[%dma_wait3A_46, %dma_wait3A_55, %dma_wait3A_56] : memref<2x32x1024xf32, #tpu.memory_space<vmem>> -> memref<1x32x1024xf32, #tpu.memory_space<vmem>>
    %dma_wait3A_58 = tpu.memref_squeeze %dma_wait3A_57 : memref<1x32x1024xf32, #tpu.memory_space<vmem>> -> memref<32x1024xf32, #tpu.memory_space<vmem>>
    tpu.wait_dma2 semaphore(%arg9 : memref<!tpu.dma_semaphore, #tpu.memory_space<semaphore_mem>>) src(%dma_wait3A_58 : memref<32x1024xf32, #tpu.memory_space<vmem>>) dst(%dma_wait3A_54 : memref<32x1024xf32, #tpu.memory_space<hbm>>)
    %dma_start3A_59 = arith.constant 0 : i32
    %dma_start3A_60 = arith.constant 0 : i32
    %dma_start3A_61 = arith.constant 0 : i32
    %dma_start3A_62 = tpu.memref_slice %arg6[%dma_start3A_59, %dma_start3A_60, %dma_start3A_61] : memref<2x32x1024xf32, #tpu.memory_space<vmem>> -> memref<1x32x1024xf32, #tpu.memory_space<vmem>>
    %dma_start3A_63 = tpu.memref_squeeze %dma_start3A_62 : memref<1x32x1024xf32, #tpu.memory_space<vmem>> -> memref<32x1024xf32, #tpu.memory_space<vmem>>
    %dma_start3A_64 = arith.constant 64 : i32
    %dma_start3A_65 = tpu.memref_slice %arg5[%dma_start3A_64] : memref<256xi32, #tpu.memory_space<vmem>> -> memref<32xi32, #tpu.memory_space<vmem>>
    %dma_start3A_66 = arith.constant 0 : i32
    %dma_start3A_67 = arith.constant 0 : i32
    %dma_start3A_68 = tpu.memref_slice %arg2[%dma_start3A_66, %dma_start3A_67] : memref<30522x1024xf32, #tpu.memory_space<hbm>> -> memref<30522x1024xf32, #tpu.memory_space<hbm>>
    tpu.enqueue_indirect_dma source(%dma_start3A_68 : memref<30522x1024xf32, #tpu.memory_space<hbm>>) target(%dma_start3A_63 : memref<32x1024xf32, #tpu.memory_space<vmem>>) offsets(%dma_start3A_65 : memref<32xi32, #tpu.memory_space<vmem>>) semaphore(%arg7 : memref<!tpu.dma_semaphore, #tpu.memory_space<semaphore_mem>>)
    %dma_wait3A_69 = arith.constant 1 : i32
    %dma_wait3A_70 = arith.constant 0 : i32
    %dma_wait3A_71 = arith.constant 0 : i32
    %dma_wait3A_72 = tpu.memref_slice %arg6[%dma_wait3A_69, %dma_wait3A_70, %dma_wait3A_71] : memref<2x32x1024xf32, #tpu.memory_space<vmem>> -> memref<1x32x1024xf32, #tpu.memory_space<vmem>>
    %dma_wait3A_73 = tpu.memref_squeeze %dma_wait3A_72 : memref<1x32x1024xf32, #tpu.memory_space<vmem>> -> memref<32x1024xf32, #tpu.memory_space<vmem>>
    %dma_wait3A_74 = arith.constant 32 : i32
    %dma_wait3A_75 = tpu.memref_slice %arg5[%dma_wait3A_74] : memref<256xi32, #tpu.memory_space<vmem>> -> memref<32xi32, #tpu.memory_space<vmem>>
    %dma_wait3A_76 = arith.constant 0 : i32
    %dma_wait3A_77 = arith.constant 0 : i32
    %dma_wait3A_78 = tpu.memref_slice %arg2[%dma_wait3A_76, %dma_wait3A_77] : memref<30522x1024xf32, #tpu.memory_space<hbm>> -> memref<30522x1024xf32, #tpu.memory_space<hbm>>
    tpu.wait_indirect_dma semaphore(%arg8 : memref<!tpu.dma_semaphore, #tpu.memory_space<semaphore_mem>>) src(%dma_wait3A_78 : memref<30522x1024xf32, #tpu.memory_space<hbm>>) dst(%dma_wait3A_73 : memref<32x1024xf32, #tpu.memory_space<vmem>>)
    %add3A_79 = arith.constant 32 : i32
    %add3A_80 = arith.addi %mul3A_2, %add3A_79 : i32
    %dma_start3A_81 = arith.constant 1 : i32
    %dma_start3A_82 = arith.constant 0 : i32
    %dma_start3A_83 = arith.constant 0 : i32
    %dma_start3A_84 = tpu.memref_slice %arg6[%dma_start3A_81, %dma_start3A_82, %dma_start3A_83] : memref<2x32x1024xf32, #tpu.memory_space<vmem>> -> memref<1x32x1024xf32, #tpu.memory_space<vmem>>
    %dma_start3A_85 = tpu.memref_squeeze %dma_start3A_84 : memref<1x32x1024xf32, #tpu.memory_space<vmem>> -> memref<32x1024xf32, #tpu.memory_space<vmem>>
    %dma_start3A_86 = arith.constant 0 : i32
    %dma_start3A_87 = tpu.memref_slice %arg4[%add3A_80, %dma_start3A_86] : memref<8192x1024xf32, #tpu.memory_space<hbm>> -> memref<32x1024xf32, #tpu.memory_space<hbm>>
    %dma_start3A_88 = arith.constant 0 : i32
    %dma_start3A_89 = tpu.memref_slice %arg4[%add3A_80, %dma_start3A_88] : memref<8192x1024xf32, #tpu.memory_space<hbm>> -> memref<32x1024xf32, #tpu.memory_space<hbm>>
    %dma_start3A_90 = arith.constant 0 : i32
    %dma_start3A_91 = arith.constant 0 : i32
    %dma_start3A_92 = tpu.memref_slice %arg6[%dma_start3A_81, %dma_start3A_90, %dma_start3A_91] : memref<2x32x1024xf32, #tpu.memory_space<vmem>> -> memref<1x32x1024xf32, #tpu.memory_space<vmem>>
    %dma_start3A_93 = tpu.memref_squeeze %dma_start3A_92 : memref<1x32x1024xf32, #tpu.memory_space<vmem>> -> memref<32x1024xf32, #tpu.memory_space<vmem>>
    tpu.enqueue_dma source(%dma_start3A_93 : memref<32x1024xf32, #tpu.memory_space<vmem>>) target(%dma_start3A_89 : memref<32x1024xf32, #tpu.memory_space<hbm>>) target_semaphore(%arg10 : memref<!tpu.dma_semaphore, #tpu.memory_space<semaphore_mem>>)
    %dma_wait3A_94 = arith.constant 1 : i32
    %dma_wait3A_95 = arith.constant 0 : i32
    %dma_wait3A_96 = arith.constant 0 : i32
    %dma_wait3A_97 = tpu.memref_slice %arg6[%dma_wait3A_94, %dma_wait3A_95, %dma_wait3A_96] : memref<2x32x1024xf32, #tpu.memory_space<vmem>> -> memref<1x32x1024xf32, #tpu.memory_space<vmem>>
    %dma_wait3A_98 = tpu.memref_squeeze %dma_wait3A_97 : memref<1x32x1024xf32, #tpu.memory_space<vmem>> -> memref<32x1024xf32, #tpu.memory_space<vmem>>
    %dma_wait3A_99 = arith.constant 0 : i32
    %dma_wait3A_100 = tpu.memref_slice %arg4[%add3A_80, %dma_wait3A_99] : memref<8192x1024xf32, #tpu.memory_space<hbm>> -> memref<32x1024xf32, #tpu.memory_space<hbm>>
    %dma_wait3A_101 = arith.constant 0 : i32
    %dma_wait3A_102 = tpu.memref_slice %arg4[%add3A_80, %dma_wait3A_101] : memref<8192x1024xf32, #tpu.memory_space<hbm>> -> memref<32x1024xf32, #tpu.memory_space<hbm>>
    %dma_wait3A_103 = arith.constant 0 : i32
    %dma_wait3A_104 = arith.constant 0 : i32
    %dma_wait3A_105 = tpu.memref_slice %arg6[%dma_wait3A_94, %dma_wait3A_103, %dma_wait3A_104] : memref<2x32x1024xf32, #tpu.memory_space<vmem>> -> memref<1x32x1024xf32, #tpu.memory_space<vmem>>
    %dma_wait3A_106 = tpu.memref_squeeze %dma_wait3A_105 : memref<1x32x1024xf32, #tpu.memory_space<vmem>> -> memref<32x1024xf32, #tpu.memory_space<vmem>>
    tpu.wait_dma2 semaphore(%arg10 : memref<!tpu.dma_semaphore, #tpu.memory_space<semaphore_mem>>) src(%dma_wait3A_106 : memref<32x1024xf32, #tpu.memory_space<vmem>>) dst(%dma_wait3A_102 : memref<32x1024xf32, #tpu.memory_space<hbm>>)
    %dma_start3A_107 = arith.constant 1 : i32
    %dma_start3A_108 = arith.constant 0 : i32
    %dma_start3A_109 = arith.constant 0 : i32
    %dma_start3A_110 = tpu.memref_slice %arg6[%dma_start3A_107, %dma_start3A_108, %dma_start3A_109] : memref<2x32x1024xf32, #tpu.memory_space<vmem>> -> memref<1x32x1024xf32, #tpu.memory_space<vmem>>
    %dma_start3A_111 = tpu.memref_squeeze %dma_start3A_110 : memref<1x32x1024xf32, #tpu.memory_space<vmem>> -> memref<32x1024xf32, #tpu.memory_space<vmem>>
    %dma_start3A_112 = arith.constant 96 : i32
    %dma_start3A_113 = tpu.memref_slice %arg5[%dma_start3A_112] : memref<256xi32, #tpu.memory_space<vmem>> -> memref<32xi32, #tpu.memory_space<vmem>>
    %dma_start3A_114 = arith.constant 0 : i32
    %dma_start3A_115 = arith.constant 0 : i32
    %dma_start3A_116 = tpu.memref_slice %arg2[%dma_start3A_114, %dma_start3A_115] : memref<30522x1024xf32, #tpu.memory_space<hbm>> -> memref<30522x1024xf32, #tpu.memory_space<hbm>>
    tpu.enqueue_indirect_dma source(%dma_start3A_116 : memref<30522x1024xf32, #tpu.memory_space<hbm>>) target(%dma_start3A_111 : memref<32x1024xf32, #tpu.memory_space<vmem>>) offsets(%dma_start3A_113 : memref<32xi32, #tpu.memory_space<vmem>>) semaphore(%arg8 : memref<!tpu.dma_semaphore, #tpu.memory_space<semaphore_mem>>)
    %dma_wait3A_117 = arith.constant 0 : i32
    %dma_wait3A_118 = arith.constant 0 : i32
    %dma_wait3A_119 = arith.constant 0 : i32
    %dma_wait3A_120 = tpu.memref_slice %arg6[%dma_wait3A_117, %dma_wait3A_118, %dma_wait3A_119] : memref<2x32x1024xf32, #tpu.memory_space<vmem>> -> memref<1x32x1024xf32, #tpu.memory_space<vmem>>
    %dma_wait3A_121 = tpu.memref_squeeze %dma_wait3A_120 : memref<1x32x1024xf32, #tpu.memory_space<vmem>> -> memref<32x1024xf32, #tpu.memory_space<vmem>>
    %dma_wait3A_122 = arith.constant 64 : i32
    %dma_wait3A_123 = tpu.memref_slice %arg5[%dma_wait3A_122] : memref<256xi32, #tpu.memory_space<vmem>> -> memref<32xi32, #tpu.memory_space<vmem>>
    %dma_wait3A_124 = arith.constant 0 : i32
    %dma_wait3A_125 = arith.constant 0 : i32
    %dma_wait3A_126 = tpu.memref_slice %arg2[%dma_wait3A_124, %dma_wait3A_125] : memref<30522x1024xf32, #tpu.memory_space<hbm>> -> memref<30522x1024xf32, #tpu.memory_space<hbm>>
    tpu.wait_indirect_dma semaphore(%arg7 : memref<!tpu.dma_semaphore, #tpu.memory_space<semaphore_mem>>) src(%dma_wait3A_126 : memref<30522x1024xf32, #tpu.memory_space<hbm>>) dst(%dma_wait3A_121 : memref<32x1024xf32, #tpu.memory_space<vmem>>)
    %add3A_127 = arith.constant 64 : i32
    %add3A_128 = arith.addi %mul3A_2, %add3A_127 : i32
    %dma_start3A_129 = arith.constant 0 : i32
    %dma_start3A_130 = arith.constant 0 : i32
    %dma_start3A_131 = arith.constant 0 : i32
    %dma_start3A_132 = tpu.memref_slice %arg6[%dma_start3A_129, %dma_start3A_130, %dma_start3A_131] : memref<2x32x1024xf32, #tpu.memory_space<vmem>> -> memref<1x32x1024xf32, #tpu.memory_space<vmem>>
    %dma_start3A_133 = tpu.memref_squeeze %dma_start3A_132 : memref<1x32x1024xf32, #tpu.memory_space<vmem>> -> memref<32x1024xf32, #tpu.memory_space<vmem>>
    %dma_start3A_134 = arith.constant 0 : i32
    %dma_start3A_135 = tpu.memref_slice %arg4[%add3A_128, %dma_start3A_134] : memref<8192x1024xf32, #tpu.memory_space<hbm>> -> memref<32x1024xf32, #tpu.memory_space<hbm>>
    %dma_start3A_136 = arith.constant 0 : i32
    %dma_start3A_137 = tpu.memref_slice %arg4[%add3A_128, %dma_start3A_136] : memref<8192x1024xf32, #tpu.memory_space<hbm>> -> memref<32x1024xf32, #tpu.memory_space<hbm>>
    %dma_start3A_138 = arith.constant 0 : i32
    %dma_start3A_139 = arith.constant 0 : i32
    %dma_start3A_140 = tpu.memref_slice %arg6[%dma_start3A_129, %dma_start3A_138, %dma_start3A_139] : memref<2x32x1024xf32, #tpu.memory_space<vmem>> -> memref<1x32x1024xf32, #tpu.memory_space<vmem>>
    %dma_start3A_141 = tpu.memref_squeeze %dma_start3A_140 : memref<1x32x1024xf32, #tpu.memory_space<vmem>> -> memref<32x1024xf32, #tpu.memory_space<vmem>>
    tpu.enqueue_dma source(%dma_start3A_141 : memref<32x1024xf32, #tpu.memory_space<vmem>>) target(%dma_start3A_137 : memref<32x1024xf32, #tpu.memory_space<hbm>>) target_semaphore(%arg9 : memref<!tpu.dma_semaphore, #tpu.memory_space<semaphore_mem>>)
    %dma_wait3A_142 = arith.constant 0 : i32
    %dma_wait3A_143 = arith.constant 0 : i32
    %dma_wait3A_144 = arith.constant 0 : i32
    %dma_wait3A_145 = tpu.memref_slice %arg6[%dma_wait3A_142, %dma_wait3A_143, %dma_wait3A_144] : memref<2x32x1024xf32, #tpu.memory_space<vmem>> -> memref<1x32x1024xf32, #tpu.memory_space<vmem>>
    %dma_wait3A_146 = tpu.memref_squeeze %dma_wait3A_145 : memref<1x32x1024xf32, #tpu.memory_space<vmem>> -> memref<32x1024xf32, #tpu.memory_space<vmem>>
    %dma_wait3A_147 = arith.constant 0 : i32
    %dma_wait3A_148 = tpu.memref_slice %arg4[%add3A_128, %dma_wait3A_147] : memref<8192x1024xf32, #tpu.memory_space<hbm>> -> memref<32x1024xf32, #tpu.memory_space<hbm>>
    %dma_wait3A_149 = arith.constant 0 : i32
    %dma_wait3A_150 = tpu.memref_slice %arg4[%add3A_128, %dma_wait3A_149] : memref<8192x1024xf32, #tpu.memory_space<hbm>> -> memref<32x1024xf32, #tpu.memory_space<hbm>>
    %dma_wait3A_151 = arith.constant 0 : i32
    %dma_wait3A_152 = arith.constant 0 : i32
    %dma_wait3A_153 = tpu.memref_slice %arg6[%dma_wait3A_142, %dma_wait3A_151, %dma_wait3A_152] : memref<2x32x1024xf32, #tpu.memory_space<vmem>> -> memref<1x32x1024xf32, #tpu.memory_space<vmem>>
    %dma_wait3A_154 = tpu.memref_squeeze %dma_wait3A_153 : memref<1x32x1024xf32, #tpu.memory_space<vmem>> -> memref<32x1024xf32, #tpu.memory_space<vmem>>
    tpu.wait_dma2 semaphore(%arg9 : memref<!tpu.dma_semaphore, #tpu.memory_space<semaphore_mem>>) src(%dma_wait3A_154 : memref<32x1024xf32, #tpu.memory_space<vmem>>) dst(%dma_wait3A_150 : memref<32x1024xf32, #tpu.memory_space<hbm>>)
    %dma_start3A_155 = arith.constant 0 : i32
    %dma_start3A_156 = arith.constant 0 : i32
    %dma_start3A_157 = arith.constant 0 : i32
    %dma_start3A_158 = tpu.memref_slice %arg6[%dma_start3A_155, %dma_start3A_156, %dma_start3A_157] : memref<2x32x1024xf32, #tpu.memory_space<vmem>> -> memref<1x32x1024xf32, #tpu.memory_space<vmem>>
    %dma_start3A_159 = tpu.memref_squeeze %dma_start3A_158 : memref<1x32x1024xf32, #tpu.memory_space<vmem>> -> memref<32x1024xf32, #tpu.memory_space<vmem>>
    %dma_start3A_160 = arith.constant 128 : i32
    %dma_start3A_161 = tpu.memref_slice %arg5[%dma_start3A_160] : memref<256xi32, #tpu.memory_space<vmem>> -> memref<32xi32, #tpu.memory_space<vmem>>
    %dma_start3A_162 = arith.constant 0 : i32
    %dma_start3A_163 = arith.constant 0 : i32
    %dma_start3A_164 = tpu.memref_slice %arg2[%dma_start3A_162, %dma_start3A_163] : memref<30522x1024xf32, #tpu.memory_space<hbm>> -> memref<30522x1024xf32, #tpu.memory_space<hbm>>
    tpu.enqueue_indirect_dma source(%dma_start3A_164 : memref<30522x1024xf32, #tpu.memory_space<hbm>>) target(%dma_start3A_159 : memref<32x1024xf32, #tpu.memory_space<vmem>>) offsets(%dma_start3A_161 : memref<32xi32, #tpu.memory_space<vmem>>) semaphore(%arg7 : memref<!tpu.dma_semaphore, #tpu.memory_space<semaphore_mem>>)
    %dma_wait3A_165 = arith.constant 1 : i32
    %dma_wait3A_166 = arith.constant 0 : i32
    %dma_wait3A_167 = arith.constant 0 : i32
    %dma_wait3A_168 = tpu.memref_slice %arg6[%dma_wait3A_165, %dma_wait3A_166, %dma_wait3A_167] : memref<2x32x1024xf32, #tpu.memory_space<vmem>> -> memref<1x32x1024xf32, #tpu.memory_space<vmem>>
    %dma_wait3A_169 = tpu.memref_squeeze %dma_wait3A_168 : memref<1x32x1024xf32, #tpu.memory_space<vmem>> -> memref<32x1024xf32, #tpu.memory_space<vmem>>
    %dma_wait3A_170 = arith.constant 96 : i32
    %dma_wait3A_171 = tpu.memref_slice %arg5[%dma_wait3A_170] : memref<256xi32, #tpu.memory_space<vmem>> -> memref<32xi32, #tpu.memory_space<vmem>>
    %dma_wait3A_172 = arith.constant 0 : i32
    %dma_wait3A_173 = arith.constant 0 : i32
    %dma_wait3A_174 = tpu.memref_slice %arg2[%dma_wait3A_172, %dma_wait3A_173] : memref<30522x1024xf32, #tpu.memory_space<hbm>> -> memref<30522x1024xf32, #tpu.memory_space<hbm>>
    tpu.wait_indirect_dma semaphore(%arg8 : memref<!tpu.dma_semaphore, #tpu.memory_space<semaphore_mem>>) src(%dma_wait3A_174 : memref<30522x1024xf32, #tpu.memory_space<hbm>>) dst(%dma_wait3A_169 : memref<32x1024xf32, #tpu.memory_space<vmem>>)
    %add3A_175 = arith.constant 96 : i32
    %add3A_176 = arith.addi %mul3A_2, %add3A_175 : i32
    %dma_start3A_177 = arith.constant 1 : i32
    %dma_start3A_178 = arith.constant 0 : i32
    %dma_start3A_179 = arith.constant 0 : i32
    %dma_start3A_180 = tpu.memref_slice %arg6[%dma_start3A_177, %dma_start3A_178, %dma_start3A_179] : memref<2x32x1024xf32, #tpu.memory_space<vmem>> -> memref<1x32x1024xf32, #tpu.memory_space<vmem>>
    %dma_start3A_181 = tpu.memref_squeeze %dma_start3A_180 : memref<1x32x1024xf32, #tpu.memory_space<vmem>> -> memref<32x1024xf32, #tpu.memory_space<vmem>>
    %dma_start3A_182 = arith.constant 0 : i32
    %dma_start3A_183 = tpu.memref_slice %arg4[%add3A_176, %dma_start3A_182] : memref<8192x1024xf32, #tpu.memory_space<hbm>> -> memref<32x1024xf32, #tpu.memory_space<hbm>>
    %dma_start3A_184 = arith.constant 0 : i32
    %dma_start3A_185 = tpu.memref_slice %arg4[%add3A_176, %dma_start3A_184] : memref<8192x1024xf32, #tpu.memory_space<hbm>> -> memref<32x1024xf32, #tpu.memory_space<hbm>>
    %dma_start3A_186 = arith.constant 0 : i32
    %dma_start3A_187 = arith.constant 0 : i32
    %dma_start3A_188 = tpu.memref_slice %arg6[%dma_start3A_177, %dma_start3A_186, %dma_start3A_187] : memref<2x32x1024xf32, #tpu.memory_space<vmem>> -> memref<1x32x1024xf32, #tpu.memory_space<vmem>>
    %dma_start3A_189 = tpu.memref_squeeze %dma_start3A_188 : memref<1x32x1024xf32, #tpu.memory_space<vmem>> -> memref<32x1024xf32, #tpu.memory_space<vmem>>
    tpu.enqueue_dma source(%dma_start3A_189 : memref<32x1024xf32, #tpu.memory_space<vmem>>) target(%dma_start3A_185 : memref<32x1024xf32, #tpu.memory_space<hbm>>) target_semaphore(%arg10 : memref<!tpu.dma_semaphore, #tpu.memory_space<semaphore_mem>>)
    %dma_wait3A_190 = arith.constant 1 : i32
    %dma_wait3A_191 = arith.constant 0 : i32
    %dma_wait3A_192 = arith.constant 0 : i32
    %dma_wait3A_193 = tpu.memref_slice %arg6[%dma_wait3A_190, %dma_wait3A_191, %dma_wait3A_192] : memref<2x32x1024xf32, #tpu.memory_space<vmem>> -> memref<1x32x1024xf32, #tpu.memory_space<vmem>>
    %dma_wait3A_194 = tpu.memref_squeeze %dma_wait3A_193 : memref<1x32x1024xf32, #tpu.memory_space<vmem>> -> memref<32x1024xf32, #tpu.memory_space<vmem>>
    %dma_wait3A_195 = arith.constant 0 : i32
    %dma_wait3A_196 = tpu.memref_slice %arg4[%add3A_176, %dma_wait3A_195] : memref<8192x1024xf32, #tpu.memory_space<hbm>> -> memref<32x1024xf32, #tpu.memory_space<hbm>>
    %dma_wait3A_197 = arith.constant 0 : i32
    %dma_wait3A_198 = tpu.memref_slice %arg4[%add3A_176, %dma_wait3A_197] : memref<8192x1024xf32, #tpu.memory_space<hbm>> -> memref<32x1024xf32, #tpu.memory_space<hbm>>
    %dma_wait3A_199 = arith.constant 0 : i32
    %dma_wait3A_200 = arith.constant 0 : i32
    %dma_wait3A_201 = tpu.memref_slice %arg6[%dma_wait3A_190, %dma_wait3A_199, %dma_wait3A_200] : memref<2x32x1024xf32, #tpu.memory_space<vmem>> -> memref<1x32x1024xf32, #tpu.memory_space<vmem>>
    %dma_wait3A_202 = tpu.memref_squeeze %dma_wait3A_201 : memref<1x32x1024xf32, #tpu.memory_space<vmem>> -> memref<32x1024xf32, #tpu.memory_space<vmem>>
    tpu.wait_dma2 semaphore(%arg10 : memref<!tpu.dma_semaphore, #tpu.memory_space<semaphore_mem>>) src(%dma_wait3A_202 : memref<32x1024xf32, #tpu.memory_space<vmem>>) dst(%dma_wait3A_198 : memref<32x1024xf32, #tpu.memory_space<hbm>>)
    %dma_start3A_203 = arith.constant 1 : i32
    %dma_start3A_204 = arith.constant 0 : i32
    %dma_start3A_205 = arith.constant 0 : i32
    %dma_start3A_206 = tpu.memref_slice %arg6[%dma_start3A_203, %dma_start3A_204, %dma_start3A_205] : memref<2x32x1024xf32, #tpu.memory_space<vmem>> -> memref<1x32x1024xf32, #tpu.memory_space<vmem>>
    %dma_start3A_207 = tpu.memref_squeeze %dma_start3A_206 : memref<1x32x1024xf32, #tpu.memory_space<vmem>> -> memref<32x1024xf32, #tpu.memory_space<vmem>>
    %dma_start3A_208 = arith.constant 160 : i32
    %dma_start3A_209 = tpu.memref_slice %arg5[%dma_start3A_208] : memref<256xi32, #tpu.memory_space<vmem>> -> memref<32xi32, #tpu.memory_space<vmem>>
    %dma_start3A_210 = arith.constant 0 : i32
    %dma_start3A_211 = arith.constant 0 : i32
    %dma_start3A_212 = tpu.memref_slice %arg2[%dma_start3A_210, %dma_start3A_211] : memref<30522x1024xf32, #tpu.memory_space<hbm>> -> memref<30522x1024xf32, #tpu.memory_space<hbm>>
    tpu.enqueue_indirect_dma source(%dma_start3A_212 : memref<30522x1024xf32, #tpu.memory_space<hbm>>) target(%dma_start3A_207 : memref<32x1024xf32, #tpu.memory_space<vmem>>) offsets(%dma_start3A_209 : memref<32xi32, #tpu.memory_space<vmem>>) semaphore(%arg8 : memref<!tpu.dma_semaphore, #tpu.memory_space<semaphore_mem>>)
    %dma_wait3A_213 = arith.constant 0 : i32
    %dma_wait3A_214 = arith.constant 0 : i32
    %dma_wait3A_215 = arith.constant 0 : i32
    %dma_wait3A_216 = tpu.memref_slice %arg6[%dma_wait3A_213, %dma_wait3A_214, %dma_wait3A_215] : memref<2x32x1024xf32, #tpu.memory_space<vmem>> -> memref<1x32x1024xf32, #tpu.memory_space<vmem>>
    %dma_wait3A_217 = tpu.memref_squeeze %dma_wait3A_216 : memref<1x32x1024xf32, #tpu.memory_space<vmem>> -> memref<32x1024xf32, #tpu.memory_space<vmem>>
    %dma_wait3A_218 = arith.constant 128 : i32
    %dma_wait3A_219 = tpu.memref_slice %arg5[%dma_wait3A_218] : memref<256xi32, #tpu.memory_space<vmem>> -> memref<32xi32, #tpu.memory_space<vmem>>
    %dma_wait3A_220 = arith.constant 0 : i32
    %dma_wait3A_221 = arith.constant 0 : i32
    %dma_wait3A_222 = tpu.memref_slice %arg2[%dma_wait3A_220, %dma_wait3A_221] : memref<30522x1024xf32, #tpu.memory_space<hbm>> -> memref<30522x1024xf32, #tpu.memory_space<hbm>>
    tpu.wait_indirect_dma semaphore(%arg7 : memref<!tpu.dma_semaphore, #tpu.memory_space<semaphore_mem>>) src(%dma_wait3A_222 : memref<30522x1024xf32, #tpu.memory_space<hbm>>) dst(%dma_wait3A_217 : memref<32x1024xf32, #tpu.memory_space<vmem>>)
    %add3A_223 = arith.constant 128 : i32
    %add3A_224 = arith.addi %mul3A_2, %add3A_223 : i32
    %dma_start3A_225 = arith.constant 0 : i32
    %dma_start3A_226 = arith.constant 0 : i32
    %dma_start3A_227 = arith.constant 0 : i32
    %dma_start3A_228 = tpu.memref_slice %arg6[%dma_start3A_225, %dma_start3A_226, %dma_start3A_227] : memref<2x32x1024xf32, #tpu.memory_space<vmem>> -> memref<1x32x1024xf32, #tpu.memory_space<vmem>>
    %dma_start3A_229 = tpu.memref_squeeze %dma_start3A_228 : memref<1x32x1024xf32, #tpu.memory_space<vmem>> -> memref<32x1024xf32, #tpu.memory_space<vmem>>
    %dma_start3A_230 = arith.constant 0 : i32
    %dma_start3A_231 = tpu.memref_slice %arg4[%add3A_224, %dma_start3A_230] : memref<8192x1024xf32, #tpu.memory_space<hbm>> -> memref<32x1024xf32, #tpu.memory_space<hbm>>
    %dma_start3A_232 = arith.constant 0 : i32
    %dma_start3A_233 = tpu.memref_slice %arg4[%add3A_224, %dma_start3A_232] : memref<8192x1024xf32, #tpu.memory_space<hbm>> -> memref<32x1024xf32, #tpu.memory_space<hbm>>
    %dma_start3A_234 = arith.constant 0 : i32
    %dma_start3A_235 = arith.constant 0 : i32
    %dma_start3A_236 = tpu.memref_slice %arg6[%dma_start3A_225, %dma_start3A_234, %dma_start3A_235] : memref<2x32x1024xf32, #tpu.memory_space<vmem>> -> memref<1x32x1024xf32, #tpu.memory_space<vmem>>
    %dma_start3A_237 = tpu.memref_squeeze %dma_start3A_236 : memref<1x32x1024xf32, #tpu.memory_space<vmem>> -> memref<32x1024xf32, #tpu.memory_space<vmem>>
    tpu.enqueue_dma source(%dma_start3A_237 : memref<32x1024xf32, #tpu.memory_space<vmem>>) target(%dma_start3A_233 : memref<32x1024xf32, #tpu.memory_space<hbm>>) target_semaphore(%arg9 : memref<!tpu.dma_semaphore, #tpu.memory_space<semaphore_mem>>)
    %dma_wait3A_238 = arith.constant 0 : i32
    %dma_wait3A_239 = arith.constant 0 : i32
    %dma_wait3A_240 = arith.constant 0 : i32
    %dma_wait3A_241 = tpu.memref_slice %arg6[%dma_wait3A_238, %dma_wait3A_239, %dma_wait3A_240] : memref<2x32x1024xf32, #tpu.memory_space<vmem>> -> memref<1x32x1024xf32, #tpu.memory_space<vmem>>
    %dma_wait3A_242 = tpu.memref_squeeze %dma_wait3A_241 : memref<1x32x1024xf32, #tpu.memory_space<vmem>> -> memref<32x1024xf32, #tpu.memory_space<vmem>>
    %dma_wait3A_243 = arith.constant 0 : i32
    %dma_wait3A_244 = tpu.memref_slice %arg4[%add3A_224, %dma_wait3A_243] : memref<8192x1024xf32, #tpu.memory_space<hbm>> -> memref<32x1024xf32, #tpu.memory_space<hbm>>
    %dma_wait3A_245 = arith.constant 0 : i32
    %dma_wait3A_246 = tpu.memref_slice %arg4[%add3A_224, %dma_wait3A_245] : memref<8192x1024xf32, #tpu.memory_space<hbm>> -> memref<32x1024xf32, #tpu.memory_space<hbm>>
    %dma_wait3A_247 = arith.constant 0 : i32
    %dma_wait3A_248 = arith.constant 0 : i32
    %dma_wait3A_249 = tpu.memref_slice %arg6[%dma_wait3A_238, %dma_wait3A_247, %dma_wait3A_248] : memref<2x32x1024xf32, #tpu.memory_space<vmem>> -> memref<1x32x1024xf32, #tpu.memory_space<vmem>>
    %dma_wait3A_250 = tpu.memref_squeeze %dma_wait3A_249 : memref<1x32x1024xf32, #tpu.memory_space<vmem>> -> memref<32x1024xf32, #tpu.memory_space<vmem>>
    tpu.wait_dma2 semaphore(%arg9 : memref<!tpu.dma_semaphore, #tpu.memory_space<semaphore_mem>>) src(%dma_wait3A_250 : memref<32x1024xf32, #tpu.memory_space<vmem>>) dst(%dma_wait3A_246 : memref<32x1024xf32, #tpu.memory_space<hbm>>)
    %dma_start3A_251 = arith.constant 0 : i32
    %dma_start3A_252 = arith.constant 0 : i32
    %dma_start3A_253 = arith.constant 0 : i32
    %dma_start3A_254 = tpu.memref_slice %arg6[%dma_start3A_251, %dma_start3A_252, %dma_start3A_253] : memref<2x32x1024xf32, #tpu.memory_space<vmem>> -> memref<1x32x1024xf32, #tpu.memory_space<vmem>>
    %dma_start3A_255 = tpu.memref_squeeze %dma_start3A_254 : memref<1x32x1024xf32, #tpu.memory_space<vmem>> -> memref<32x1024xf32, #tpu.memory_space<vmem>>
    %dma_start3A_256 = arith.constant 192 : i32
    %dma_start3A_257 = tpu.memref_slice %arg5[%dma_start3A_256] : memref<256xi32, #tpu.memory_space<vmem>> -> memref<32xi32, #tpu.memory_space<vmem>>
    %dma_start3A_258 = arith.constant 0 : i32
    %dma_start3A_259 = arith.constant 0 : i32
    %dma_start3A_260 = tpu.memref_slice %arg2[%dma_start3A_258, %dma_start3A_259] : memref<30522x1024xf32, #tpu.memory_space<hbm>> -> memref<30522x1024xf32, #tpu.memory_space<hbm>>
    tpu.enqueue_indirect_dma source(%dma_start3A_260 : memref<30522x1024xf32, #tpu.memory_space<hbm>>) target(%dma_start3A_255 : memref<32x1024xf32, #tpu.memory_space<vmem>>) offsets(%dma_start3A_257 : memref<32xi32, #tpu.memory_space<vmem>>) semaphore(%arg7 : memref<!tpu.dma_semaphore, #tpu.memory_space<semaphore_mem>>)
    %dma_wait3A_261 = arith.constant 1 : i32
    %dma_wait3A_262 = arith.constant 0 : i32
    %dma_wait3A_263 = arith.constant 0 : i32
    %dma_wait3A_264 = tpu.memref_slice %arg6[%dma_wait3A_261, %dma_wait3A_262, %dma_wait3A_263] : memref<2x32x1024xf32, #tpu.memory_space<vmem>> -> memref<1x32x1024xf32, #tpu.memory_space<vmem>>
    %dma_wait3A_265 = tpu.memref_squeeze %dma_wait3A_264 : memref<1x32x1024xf32, #tpu.memory_space<vmem>> -> memref<32x1024xf32, #tpu.memory_space<vmem>>
    %dma_wait3A_266 = arith.constant 160 : i32
    %dma_wait3A_267 = tpu.memref_slice %arg5[%dma_wait3A_266] : memref<256xi32, #tpu.memory_space<vmem>> -> memref<32xi32, #tpu.memory_space<vmem>>
    %dma_wait3A_268 = arith.constant 0 : i32
    %dma_wait3A_269 = arith.constant 0 : i32
    %dma_wait3A_270 = tpu.memref_slice %arg2[%dma_wait3A_268, %dma_wait3A_269] : memref<30522x1024xf32, #tpu.memory_space<hbm>> -> memref<30522x1024xf32, #tpu.memory_space<hbm>>
    tpu.wait_indirect_dma semaphore(%arg8 : memref<!tpu.dma_semaphore, #tpu.memory_space<semaphore_mem>>) src(%dma_wait3A_270 : memref<30522x1024xf32, #tpu.memory_space<hbm>>) dst(%dma_wait3A_265 : memref<32x1024xf32, #tpu.memory_space<vmem>>)
    %add3A_271 = arith.constant 160 : i32
    %add3A_272 = arith.addi %mul3A_2, %add3A_271 : i32
    %dma_start3A_273 = arith.constant 1 : i32
    %dma_start3A_274 = arith.constant 0 : i32
    %dma_start3A_275 = arith.constant 0 : i32
    %dma_start3A_276 = tpu.memref_slice %arg6[%dma_start3A_273, %dma_start3A_274, %dma_start3A_275] : memref<2x32x1024xf32, #tpu.memory_space<vmem>> -> memref<1x32x1024xf32, #tpu.memory_space<vmem>>
    %dma_start3A_277 = tpu.memref_squeeze %dma_start3A_276 : memref<1x32x1024xf32, #tpu.memory_space<vmem>> -> memref<32x1024xf32, #tpu.memory_space<vmem>>
    %dma_start3A_278 = arith.constant 0 : i32
    %dma_start3A_279 = tpu.memref_slice %arg4[%add3A_272, %dma_start3A_278] : memref<8192x1024xf32, #tpu.memory_space<hbm>> -> memref<32x1024xf32, #tpu.memory_space<hbm>>
    %dma_start3A_280 = arith.constant 0 : i32
    %dma_start3A_281 = tpu.memref_slice %arg4[%add3A_272, %dma_start3A_280] : memref<8192x1024xf32, #tpu.memory_space<hbm>> -> memref<32x1024xf32, #tpu.memory_space<hbm>>
    %dma_start3A_282 = arith.constant 0 : i32
    %dma_start3A_283 = arith.constant 0 : i32
    %dma_start3A_284 = tpu.memref_slice %arg6[%dma_start3A_273, %dma_start3A_282, %dma_start3A_283] : memref<2x32x1024xf32, #tpu.memory_space<vmem>> -> memref<1x32x1024xf32, #tpu.memory_space<vmem>>
    %dma_start3A_285 = tpu.memref_squeeze %dma_start3A_284 : memref<1x32x1024xf32, #tpu.memory_space<vmem>> -> memref<32x1024xf32, #tpu.memory_space<vmem>>
    tpu.enqueue_dma source(%dma_start3A_285 : memref<32x1024xf32, #tpu.memory_space<vmem>>) target(%dma_start3A_281 : memref<32x1024xf32, #tpu.memory_space<hbm>>) target_semaphore(%arg10 : memref<!tpu.dma_semaphore, #tpu.memory_space<semaphore_mem>>)
    %dma_wait3A_286 = arith.constant 1 : i32
    %dma_wait3A_287 = arith.constant 0 : i32
    %dma_wait3A_288 = arith.constant 0 : i32
    %dma_wait3A_289 = tpu.memref_slice %arg6[%dma_wait3A_286, %dma_wait3A_287, %dma_wait3A_288] : memref<2x32x1024xf32, #tpu.memory_space<vmem>> -> memref<1x32x1024xf32, #tpu.memory_space<vmem>>
    %dma_wait3A_290 = tpu.memref_squeeze %dma_wait3A_289 : memref<1x32x1024xf32, #tpu.memory_space<vmem>> -> memref<32x1024xf32, #tpu.memory_space<vmem>>
    %dma_wait3A_291 = arith.constant 0 : i32
    %dma_wait3A_292 = tpu.memref_slice %arg4[%add3A_272, %dma_wait3A_291] : memref<8192x1024xf32, #tpu.memory_space<hbm>> -> memref<32x1024xf32, #tpu.memory_space<hbm>>
    %dma_wait3A_293 = arith.constant 0 : i32
    %dma_wait3A_294 = tpu.memref_slice %arg4[%add3A_272, %dma_wait3A_293] : memref<8192x1024xf32, #tpu.memory_space<hbm>> -> memref<32x1024xf32, #tpu.memory_space<hbm>>
    %dma_wait3A_295 = arith.constant 0 : i32
    %dma_wait3A_296 = arith.constant 0 : i32
    %dma_wait3A_297 = tpu.memref_slice %arg6[%dma_wait3A_286, %dma_wait3A_295, %dma_wait3A_296] : memref<2x32x1024xf32, #tpu.memory_space<vmem>> -> memref<1x32x1024xf32, #tpu.memory_space<vmem>>
    %dma_wait3A_298 = tpu.memref_squeeze %dma_wait3A_297 : memref<1x32x1024xf32, #tpu.memory_space<vmem>> -> memref<32x1024xf32, #tpu.memory_space<vmem>>
    tpu.wait_dma2 semaphore(%arg10 : memref<!tpu.dma_semaphore, #tpu.memory_space<semaphore_mem>>) src(%dma_wait3A_298 : memref<32x1024xf32, #tpu.memory_space<vmem>>) dst(%dma_wait3A_294 : memref<32x1024xf32, #tpu.memory_space<hbm>>)
    %dma_start3A_299 = arith.constant 1 : i32
    %dma_start3A_300 = arith.constant 0 : i32
    %dma_start3A_301 = arith.constant 0 : i32
    %dma_start3A_302 = tpu.memref_slice %arg6[%dma_start3A_299, %dma_start3A_300, %dma_start3A_301] : memref<2x32x1024xf32, #tpu.memory_space<vmem>> -> memref<1x32x1024xf32, #tpu.memory_space<vmem>>
    %dma_start3A_303 = tpu.memref_squeeze %dma_start3A_302 : memref<1x32x1024xf32, #tpu.memory_space<vmem>> -> memref<32x1024xf32, #tpu.memory_space<vmem>>
    %dma_start3A_304 = arith.constant 224 : i32
    %dma_start3A_305 = tpu.memref_slice %arg5[%dma_start3A_304] : memref<256xi32, #tpu.memory_space<vmem>> -> memref<32xi32, #tpu.memory_space<vmem>>
    %dma_start3A_306 = arith.constant 0 : i32
    %dma_start3A_307 = arith.constant 0 : i32
    %dma_start3A_308 = tpu.memref_slice %arg2[%dma_start3A_306, %dma_start3A_307] : memref<30522x1024xf32, #tpu.memory_space<hbm>> -> memref<30522x1024xf32, #tpu.memory_space<hbm>>
    tpu.enqueue_indirect_dma source(%dma_start3A_308 : memref<30522x1024xf32, #tpu.memory_space<hbm>>) target(%dma_start3A_303 : memref<32x1024xf32, #tpu.memory_space<vmem>>) offsets(%dma_start3A_305 : memref<32xi32, #tpu.memory_space<vmem>>) semaphore(%arg8 : memref<!tpu.dma_semaphore, #tpu.memory_space<semaphore_mem>>)
    %dma_wait3A_309 = arith.constant 0 : i32
    %dma_wait3A_310 = arith.constant 0 : i32
    %dma_wait3A_311 = arith.constant 0 : i32
    %dma_wait3A_312 = tpu.memref_slice %arg6[%dma_wait3A_309, %dma_wait3A_310, %dma_wait3A_311] : memref<2x32x1024xf32, #tpu.memory_space<vmem>> -> memref<1x32x1024xf32, #tpu.memory_space<vmem>>
    %dma_wait3A_313 = tpu.memref_squeeze %dma_wait3A_312 : memref<1x32x1024xf32, #tpu.memory_space<vmem>> -> memref<32x1024xf32, #tpu.memory_space<vmem>>
    %dma_wait3A_314 = arith.constant 192 : i32
    %dma_wait3A_315 = tpu.memref_slice %arg5[%dma_wait3A_314] : memref<256xi32, #tpu.memory_space<vmem>> -> memref<32xi32, #tpu.memory_space<vmem>>
    %dma_wait3A_316 = arith.constant 0 : i32
    %dma_wait3A_317 = arith.constant 0 : i32
    %dma_wait3A_318 = tpu.memref_slice %arg2[%dma_wait3A_316, %dma_wait3A_317] : memref<30522x1024xf32, #tpu.memory_space<hbm>> -> memref<30522x1024xf32, #tpu.memory_space<hbm>>
    tpu.wait_indirect_dma semaphore(%arg7 : memref<!tpu.dma_semaphore, #tpu.memory_space<semaphore_mem>>) src(%dma_wait3A_318 : memref<30522x1024xf32, #tpu.memory_space<hbm>>) dst(%dma_wait3A_313 : memref<32x1024xf32, #tpu.memory_space<vmem>>)
    %add3A_319 = arith.constant 192 : i32
    %add3A_320 = arith.addi %mul3A_2, %add3A_319 : i32
    %dma_start3A_321 = arith.constant 0 : i32
    %dma_start3A_322 = arith.constant 0 : i32
    %dma_start3A_323 = arith.constant 0 : i32
    %dma_start3A_324 = tpu.memref_slice %arg6[%dma_start3A_321, %dma_start3A_322, %dma_start3A_323] : memref<2x32x1024xf32, #tpu.memory_space<vmem>> -> memref<1x32x1024xf32, #tpu.memory_space<vmem>>
    %dma_start3A_325 = tpu.memref_squeeze %dma_start3A_324 : memref<1x32x1024xf32, #tpu.memory_space<vmem>> -> memref<32x1024xf32, #tpu.memory_space<vmem>>
    %dma_start3A_326 = arith.constant 0 : i32
    %dma_start3A_327 = tpu.memref_slice %arg4[%add3A_320, %dma_start3A_326] : memref<8192x1024xf32, #tpu.memory_space<hbm>> -> memref<32x1024xf32, #tpu.memory_space<hbm>>
    %dma_start3A_328 = arith.constant 0 : i32
    %dma_start3A_329 = tpu.memref_slice %arg4[%add3A_320, %dma_start3A_328] : memref<8192x1024xf32, #tpu.memory_space<hbm>> -> memref<32x1024xf32, #tpu.memory_space<hbm>>
    %dma_start3A_330 = arith.constant 0 : i32
    %dma_start3A_331 = arith.constant 0 : i32
    %dma_start3A_332 = tpu.memref_slice %arg6[%dma_start3A_321, %dma_start3A_330, %dma_start3A_331] : memref<2x32x1024xf32, #tpu.memory_space<vmem>> -> memref<1x32x1024xf32, #tpu.memory_space<vmem>>
    %dma_start3A_333 = tpu.memref_squeeze %dma_start3A_332 : memref<1x32x1024xf32, #tpu.memory_space<vmem>> -> memref<32x1024xf32, #tpu.memory_space<vmem>>
    tpu.enqueue_dma source(%dma_start3A_333 : memref<32x1024xf32, #tpu.memory_space<vmem>>) target(%dma_start3A_329 : memref<32x1024xf32, #tpu.memory_space<hbm>>) target_semaphore(%arg9 : memref<!tpu.dma_semaphore, #tpu.memory_space<semaphore_mem>>)
    %dma_wait3A_334 = arith.constant 1 : i32
    %dma_wait3A_335 = arith.constant 0 : i32
    %dma_wait3A_336 = arith.constant 0 : i32
    %dma_wait3A_337 = tpu.memref_slice %arg6[%dma_wait3A_334, %dma_wait3A_335, %dma_wait3A_336] : memref<2x32x1024xf32, #tpu.memory_space<vmem>> -> memref<1x32x1024xf32, #tpu.memory_space<vmem>>
    %dma_wait3A_338 = tpu.memref_squeeze %dma_wait3A_337 : memref<1x32x1024xf32, #tpu.memory_space<vmem>> -> memref<32x1024xf32, #tpu.memory_space<vmem>>
    %dma_wait3A_339 = arith.constant 224 : i32
    %dma_wait3A_340 = tpu.memref_slice %arg5[%dma_wait3A_339] : memref<256xi32, #tpu.memory_space<vmem>> -> memref<32xi32, #tpu.memory_space<vmem>>
    %dma_wait3A_341 = arith.constant 0 : i32
    %dma_wait3A_342 = arith.constant 0 : i32
    %dma_wait3A_343 = tpu.memref_slice %arg2[%dma_wait3A_341, %dma_wait3A_342] : memref<30522x1024xf32, #tpu.memory_space<hbm>> -> memref<30522x1024xf32, #tpu.memory_space<hbm>>
    tpu.wait_indirect_dma semaphore(%arg8 : memref<!tpu.dma_semaphore, #tpu.memory_space<semaphore_mem>>) src(%dma_wait3A_343 : memref<30522x1024xf32, #tpu.memory_space<hbm>>) dst(%dma_wait3A_338 : memref<32x1024xf32, #tpu.memory_space<vmem>>)
    %add3A_344 = arith.constant 224 : i32
    %add3A_345 = arith.addi %mul3A_2, %add3A_344 : i32
    %dma_start3A_346 = arith.constant 1 : i32
    %dma_start3A_347 = arith.constant 0 : i32
    %dma_start3A_348 = arith.constant 0 : i32
    %dma_start3A_349 = tpu.memref_slice %arg6[%dma_start3A_346, %dma_start3A_347, %dma_start3A_348] : memref<2x32x1024xf32, #tpu.memory_space<vmem>> -> memref<1x32x1024xf32, #tpu.memory_space<vmem>>
    %dma_start3A_350 = tpu.memref_squeeze %dma_start3A_349 : memref<1x32x1024xf32, #tpu.memory_space<vmem>> -> memref<32x1024xf32, #tpu.memory_space<vmem>>
    %dma_start3A_351 = arith.constant 0 : i32
    %dma_start3A_352 = tpu.memref_slice %arg4[%add3A_345, %dma_start3A_351] : memref<8192x1024xf32, #tpu.memory_space<hbm>> -> memref<32x1024xf32, #tpu.memory_space<hbm>>
    %dma_start3A_353 = arith.constant 0 : i32
    %dma_start3A_354 = tpu.memref_slice %arg4[%add3A_345, %dma_start3A_353] : memref<8192x1024xf32, #tpu.memory_space<hbm>> -> memref<32x1024xf32, #tpu.memory_space<hbm>>
    %dma_start3A_355 = arith.constant 0 : i32
    %dma_start3A_356 = arith.constant 0 : i32
    %dma_start3A_357 = tpu.memref_slice %arg6[%dma_start3A_346, %dma_start3A_355, %dma_start3A_356] : memref<2x32x1024xf32, #tpu.memory_space<vmem>> -> memref<1x32x1024xf32, #tpu.memory_space<vmem>>
    %dma_start3A_358 = tpu.memref_squeeze %dma_start3A_357 : memref<1x32x1024xf32, #tpu.memory_space<vmem>> -> memref<32x1024xf32, #tpu.memory_space<vmem>>
    tpu.enqueue_dma source(%dma_start3A_358 : memref<32x1024xf32, #tpu.memory_space<vmem>>) target(%dma_start3A_354 : memref<32x1024xf32, #tpu.memory_space<hbm>>) target_semaphore(%arg10 : memref<!tpu.dma_semaphore, #tpu.memory_space<semaphore_mem>>)
    %dma_wait3A_359 = arith.constant 0 : i32
    %dma_wait3A_360 = arith.constant 0 : i32
    %dma_wait3A_361 = arith.constant 0 : i32
    %dma_wait3A_362 = tpu.memref_slice %arg6[%dma_wait3A_359, %dma_wait3A_360, %dma_wait3A_361] : memref<2x32x1024xf32, #tpu.memory_space<vmem>> -> memref<1x32x1024xf32, #tpu.memory_space<vmem>>
    %dma_wait3A_363 = tpu.memref_squeeze %dma_wait3A_362 : memref<1x32x1024xf32, #tpu.memory_space<vmem>> -> memref<32x1024xf32, #tpu.memory_space<vmem>>
    %dma_wait3A_364 = arith.constant 0 : i32
    %dma_wait3A_365 = tpu.memref_slice %arg4[%add3A_320, %dma_wait3A_364] : memref<8192x1024xf32, #tpu.memory_space<hbm>> -> memref<32x1024xf32, #tpu.memory_space<hbm>>
    %dma_wait3A_366 = arith.constant 0 : i32
    %dma_wait3A_367 = tpu.memref_slice %arg4[%add3A_320, %dma_wait3A_366] : memref<8192x1024xf32, #tpu.memory_space<hbm>> -> memref<32x1024xf32, #tpu.memory_space<hbm>>
    %dma_wait3A_368 = arith.constant 0 : i32
    %dma_wait3A_369 = arith.constant 0 : i32
    %dma_wait3A_370 = tpu.memref_slice %arg6[%dma_wait3A_359, %dma_wait3A_368, %dma_wait3A_369] : memref<2x32x1024xf32, #tpu.memory_space<vmem>> -> memref<1x32x1024xf32, #tpu.memory_space<vmem>>
    %dma_wait3A_371 = tpu.memref_squeeze %dma_wait3A_370 : memref<1x32x1024xf32, #tpu.memory_space<vmem>> -> memref<32x1024xf32, #tpu.memory_space<vmem>>
    tpu.wait_dma2 semaphore(%arg9 : memref<!tpu.dma_semaphore, #tpu.memory_space<semaphore_mem>>) src(%dma_wait3A_371 : memref<32x1024xf32, #tpu.memory_space<vmem>>) dst(%dma_wait3A_367 : memref<32x1024xf32, #tpu.memory_space<hbm>>)
    %dma_wait3A_372 = arith.constant 1 : i32
    %dma_wait3A_373 = arith.constant 0 : i32
    %dma_wait3A_374 = arith.constant 0 : i32
    %dma_wait3A_375 = tpu.memref_slice %arg6[%dma_wait3A_372, %dma_wait3A_373, %dma_wait3A_374] : memref<2x32x1024xf32, #tpu.memory_space<vmem>> -> memref<1x32x1024xf32, #tpu.memory_space<vmem>>
    %dma_wait3A_376 = tpu.memref_squeeze %dma_wait3A_375 : memref<1x32x1024xf32, #tpu.memory_space<vmem>> -> memref<32x1024xf32, #tpu.memory_space<vmem>>
    %dma_wait3A_377 = arith.constant 0 : i32
    %dma_wait3A_378 = tpu.memref_slice %arg4[%add3A_345, %dma_wait3A_377] : memref<8192x1024xf32, #tpu.memory_space<hbm>> -> memref<32x1024xf32, #tpu.memory_space<hbm>>
    %dma_wait3A_379 = arith.constant 0 : i32
    %dma_wait3A_380 = tpu.memref_slice %arg4[%add3A_345, %dma_wait3A_379] : memref<8192x1024xf32, #tpu.memory_space<hbm>> -> memref<32x1024xf32, #tpu.memory_space<hbm>>
    %dma_wait3A_381 = arith.constant 0 : i32
    %dma_wait3A_382 = arith.constant 0 : i32
    %dma_wait3A_383 = tpu.memref_slice %arg6[%dma_wait3A_372, %dma_wait3A_381, %dma_wait3A_382] : memref<2x32x1024xf32, #tpu.memory_space<vmem>> -> memref<1x32x1024xf32, #tpu.memory_space<vmem>>
    %dma_wait3A_384 = tpu.memref_squeeze %dma_wait3A_383 : memref<1x32x1024xf32, #tpu.memory_space<vmem>> -> memref<32x1024xf32, #tpu.memory_space<vmem>>
    tpu.wait_dma2 semaphore(%arg10 : memref<!tpu.dma_semaphore, #tpu.memory_space<semaphore_mem>>) src(%dma_wait3A_384 : memref<32x1024xf32, #tpu.memory_space<vmem>>) dst(%dma_wait3A_380 : memref<32x1024xf32, #tpu.memory_space<hbm>>)
    return
  }
}

module attributes {stable_mosaic.version = 14 : i64} {
  func.func @_ln_body_carry(%arg0: i32, %arg1: i32, %arg2: memref<1x512x1024xf32, #tpu.memory_space<vmem>>, %arg3: memref<512x1024xf32, #tpu.memory_space<vmem>>, %arg4: memref<2x1024xf32, #tpu.memory_space<vmem>>, %arg5: memref<1x512x1xf32, #tpu.memory_space<vmem>>, %arg6: memref<1x1024xf32, #tpu.memory_space<vmem>>, %arg7: memref<1x1024xf32, #tpu.memory_space<vmem>>, %arg8: memref<32x512x1024xf32, #tpu.memory_space<any>>, %arg9: memref<1x512x1024xf32, #tpu.memory_space<vmem>>) attributes {dimension_semantics = [#tpu.dimension_semantics<arbitrary>, #tpu.dimension_semantics<arbitrary>], iteration_bounds = array<i64: 16, 1>, scalar_prefetch = 0 : i64, scratch_operands = 0 : i64, tpu.core_type = #tpu.core_type<tc>, window_params = [{transform_indices = @transform_0, window_bounds = array<i64: 1, 512, 1024>}, {transform_indices = @transform_1, window_bounds = array<i64: 512, 1024>}, {pipeline_mode = #tpu.pipeline_mode<synchronous>, transform_indices = @transform_2, window_bounds = array<i64: 2, 1024>}, {transform_indices = @transform_3, window_bounds = array<i64: 1, 512, 1>}, {pipeline_mode = #tpu.pipeline_mode<synchronous>, transform_indices = @transform_4, window_bounds = array<i64: 1, 1024>}, {pipeline_mode = #tpu.pipeline_mode<synchronous>, transform_indices = @transform_5, window_bounds = array<i64: 1, 1024>}, {}, {transform_indices = @transform_7, window_bounds = array<i64: 1, 512, 1024>}]} {
    %get3A = arith.constant 0 : index
    %get3A_0 = arith.constant 0 : index
    %get3A_1 = arith.constant 0 : index
    %get3A_2 = vector.load %arg2[%get3A, %get3A_0, %get3A_1] : memref<1x512x1024xf32, #tpu.memory_space<vmem>>, vector<1x512x1024xf32>
    %get3A_3 = vector.shape_cast %get3A_2 : vector<1x512x1024xf32> to vector<512x1024xf32>
    %get3A_4 = arith.constant 0 : index
    %get3A_5 = arith.constant 0 : index
    %get3A_6 = vector.load %arg3[%get3A_4, %get3A_5] : memref<512x1024xf32, #tpu.memory_space<vmem>>, vector<512x1024xf32>
    %add3A = arith.addf %get3A_3, %get3A_6 : vector<512x1024xf32>
    %get3A_7 = arith.constant 0 : index
    %get3A_8 = arith.constant 0 : index
    %get3A_9 = arith.constant 0 : index
    %get3A_10 = vector.load %arg5[%get3A_7, %get3A_8, %get3A_9] : memref<1x512x1xf32, #tpu.memory_space<vmem>>, vector<1x512x1xf32>
    %get3A_11 = vector.shape_cast %get3A_10 : vector<1x512x1xf32> to vector<512x1xf32>
    %get3A_12 = arith.constant 0 : index
    %get3A_13 = arith.constant 0 : index
    %get3A_14 = vector.load %arg4[%get3A_12, %get3A_13] : memref<2x1024xf32, #tpu.memory_space<vmem>>, vector<1x1024xf32>
    %get3A_15 = vector.shape_cast %get3A_14 : vector<1x1024xf32> to vector<1024xf32>
    %get3A_16 = arith.constant 1 : index
    %get3A_17 = arith.constant 0 : index
    %get3A_18 = vector.load %arg4[%get3A_16, %get3A_17] : memref<2x1024xf32, #tpu.memory_space<vmem>>, vector<1x1024xf32>
    %get3A_19 = vector.shape_cast %get3A_18 : vector<1x1024xf32> to vector<1024xf32>
    %broadcast_in_dim3A = vector.shape_cast %get3A_15 : vector<1024xf32> to vector<1x1024xf32>
    %add3A_20 = vector.broadcast %broadcast_in_dim3A : vector<1x1024xf32> to vector<512x1024xf32>
    %add3A_21 = arith.addf %add3A, %add3A_20 : vector<512x1024xf32>
    %sub3A = arith.subf %get3A_19, %get3A_15 : vector<1024xf32>
    %broadcast_in_dim3A_22 = vector.shape_cast %sub3A : vector<1024xf32> to vector<1x1024xf32>
    %mul3A = vector.broadcast %get3A_11 : vector<512x1xf32> to vector<512x1024xf32>
    %mul3A_23 = vector.broadcast %broadcast_in_dim3A_22 : vector<1x1024xf32> to vector<512x1024xf32>
    %mul3A_24 = arith.mulf %mul3A, %mul3A_23 : vector<512x1024xf32>
    %add3A_25 = arith.addf %add3A_21, %mul3A_24 : vector<512x1024xf32>
    %reduce_sum3A = arith.constant dense<0.000000e+00> : vector<512xf32>
    %reduce_sum3A_26 = vector.multi_reduction <add>, %add3A_25, %reduce_sum3A [1] : vector<512x1024xf32> to vector<512xf32>
    %broadcast_in_dim3A_27 = vector.shape_cast %reduce_sum3A_26 : vector<512xf32> to vector<512x1xf32>
    %div3A = arith.constant 1.024000e+03 : f32
    %div3A_28 = vector.broadcast %div3A : f32 to vector<512x1xf32>
    %div3A_29 = arith.divf %broadcast_in_dim3A_27, %div3A_28 : vector<512x1xf32>
    %sub3A_30 = vector.broadcast %div3A_29 : vector<512x1xf32> to vector<512x1024xf32>
    %sub3A_31 = arith.subf %add3A_25, %sub3A_30 : vector<512x1024xf32>
    %mul3A_32 = arith.mulf %sub3A_31, %sub3A_31 : vector<512x1024xf32>
    %reduce_sum3A_33 = arith.constant dense<0.000000e+00> : vector<512xf32>
    %reduce_sum3A_34 = vector.multi_reduction <add>, %mul3A_32, %reduce_sum3A_33 [1] : vector<512x1024xf32> to vector<512xf32>
    %broadcast_in_dim3A_35 = vector.shape_cast %reduce_sum3A_34 : vector<512xf32> to vector<512x1xf32>
    %div3A_36 = arith.constant 1.024000e+03 : f32
    %div3A_37 = vector.broadcast %div3A_36 : f32 to vector<512x1xf32>
    %div3A_38 = arith.divf %broadcast_in_dim3A_35, %div3A_37 : vector<512x1xf32>
    %add3A_39 = arith.constant 9.99999996E-13 : f32
    %add3A_40 = vector.broadcast %add3A_39 : f32 to vector<512x1xf32>
    %add3A_41 = arith.addf %div3A_38, %add3A_40 : vector<512x1xf32>
    %rsqrt3A = math.rsqrt %add3A_41 : vector<512x1xf32>
    %mul3A_42 = vector.broadcast %rsqrt3A : vector<512x1xf32> to vector<512x1024xf32>
    %mul3A_43 = arith.mulf %sub3A_31, %mul3A_42 : vector<512x1024xf32>
    %get3A_44 = arith.constant 0 : index
    %get3A_45 = arith.constant 0 : index
    %get3A_46 = vector.load %arg6[%get3A_44, %get3A_45] : memref<1x1024xf32, #tpu.memory_space<vmem>>, vector<1x1024xf32>
    %get3A_47 = vector.shape_cast %get3A_46 : vector<1x1024xf32> to vector<1024xf32>
    %broadcast_in_dim3A_48 = vector.shape_cast %get3A_47 : vector<1024xf32> to vector<1x1024xf32>
    %mul3A_49 = vector.broadcast %broadcast_in_dim3A_48 : vector<1x1024xf32> to vector<512x1024xf32>
    %mul3A_50 = arith.mulf %mul3A_43, %mul3A_49 : vector<512x1024xf32>
    %get3A_51 = arith.constant 0 : index
    %get3A_52 = arith.constant 0 : index
    %get3A_53 = vector.load %arg7[%get3A_51, %get3A_52] : memref<1x1024xf32, #tpu.memory_space<vmem>>, vector<1x1024xf32>
    %get3A_54 = vector.shape_cast %get3A_53 : vector<1x1024xf32> to vector<1024xf32>
    %broadcast_in_dim3A_55 = vector.shape_cast %get3A_54 : vector<1024xf32> to vector<1x1024xf32>
    %add3A_56 = vector.broadcast %broadcast_in_dim3A_55 : vector<1x1024xf32> to vector<512x1024xf32>
    %add3A_57 = arith.addf %mul3A_50, %add3A_56 : vector<512x1024xf32>
    %swap3A = arith.constant 0 : index
    %swap3A_58 = arith.constant 0 : index
    %swap3A_59 = arith.constant 0 : index
    %swap3A_60 = vector.load %arg9[%swap3A, %swap3A_58, %swap3A_59] : memref<1x512x1024xf32, #tpu.memory_space<vmem>>, vector<1x512x1024xf32>
    %swap3A_61 = vector.shape_cast %swap3A_60 : vector<1x512x1024xf32> to vector<512x1024xf32>
    %swap3A_62 = vector.shape_cast %add3A_57 : vector<512x1024xf32> to vector<1x512x1024xf32>
    tpu.vector_store %arg9[%swap3A, %swap3A_58, %swap3A_59], %swap3A_62 {strides = array<i32>} : memref<1x512x1024xf32, #tpu.memory_space<vmem>>, vector<1x512x1024xf32>,
    return
  }
  func.func @transform_0(%arg0: i32, %arg1: i32) -> (i32, i32, i32) {
    %c0_i32 = arith.constant 0 : i32
    %c0_i32_0 = arith.constant 0 : i32
    return %arg0, %arg1, %c0_i32 : i32, i32, i32
  }
  func.func @transform_1(%arg0: i32, %arg1: i32) -> (i32, i32) {
    %c0_i32 = arith.constant 0 : i32
    %c0_i32_0 = arith.constant 0 : i32
    return %arg1, %c0_i32 : i32, i32
  }
  func.func @transform_2(%arg0: i32, %arg1: i32) -> (i32, i32) {
    %c0_i32 = arith.constant 0 : i32
    %c0_i32_0 = arith.constant 0 : i32
    %c0_i32_1 = arith.constant 0 : i32
    return %c0_i32, %c0_i32_0 : i32, i32
  }
  func.func @transform_3(%arg0: i32, %arg1: i32) -> (i32, i32, i32) {
    %c0_i32 = arith.constant 0 : i32
    %c0_i32_0 = arith.constant 0 : i32
    return %arg0, %arg1, %c0_i32 : i32, i32, i32
  }
  func.func @transform_4(%arg0: i32, %arg1: i32) -> (i32, i32) {
    %c0_i32 = arith.constant 0 : i32
    %c0_i32_0 = arith.constant 0 : i32
    %c0_i32_1 = arith.constant 0 : i32
    return %c0_i32, %c0_i32_0 : i32, i32
  }
  func.func @transform_5(%arg0: i32, %arg1: i32) -> (i32, i32) {
    %c0_i32 = arith.constant 0 : i32
    %c0_i32_0 = arith.constant 0 : i32
    %c0_i32_1 = arith.constant 0 : i32
    return %c0_i32, %c0_i32_0 : i32, i32
  }
  func.func @transform_7(%arg0: i32, %arg1: i32) -> (i32, i32, i32) {
    %add3A = arith.constant 16 : i32
    %add3A_0 = arith.addi %arg0, %add3A : i32
    %c0_i32 = arith.constant 0 : i32
    %c0_i32_1 = arith.constant 0 : i32
    return %add3A_0, %arg1, %c0_i32 : i32, i32, i32
  }
}

module attributes {stable_mosaic.version = 14 : i64} {
  func.func @_ln_body(%arg0: i32, %arg1: i32, %arg2: memref<1x512x1024xf32, #tpu.memory_space<vmem>>, %arg3: memref<512x1024xf32, #tpu.memory_space<vmem>>, %arg4: memref<2x1024xf32, #tpu.memory_space<vmem>>, %arg5: memref<1x512x1xf32, #tpu.memory_space<vmem>>, %arg6: memref<1x1024xf32, #tpu.memory_space<vmem>>, %arg7: memref<1x1024xf32, #tpu.memory_space<vmem>>, %arg8: memref<1x512x1024xf32, #tpu.memory_space<vmem>>) attributes {dimension_semantics = [#tpu.dimension_semantics<arbitrary>, #tpu.dimension_semantics<arbitrary>], iteration_bounds = array<i64: 16, 1>, scalar_prefetch = 0 : i64, scratch_operands = 0 : i64, tpu.core_type = #tpu.core_type<tc>, window_params = [{transform_indices = @transform_0, window_bounds = array<i64: 1, 512, 1024>}, {transform_indices = @transform_1, window_bounds = array<i64: 512, 1024>}, {pipeline_mode = #tpu.pipeline_mode<synchronous>, transform_indices = @transform_2, window_bounds = array<i64: 2, 1024>}, {transform_indices = @transform_3, window_bounds = array<i64: 1, 512, 1>}, {pipeline_mode = #tpu.pipeline_mode<synchronous>, transform_indices = @transform_4, window_bounds = array<i64: 1, 1024>}, {pipeline_mode = #tpu.pipeline_mode<synchronous>, transform_indices = @transform_5, window_bounds = array<i64: 1, 1024>}, {transform_indices = @transform_6, window_bounds = array<i64: 1, 512, 1024>}]} {
    %get3A = arith.constant 0 : index
    %get3A_0 = arith.constant 0 : index
    %get3A_1 = arith.constant 0 : index
    %get3A_2 = vector.load %arg2[%get3A, %get3A_0, %get3A_1] : memref<1x512x1024xf32, #tpu.memory_space<vmem>>, vector<1x512x1024xf32>
    %get3A_3 = vector.shape_cast %get3A_2 : vector<1x512x1024xf32> to vector<512x1024xf32>
    %get3A_4 = arith.constant 0 : index
    %get3A_5 = arith.constant 0 : index
    %get3A_6 = vector.load %arg3[%get3A_4, %get3A_5] : memref<512x1024xf32, #tpu.memory_space<vmem>>, vector<512x1024xf32>
    %add3A = arith.addf %get3A_3, %get3A_6 : vector<512x1024xf32>
    %get3A_7 = arith.constant 0 : index
    %get3A_8 = arith.constant 0 : index
    %get3A_9 = arith.constant 0 : index
    %get3A_10 = vector.load %arg5[%get3A_7, %get3A_8, %get3A_9] : memref<1x512x1xf32, #tpu.memory_space<vmem>>, vector<1x512x1xf32>
    %get3A_11 = vector.shape_cast %get3A_10 : vector<1x512x1xf32> to vector<512x1xf32>
    %get3A_12 = arith.constant 0 : index
    %get3A_13 = arith.constant 0 : index
    %get3A_14 = vector.load %arg4[%get3A_12, %get3A_13] : memref<2x1024xf32, #tpu.memory_space<vmem>>, vector<1x1024xf32>
    %get3A_15 = vector.shape_cast %get3A_14 : vector<1x1024xf32> to vector<1024xf32>
    %get3A_16 = arith.constant 1 : index
    %get3A_17 = arith.constant 0 : index
    %get3A_18 = vector.load %arg4[%get3A_16, %get3A_17] : memref<2x1024xf32, #tpu.memory_space<vmem>>, vector<1x1024xf32>
    %get3A_19 = vector.shape_cast %get3A_18 : vector<1x1024xf32> to vector<1024xf32>
    %broadcast_in_dim3A = vector.shape_cast %get3A_15 : vector<1024xf32> to vector<1x1024xf32>
    %add3A_20 = vector.broadcast %broadcast_in_dim3A : vector<1x1024xf32> to vector<512x1024xf32>
    %add3A_21 = arith.addf %add3A, %add3A_20 : vector<512x1024xf32>
    %sub3A = arith.subf %get3A_19, %get3A_15 : vector<1024xf32>
    %broadcast_in_dim3A_22 = vector.shape_cast %sub3A : vector<1024xf32> to vector<1x1024xf32>
    %mul3A = vector.broadcast %get3A_11 : vector<512x1xf32> to vector<512x1024xf32>
    %mul3A_23 = vector.broadcast %broadcast_in_dim3A_22 : vector<1x1024xf32> to vector<512x1024xf32>
    %mul3A_24 = arith.mulf %mul3A, %mul3A_23 : vector<512x1024xf32>
    %add3A_25 = arith.addf %add3A_21, %mul3A_24 : vector<512x1024xf32>
    %reduce_sum3A = arith.constant dense<0.000000e+00> : vector<512xf32>
    %reduce_sum3A_26 = vector.multi_reduction <add>, %add3A_25, %reduce_sum3A [1] : vector<512x1024xf32> to vector<512xf32>
    %broadcast_in_dim3A_27 = vector.shape_cast %reduce_sum3A_26 : vector<512xf32> to vector<512x1xf32>
    %div3A = arith.constant 1.024000e+03 : f32
    %div3A_28 = vector.broadcast %div3A : f32 to vector<512x1xf32>
    %div3A_29 = arith.divf %broadcast_in_dim3A_27, %div3A_28 : vector<512x1xf32>
    %sub3A_30 = vector.broadcast %div3A_29 : vector<512x1xf32> to vector<512x1024xf32>
    %sub3A_31 = arith.subf %add3A_25, %sub3A_30 : vector<512x1024xf32>
    %mul3A_32 = arith.mulf %sub3A_31, %sub3A_31 : vector<512x1024xf32>
    %reduce_sum3A_33 = arith.constant dense<0.000000e+00> : vector<512xf32>
    %reduce_sum3A_34 = vector.multi_reduction <add>, %mul3A_32, %reduce_sum3A_33 [1] : vector<512x1024xf32> to vector<512xf32>
    %broadcast_in_dim3A_35 = vector.shape_cast %reduce_sum3A_34 : vector<512xf32> to vector<512x1xf32>
    %div3A_36 = arith.constant 1.024000e+03 : f32
    %div3A_37 = vector.broadcast %div3A_36 : f32 to vector<512x1xf32>
    %div3A_38 = arith.divf %broadcast_in_dim3A_35, %div3A_37 : vector<512x1xf32>
    %add3A_39 = arith.constant 9.99999996E-13 : f32
    %add3A_40 = vector.broadcast %add3A_39 : f32 to vector<512x1xf32>
    %add3A_41 = arith.addf %div3A_38, %add3A_40 : vector<512x1xf32>
    %rsqrt3A = math.rsqrt %add3A_41 : vector<512x1xf32>
    %mul3A_42 = vector.broadcast %rsqrt3A : vector<512x1xf32> to vector<512x1024xf32>
    %mul3A_43 = arith.mulf %sub3A_31, %mul3A_42 : vector<512x1024xf32>
    %get3A_44 = arith.constant 0 : index
    %get3A_45 = arith.constant 0 : index
    %get3A_46 = vector.load %arg6[%get3A_44, %get3A_45] : memref<1x1024xf32, #tpu.memory_space<vmem>>, vector<1x1024xf32>
    %get3A_47 = vector.shape_cast %get3A_46 : vector<1x1024xf32> to vector<1024xf32>
    %broadcast_in_dim3A_48 = vector.shape_cast %get3A_47 : vector<1024xf32> to vector<1x1024xf32>
    %mul3A_49 = vector.broadcast %broadcast_in_dim3A_48 : vector<1x1024xf32> to vector<512x1024xf32>
    %mul3A_50 = arith.mulf %mul3A_43, %mul3A_49 : vector<512x1024xf32>
    %get3A_51 = arith.constant 0 : index
    %get3A_52 = arith.constant 0 : index
    %get3A_53 = vector.load %arg7[%get3A_51, %get3A_52] : memref<1x1024xf32, #tpu.memory_space<vmem>>, vector<1x1024xf32>
    %get3A_54 = vector.shape_cast %get3A_53 : vector<1x1024xf32> to vector<1024xf32>
    %broadcast_in_dim3A_55 = vector.shape_cast %get3A_54 : vector<1024xf32> to vector<1x1024xf32>
    %add3A_56 = vector.broadcast %broadcast_in_dim3A_55 : vector<1x1024xf32> to vector<512x1024xf32>
    %add3A_57 = arith.addf %mul3A_50, %add3A_56 : vector<512x1024xf32>
    %swap3A = arith.constant 0 : index
    %swap3A_58 = arith.constant 0 : index
    %swap3A_59 = arith.constant 0 : index
    %swap3A_60 = vector.load %arg8[%swap3A, %swap3A_58, %swap3A_59] : memref<1x512x1024xf32, #tpu.memory_space<vmem>>, vector<1x512x1024xf32>
    %swap3A_61 = vector.shape_cast %swap3A_60 : vector<1x512x1024xf32> to vector<512x1024xf32>
    %swap3A_62 = vector.shape_cast %add3A_57 : vector<512x1024xf32> to vector<1x512x1024xf32>
    tpu.vector_store %arg8[%swap3A, %swap3A_58, %swap3A_59], %swap3A_62 {strides = array<i32>} : memref<1x512x1024xf32, #tpu.memory_space<vmem>>, vector<1x512x1024xf32>,
    return
  }
  func.func @transform_0(%arg0: i32, %arg1: i32) -> (i32, i32, i32) {
    %c0_i32 = arith.constant 0 : i32
    %c0_i32_0 = arith.constant 0 : i32
    return %arg0, %arg1, %c0_i32 : i32, i32, i32
  }
  func.func @transform_1(%arg0: i32, %arg1: i32) -> (i32, i32) {
    %c0_i32 = arith.constant 0 : i32
    %c0_i32_0 = arith.constant 0 : i32
    return %arg1, %c0_i32 : i32, i32
  }
  func.func @transform_2(%arg0: i32, %arg1: i32) -> (i32, i32) {
    %c0_i32 = arith.constant 0 : i32
    %c0_i32_0 = arith.constant 0 : i32
    %c0_i32_1 = arith.constant 0 : i32
    return %c0_i32, %c0_i32_0 : i32, i32
  }
  func.func @transform_3(%arg0: i32, %arg1: i32) -> (i32, i32, i32) {
    %c0_i32 = arith.constant 0 : i32
    %c0_i32_0 = arith.constant 0 : i32
    return %arg0, %arg1, %c0_i32 : i32, i32, i32
  }
  func.func @transform_4(%arg0: i32, %arg1: i32) -> (i32, i32) {
    %c0_i32 = arith.constant 0 : i32
    %c0_i32_0 = arith.constant 0 : i32
    %c0_i32_1 = arith.constant 0 : i32
    return %c0_i32, %c0_i32_0 : i32, i32
  }
  func.func @transform_5(%arg0: i32, %arg1: i32) -> (i32, i32) {
    %c0_i32 = arith.constant 0 : i32
    %c0_i32_0 = arith.constant 0 : i32
    %c0_i32_1 = arith.constant 0 : i32
    return %c0_i32, %c0_i32_0 : i32, i32
  }
  func.func @transform_6(%arg0: i32, %arg1: i32) -> (i32, i32, i32) {
    %add3A = arith.constant 0 : i32
    %add3A_0 = arith.addi %arg0, %add3A : i32
    %c0_i32 = arith.constant 0 : i32
    %c0_i32_1 = arith.constant 0 : i32
    return %add3A_0, %arg1, %c0_i32 : i32, i32, i32
  }
}

</mosaic_0001>

<sc_bundles>
// kernel: kernel.6.cloned.1.call-start
scs
__scs_entry_jumppad:
0x0: {  	(pc) =	sbr.rel $0x88, $3  }
0x1: {  	(tag) =	ssettag $0x0;
	lr =	simm.s32 $0x1  }
0x2: {  	[smem:$0x3F9A] =	sst lr;
	_ =	strace $0xD0000000  }
0x3: {  	_ = 	snop  }
0x4: {  	_ = 	snop  }
0x5: {  	_ = 	snop  }
0x6: {  	_ = 	snop  }
0x7: {  	_ = 	snop  }
__scs_overlays_trampoline_lowered:
0x8: {  	[smem:$0x3FA9] =	sst s0  }
0x9: {  	[smem:$0x3FAA] =	sst s1  }
0xa: {  	[smem:$0x3FAB] =	sst s2  }
0xb: {  	[smem:$0x3FAC] =	sst s3  }
0xc: {  	[smem:$0x3FAD] =	sst s4  }
0xd: {  	[smem:$0x3FAE] =	sst s5  }
0xe: {  	[smem:$0x3FAF] =	sst s6  }
0xf: {  	[smem:$0x3FB0] =	sst s7  }
0x10: {  	[smem:$0x3FB1] =	sst s8  }
0x11: {  	[smem:$0x3FB2] =	sst s9;
	s0 =	simm.s32 @!p0 $0x0  }
0x12: {  	s1 =	sld [smem:$0x3F98];
	s0 =	simm.s32 @p0 $0x1  }
0x13: {  	[smem:$0x3FB3] =	sst s0;
	s0 =	simm.s32 @!p1 $0x0  }
0x14: {  	s2 =	sld [smem:$0x3F97];
	s0 =	simm.s32 @p1 $0x1  }
0x15: {  	[smem:$0x3FB4] =	sst s0;
	s0 =	simm.s32 @!p2 $0x0  }
0x16: {  	s3 =	sld [smem:$0x3FDB];
	s0 =	simm.s32 @p2 $0x1  }
0x17: {  	s4 =	simm.s32 $0x1BF5;
	[smem:$0x3FB6] =	sst s0  }
0x18: {  	s0 =	sld [smem:$0x3F99];
	_ =	swait.ge [sflag:s4], $0x0  }
0x19: {  	s7 =	sld [smem:$0x3F9A]  }
0x1a: {  	s8 =	sadd.s32 $0xFFFFE003, lr  }
0x1b: {  	s9 =	sadd.s32 $0xFFFFFEF7, lr;
	s5 =	simm.s32 $0xFFFFFFFF;
	p2 =	slt.u32 s8, $0xFFFFF086  }
0x1c: {  	p1 =	slt.u32 s9, $0xF7A;
	s5 =	simm.s32 @!p2 $0x0  }
0x1d: {  	s5 =	simm.s32 @p1 $0x1;
	p0 =	seq.s32 s7, s2  }
0x1e: {  	s7 =	smul.u32 @!p0 $0xF7A, s2;
	p2 =	seq.s32 @!p0 s5, $0x0  }
0x1f: {  	s9 =	smul.u32 $0xF7A, s1;
	s8 =	simm.s32 @!p0 $0x1BF5;
	p2 =	por !p2, p0  }
0x20: {  	[sflag:s8] =	ssyncset.s32 @!p0 $0xFFFFF086;
	s6 =	sadd.s32 @!p0 s3, s7;
	s7 =	simm.s32 @!p0 $0x108  }
0x21: {  	s3 =	sadd.s32 s3, s9;
	s6 =	sadd.s32 @!p0 $0x88, s6;
	s7 =	simm.s32 @p2 $0x1082  }
0x22: {  	[simem:s7], [sflag:s8] =	dma.local @!p0 [hbm:s6], $0xF7A  }
0x23: {  	s9 =	sor.u32 $0xD0000000, s2;
	s6 =	simm.s32 $0x108;
	_ =	swait.ge @!p0 [sflag:s8], $0x0  }
0x24: {  	s3 =	sadd.s32 $0x88, s3;
	s6 =	simm.s32 @!p1 $0x1082;
	[sflag:s4] =	ssyncset.s32 $0xFFFFF086  }
0x25: {  	[simem:s6], [sflag:s4] =	dma.local [hbm:s3], $0xF7A  }
0x26: {  	[smem:$0x3F9A] =	sst s1;
	(tag) =	ssettag s2;
	_ =	strace s9  }
0x27: {  	s1 =	sld [smem:$0x3FAA]  }
0x28: {  	s2 =	sld [smem:$0x3FAB]  }
0x29: {  	s4 =	sld [smem:$0x3FAD]  }
0x2a: {  	p0 =	seq.s32 s5, $0x0;
	s5 =	sld [smem:$0x3FAE]  }
0x2b: {  	s6 =	sld [smem:$0x3FAF]  }
0x2c: {  	s7 =	sld [smem:$0x3FB0]  }
0x2d: {  	s3 =	simm.s32 $0x108;
	s8 =	sld [smem:$0x3FB1]  }
0x2e: {  	s3 =	simm.s32 @!p0 $0x1082;
	s9 =	sld [smem:$0x3FB2]  }
0x2f: {  	lr =	sadd.s32 s0, s3;
	s0 =	sld [smem:$0x3FA9]  }
0x30: {  	s3 =	sld [smem:$0x3FAC]  }
0x31: {  	[smem:$0x3FB5] =	sst s10  }
0x32: {  	s10 =	sld [smem:$0x3FB3];
	_ =	sdelay $0x3  }
0x33: {  	p0 =	seq.s32 s10, $0x1;
	s10 =	sld [smem:$0x3FB5];
	_ =	sdelay $0x3  }
0x34: {  	[smem:$0x3FB5] =	sst s10  }
0x35: {  	s10 =	sld [smem:$0x3FB4];
	_ =	sdelay $0x3  }
0x36: {  	p1 =	seq.s32 s10, $0x1;
	s10 =	sld [smem:$0x3FB5];
	_ =	sdelay $0x3  }
0x37: {  	[smem:$0x3FB5] =	sst s10  }
0x38: {  	s10 =	sld [smem:$0x3FB6]  }
0x39: {  	_ = 	snop;
	(pc) =	sbr.ind lr, $3  }
0x3a: {  	_ = 	snop  }
0x3b: {  	_ = 	snop  }
0x3c: {  	p2 =	seq.s32 s10, $0x1;
	s10 =	sld [smem:$0x3FB5]  }
0x3d: {  	_ =	shalt  }
0x3e: {  	_ =	shalt  }
0x3f: {  	_ =	shalt  }
0x40: {  	_ =	shalt  }
0x41: {  	_ =	shalt  }
0x42: {  	_ =	shalt  }
0x43: {  	_ =	shalt  }
0x44: {  	_ =	shalt  }
0x45: {  	_ =	shalt  }
0x46: {  	_ =	shalt  }
0x47: {  	_ =	shalt  }
0x48: {  	_ =	shalt  }
0x49: {  	_ =	shalt  }
0x4a: {  	_ =	shalt  }
0x4b: {  	_ =	shalt  }
0x4c: {  	_ =	shalt  }
0x4d: {  	_ =	shalt  }
0x4e: {  	_ =	shalt  }
0x4f: {  	_ =	shalt  }
0x50: {  	_ =	shalt  }
0x51: {  	_ =	shalt  }
0x52: {  	_ =	shalt  }
0x53: {  	_ =	shalt  }
0x54: {  	_ =	shalt  }
0x55: {  	_ =	shalt  }
0x56: {  	_ =	shalt  }
0x57: {  	_ =	shalt  }
0x58: {  	_ =	shalt  }
0x59: {  	_ =	shalt  }
0x5a: {  	_ =	shalt  }
0x5b: {  	_ =	shalt  }
0x5c: {  	_ =	shalt  }
0x5d: {  	_ =	shalt  }
0x5e: {  	_ =	shalt  }
0x5f: {  	_ =	shalt  }
0x60: {  	_ =	shalt  }
0x61: {  	_ =	shalt  }
0x62: {  	_ =	shalt  }
0x63: {  	_ =	shalt  }
0x64: {  	_ =	shalt  }
0x65: {  	_ =	shalt  }
0x66: {  	_ =	shalt  }
0x67: {  	_ =	shalt  }
0x68: {  	_ =	shalt  }
0x69: {  	_ =	shalt  }
0x6a: {  	_ =	shalt  }
0x6b: {  	_ =	shalt  }
0x6c: {  	_ =	shalt  }
0x6d: {  	_ =	shalt  }
0x6e: {  	_ =	shalt  }
0x6f: {  	_ =	shalt  }
0x70: {  	_ =	shalt  }
0x71: {  	_ =	shalt  }
0x72: {  	_ =	shalt  }
0x73: {  	_ =	shalt  }
0x74: {  	_ =	shalt  }
0x75: {  	_ =	shalt  }
0x76: {  	_ =	shalt  }
0x77: {  	_ =	shalt  }
0x78: {  	_ =	shalt  }
0x79: {  	_ =	shalt  }
0x7a: {  	_ =	shalt  }
0x7b: {  	_ =	shalt  }
0x7c: {  	_ =	shalt  }
0x7d: {  	_ =	shalt  }
0x7e: {  	_ =	shalt  }
0x7f: {  	_ =	shalt  }
0x80: {  	_ =	shalt  }
0x81: {  	_ =	shalt  }
0x82: {  	_ =	shalt  }
0x83: {  	_ =	shalt  }
0x84: {  	_ =	shalt  }
0x85: {  	_ =	shalt  }
0x86: {  	_ =	shalt  }
0x87: {  	_ =	shalt  }
.Lfunc_end0:
.L_simem_size_0:
called_computation_lowered:
.L_overlay_start_0:
0x88: {  	s2 =	sld [smem:$0x3FD9]  }
0x89: {  	s3 =	sld [smem:$0x3FFE];
	_ =	sdelay $0x1  }
0x8a: {  	s1 =	srdreg.scid  }
0x8b: {  	s0 =	sand.u32 $0x1, s1  }
0x8c: {  	s17 =	sshll.u32 s0, $0xA;
	s2 =	sadd.s32 s3, s2  }
0x8d: {  	s2 =	sadd.s32 s2, s17  }
0x8e: {  	[smem:$0x3FC1] =	sst s2  }
0x8f: {  	_ = 	snop  }
0x90: {  	s2 =	sld [smem:$0x3FC7]  }
0x91: {  	s18 =	sld [smem:$0x3FD0];
	(tm) =	ssettm $0x1  }
0x92: {  	s4 =	sld [smem:$0x3FFB];
	_ =	sdelay $0x3  }
0x93: {  	_ =	strace s4  }
0x94: {  	s4 =	sld [smem:$0x3FFC];
	_ =	sdelay $0x3  }
0x95: {  	_ =	strace s4  }
0x96: {  	s4 =	sld [smem:$0x3FFD];
	_ =	sdelay $0x3  }
0x97: {  	_ =	strace s4  }
0x98: {  	_ =	strace $0x8FFFFFFF  }
0x99: {  	s19 =	sld [smem:$0x3FDB];
	_ =	sdelay $0x1  }
0x9a: {  	s5 =	simm.s32 $_scs_section_size  }
0x9b: {  	s6 =	simm.s32 $_size__tile_overlayer_lowered;
	s7 =	simm.s32 $_tile_overlayer_lowered  }
0x9c: {  	s22 =	simm.s32 $0x1BFF;
	s21 =	sshll.u32 s7, $0x1;
	s4 =	sadd.s32 s5, s19  }
0x9d: {  	s8 =	simm.s32 $0x0;
	s20 =	sshll.u32 s6, $0x1;
	s6 =	sadd.s32 s21, s4  }
0x9e: {  	[timem:s8], [sflag:s22] =	dma.local [hbm:s6], s20  }
0x9f: {  	_ =	swait.ge [sflag:s22], s20  }
0xa0: {  	s5 =	ssub.s32 $0x0, s20;
	[sflag:s22] =	ssyncset.done $0x0  }
0xa1: {  	[sflag:s22] =	ssyncadd.s32 s5;
	_ =	sdelay $0x1  }
0xa2: {  	s23 =	simm.s32 $0x1B8B  }
0xa3: {  	_ =	swait.ge [sflag:s23], $0x1  }
0xa4: {  	[sflag:s23] =	ssyncset.done $0x0  }
0xa5: {  	s25 =	simm.s32 $0x1B8E;
	s24 =	sld [smem:$0x3FFE];
	[sflag:s23] =	ssyncadd.s32 $0xFFFFFFFF  }
0xa6: {  	s26 =	simm.s32 $execute0_lowered;
	[smem:$0x3FD2] =	sst s25  }
0xa7: {  	s6 =	sshll.u32 s26, $0x1;
	_ =	strace $0x80000046;
	[dreg:$0x1] =	wrdreg $0xFFFFFFFF  }
0xa8: {  	s28 =	simm.s32 $_size_execute0_lowered;
	s4 =	sadd.s32 s4, s6;
	[dreg:$0x0] =	wrdreg $0x0  }
0xa9: {  	s6 =	sshll.u32 s28, $0x1;
	[dreg:$0x2] =	wrdreg s4  }
0xaa: {  	[dreg:$0x3] =	wrdreg s6  }
0xab: {  	[dreg:$0x4] =	wrdreg $0xC0  }
0xac: {  	_ =	task [dreg:s8], $0x5FFFF  }
0xad: {  	[dreg:$0x1] =	wrdreg $0xFFFFFFFF  }
0xae: {  	[dreg:$0x0] =	wrdreg $0x60  }
0xaf: {  	[dreg:$0x2] =	wrdreg s2  }
0xb0: {  	[dreg:$0x3] =	wrdreg s18  }
0xb1: {  	[dreg:$0x4] =	wrdreg s24  }
0xb2: {  	[dreg:$0x5] =	wrdreg $0x9  }
0xb3: {  	_ =	task.clear_ibuf [dreg:s8], $0x6FFFF;
	_ =	strace $0x90000046  }
0xb4: {  	s29 =	simm.s32 $0x9;
	_ =	strace $0x80000048  }
0xb5: {  	_ =	swait.ge [sflag:s29], $0x1  }
0xb6: {  	[sflag:s29] =	ssyncadd.s32 $0xFFFFFFFF  }
0xb7: {  	_ =	strace $0x90000048  }
0xb8: {  	_ =	sfence  }
0xb9: {  	s30 =	sld [smem:$0x0];
	_ =	sdelay $0x2  }
0xba: {  	s31 =	sshll.u32 s1, $0xD;
	s1 =	sshrl.u32 s1, $0x2  }
0xbb: {  	s3 =	sand.u32 $0x4000, s31;
	s1 =	sadd.s32 s1, s30  }
0xbc: {  	s0 =	sor.u32 s3, s0;
	s1 =	sshll.u32 s1, $0x11  }
0xbd: {  	s0 =	sor.u32 s1, s0  }
0xbe: {  	s0 =	sadd.s32 $0x8F2B, s0  }
0xbf: {  	[sflag:s0] =	ssyncadd.remote.s32 $0x1  }
0xc0: {  	_ =	sfence.sel $0xFFFF  }
0xc1: {  	[dreg:$0x0] =	wrdreg $0xFFFFFFFF;
	(pc) =	sbr.abs _section_cstart, $3  }
0xc2: {  	[dreg:$0x1] =	wrdreg $0xFFFFFFFF  }
0xc3: {  	_ =	task.clear_ibuf [dreg:s8], $0x2FFFF;
	_ =	strace $0x9FFFFFFF  }
0xc4: {  	(tm) =	ssettm $0x7FFFFFFF  }
0xc5: {  	_ =	shalt  }
tec
execute0_lowered:
.L_overlay_start_1:
0x0: {  	(tag) =	ssettag $0x1  }
0x1: {  	s1 =	rddreg [dreg:$0x0]  }
0x2: {  	s0 =	srdreg.scid;
	s2 =	rddreg [dreg:$0x1]  }
0x3: {  	s3 =	stileid.u32;
	s4 =	rddreg [dreg:$0x2];
	s9 =	simm.s32 $0x100  }
0x4: {  	s17 =	simm.s32 $0x1;
	s28 =	simm.s32 $0x2900;
	s29 =	simm.s32 $0x3100  }
0x5: {  	s30 =	simm.s32 $0x3900;
	s31 =	simm.s32 $0x4100;
	s15 =	simm.s32 $0x5100  }
0x6: {  	s8 =	simm.s32 $0x5900;
	s10 =	simm.s32 $0x6100;
	s0 =	sand.u32 $0x1, s0  }
0x7: {  	s11 =	simm.s32 $0x6900;
	s5 =	sshll.u32 s3, $0x9;
	s6 =	sshll.u32 s0, $0x8  }
0x8: {  	s12 =	simm.s32 $0x7100;
	s13 =	simm.s32 $0x7900;
	s5 =	sor.u32 s6, s5  }
0x9: {  	s3 =	simm.s32 $0x0;
	s6 =	sshll.u32 s5, $0x7;
	s5 =	sshrl.u32 s5, $0x3  }
0xa: {  	[smem:$0x7FF] =	sst s3;
	s7 =	sadd.s32 s6, s4;
	s2 =	sadd.s32 s2, s5  }
0xb: {  	_ =	strace $0x80000047;
	[dreg:$0x4] =	wrdreg s2;
	s18 =	sadd.s32 $0x1600, s7  }
0xc: {  	s0 =	ssub.s32 $0x2, s0;
	s19 =	sadd.s32 $0x2600, s7;
	[dreg:$0x5] =	wrdreg s18  }
0xd: {  	s21 =	sshrl.u32 s0, $0x1;
	s20 =	sadd.s32 $0x3600, s7;
	[dreg:$0x6] =	wrdreg s19  }
0xe: {  	s0 =	ssub.s32 s0, s21;
	s22 =	sadd.s32 $0x4600, s7;
	[dreg:$0x7] =	wrdreg s20  }
0xf: {  	s4 =	sadd.s32 $0x100, s1;
	s23 =	sadd.s32 $0x5600, s7;
	[dreg:$0x8] =	wrdreg s22  }
0x10: {  	s5 =	sadd.s32 $0x200, s1;
	s24 =	sadd.s32 $0x6600, s7;
	[dreg:$0x9] =	wrdreg s23  }
0x11: {  	s6 =	sadd.s32 $0x300, s1;
	s25 =	sadd.s32 $0x7600, s7;
	[dreg:$0xa] =	wrdreg s24  }
0x12: {  	s26 =	sadd.s32 $0x8600, s7;
	s7 =	smax.u32 s0, $0x1;
	[dreg:$0xb] =	wrdreg s25  }
0x13: {  	v2 =	vlaneseq.u32;
	[dreg:$0xc] =	wrdreg s26;
	s25 =	simm.s32 $0x8100;
	s18 =	simm.s32 $0x3  }
0x14: {  	vm0 =	vmmov $0xffff;
	v1 =	vshrl.u32 v2, $0x3;
	s19 =	simm.s32 $0x2;
	s20 =	simm.s32 $0x4;
	s22 =	simm.s32 $0x900  }
0x15: {  	v0 =	vand.u32 $0x7, v2;
	v2 =	vor.u32 $0x8, v2;
	v1 =	vmul.u32 $0x8, v1;
	s23 =	simm.s32 $0x1100;
	s24 =	simm.s32 $0x1900;
	s26 =	simm.s32 $0x2100  }
.LBB2_1:
0x16: {  	s21 =	rddreg [dreg:$0x4];
	s14 =	simm.s32 $0x5  }
0x17: {  	[tilespmem:s3], [sflag:$0x5] =	stream.linear.gather [hbm4b:s21+s3], $0x100, $0x38;
	[tilespmem:$0x10100] =	vst v63  }
0x18: {  	_ =	swait.ge [sflag:s14], $0x100  }
0x19: {  	[sflag:s14] =	ssyncset.done $0x0  }
0x1a: {  	[sflag:s14] =	ssyncadd.s32 $0xFFFFFF00  }
0x1b: {  	v3 =	vld [tilespmem:$0x0];
	_ =	sdelay $0x4  }
0x1c: {  	v4 =	vshll.u32 v3, $0x3  }
0x1d: {  	v3 =	vand.u32 $0x7, v3;
	v4 =	vand.u32 $0xFFFFFFC0, v4  }
0x1e: {  	v3 =	vor.u32 v3, v4  }
0x1f: {  	v4 =	vperm.xlane v3, v0;
	_ =	sdelay $0x1  }
0x20: {  	v4 =	vadd.s32 v1, v4;
	_ =	sdelay $0x4  }
0x21: {  	[tilespmem:s9], [sflag:$0x1] =	stream.indirect_vreg.gather [hbm4b:s1+s3], $0x80, v4, vm0, $0xb8;
	[tilespmem:$0x10100] =	vst v63  }
0x22: {  	v3 =	vperm.xlane v3, v2  }
0x23: {  	[tilespmem:s22], [sflag:$0x1] =	stream.indirect_vreg.gather [hbm4b:s4+s3], $0x80, v4, vm0, $0xb8;
	[tilespmem:$0x10100] =	vst v63  }
0x24: {  	v3 =	vadd.s32 v1, v3  }
0x25: {  	[tilespmem:s23], [sflag:$0x1] =	stream.indirect_vreg.gather [hbm4b:s5+s3], $0x80, v4, vm0, $0xb8;
	[tilespmem:$0x10100] =	vst v63  }
0x26: {  	_ = 	snop  }
0x27: {  	[tilespmem:s24], [sflag:$0x1] =	stream.indirect_vreg.gather [hbm4b:s6+s3], $0x80, v4, vm0, $0xb8;
	[tilespmem:$0x10100] =	vst v63  }
0x28: {  	_ = 	snop  }
0x29: {  	[tilespmem:s26], [sflag:$0x1] =	stream.indirect_vreg.gather [hbm4b:s1+s3], $0x80, v3, vm0, $0xb8;
	[tilespmem:$0x10100] =	vst v63  }
0x2a: {  	_ = 	snop  }
0x2b: {  	[tilespmem:s28], [sflag:$0x1] =	stream.indirect_vreg.gather [hbm4b:s4+s3], $0x80, v3, vm0, $0xb8;
	[tilespmem:$0x10100] =	vst v63  }
0x2c: {  	_ = 	snop  }
0x2d: {  	[tilespmem:s29], [sflag:$0x1] =	stream.indirect_vreg.gather [hbm4b:s5+s3], $0x80, v3, vm0, $0xb8;
	[tilespmem:$0x10100] =	vst v63  }
0x2e: {  	_ = 	snop  }
0x2f: {  	[tilespmem:s30], [sflag:$0x1] =	stream.indirect_vreg.gather [hbm4b:s6+s3], $0x80, v3, vm0, $0xb8;
	[tilespmem:$0x10100] =	vst v63  }
0x30: {  	v3 =	vld [tilespmem:$0x10];
	_ =	sdelay $0x4  }
0x31: {  	v49 =	vshll.u32 v3, $0x3  }
0x32: {  	v3 =	vand.u32 $0x7, v3;
	v4 =	vand.u32 $0xFFFFFFC0, v49  }
0x33: {  	v3 =	vor.u32 v3, v4  }
0x34: {  	v4 =	vperm.xlane v3, v0;
	_ =	sdelay $0x1  }
0x35: {  	v4 =	vadd.s32 v1, v4;
	_ =	sdelay $0x4  }
0x36: {  	[tilespmem:s31], [sflag:$0x1] =	stream.indirect_vreg.gather [hbm4b:s1+s3], $0x80, v4, vm0, $0xb8;
	[tilespmem:$0x10100] =	vst v63  }
0x37: {  	s2 =	simm.s32 $0x4900;
	v3 =	vperm.xlane v3, v2  }
0x38: {  	[tilespmem:s2], [sflag:$0x1] =	stream.indirect_vreg.gather [hbm4b:s4+s3], $0x80, v4, vm0, $0xb8;
	[tilespmem:$0x10100] =	vst v63  }
0x39: {  	v3 =	vadd.s32 v1, v3  }
0x3a: {  	[tilespmem:s15], [sflag:$0x1] =	stream.indirect_vreg.gather [hbm4b:s5+s3], $0x80, v4, vm0, $0xb8;
	[tilespmem:$0x10100] =	vst v63  }
0x3b: {  	_ = 	snop  }
0x3c: {  	[tilespmem:s8], [sflag:$0x1] =	stream.indirect_vreg.gather [hbm4b:s6+s3], $0x80, v4, vm0, $0xb8;
	[tilespmem:$0x10100] =	vst v63  }
0x3d: {  	_ = 	snop  }
0x3e: {  	[tilespmem:s10], [sflag:$0x1] =	stream.indirect_vreg.gather [hbm4b:s1+s3], $0x80, v3, vm0, $0xb8;
	[tilespmem:$0x10100] =	vst v63  }
0x3f: {  	_ = 	snop  }
0x40: {  	[tilespmem:s11], [sflag:$0x1] =	stream.indirect_vreg.gather [hbm4b:s4+s3], $0x80, v3, vm0, $0xb8;
	[tilespmem:$0x10100] =	vst v63  }
0x41: {  	_ = 	snop  }
0x42: {  	[tilespmem:s12], [sflag:$0x1] =	stream.indirect_vreg.gather [hbm4b:s5+s3], $0x80, v3, vm0, $0xb8;
	[tilespmem:$0x10100] =	vst v63  }
0x43: {  	_ = 	snop  }
0x44: {  	[tilespmem:s13], [sflag:$0x1] =	stream.indirect_vreg.gather [hbm4b:s6+s3], $0x80, v3, vm0, $0xb8;
	[tilespmem:$0x10100] =	vst v63  }
0x45: {  	v3 =	vld [tilespmem:$0x20];
	_ =	sdelay $0x4  }
0x46: {  	v50 =	vshll.u32 v3, $0x3  }
0x47: {  	v3 =	vand.u32 $0x7, v3;
	v4 =	vand.u32 $0xFFFFFFC0, v50  }
0x48: {  	v3 =	vor.u32 v3, v4  }
0x49: {  	v4 =	vperm.xlane v3, v0;
	_ =	sdelay $0x1  }
0x4a: {  	v4 =	vadd.s32 v1, v4;
	_ =	sdelay $0x4  }
0x4b: {  	[tilespmem:s25], [sflag:$0x2] =	stream.indirect_vreg.gather [hbm4b:s1+s3], $0x80, v4, vm0, $0xb8;
	[tilespmem:$0x10100] =	vst v63  }
0x4c: {  	s14 =	simm.s32 $0x8900;
	v3 =	vperm.xlane v3, v2  }
0x4d: {  	[tilespmem:s14], [sflag:$0x2] =	stream.indirect_vreg.gather [hbm4b:s4+s3], $0x80, v4, vm0, $0xb8;
	[tilespmem:$0x10100] =	vst v63  }
0x4e: {  	s16 =	simm.s32 $0x9100;
	v3 =	vadd.s32 v1, v3  }
0x4f: {  	[tilespmem:s16], [sflag:$0x2] =	stream.indirect_vreg.gather [hbm4b:s5+s3], $0x80, v4, vm0, $0xb8;
	[tilespmem:$0x10100] =	vst v63  }
0x50: {  	s21 =	simm.s32 $0x9900  }
0x51: {  	[tilespmem:s21], [sflag:$0x2] =	stream.indirect_vreg.gather [hbm4b:s6+s3], $0x80, v4, vm0, $0xb8;
	[tilespmem:$0x10100] =	vst v63  }
0x52: {  	s16 =	simm.s32 $0xA100  }
0x53: {  	[tilespmem:s16], [sflag:$0x2] =	stream.indirect_vreg.gather [hbm4b:s1+s3], $0x80, v3, vm0, $0xb8;
	[tilespmem:$0x10100] =	vst v63  }
0x54: {  	s14 =	simm.s32 $0xA900  }
0x55: {  	[tilespmem:s14], [sflag:$0x2] =	stream.indirect_vreg.gather [hbm4b:s4+s3], $0x80, v3, vm0, $0xb8;
	[tilespmem:$0x10100] =	vst v63  }
0x56: {  	s16 =	simm.s32 $0xB100  }
0x57: {  	[tilespmem:s16], [sflag:$0x2] =	stream.indirect_vreg.gather [hbm4b:s5+s3], $0x80, v3, vm0, $0xb8;
	[tilespmem:$0x10100] =	vst v63  }
0x58: {  	s14 =	simm.s32 $0xB900  }
0x59: {  	[tilespmem:s14], [sflag:$0x2] =	stream.indirect_vreg.gather [hbm4b:s6+s3], $0x80, v3, vm0, $0xb8;
	[tilespmem:$0x10100] =	vst v63  }
0x5a: {  	v3 =	vld [tilespmem:$0x30];
	_ =	sdelay $0x4  }
0x5b: {  	v51 =	vshll.u32 v3, $0x3  }
0x5c: {  	v3 =	vand.u32 $0x7, v3;
	v4 =	vand.u32 $0xFFFFFFC0, v51  }
0x5d: {  	v3 =	vor.u32 v3, v4  }
0x5e: {  	v4 =	vperm.xlane v3, v0;
	_ =	sdelay $0x1  }
0x5f: {  	v4 =	vadd.s32 v1, v4;
	_ =	sdelay $0x3  }
0x60: {  	s16 =	simm.s32 $0xC100  }
0x61: {  	[tilespmem:s16], [sflag:$0x2] =	stream.indirect_vreg.gather [hbm4b:s1+s3], $0x80, v4, vm0, $0xb8;
	[tilespmem:$0x10100] =	vst v63  }
0x62: {  	s21 =	simm.s32 $0xC900;
	v3 =	vperm.xlane v3, v2  }
0x63: {  	[tilespmem:s21], [sflag:$0x2] =	stream.indirect_vreg.gather [hbm4b:s4+s3], $0x80, v4, vm0, $0xb8;
	[tilespmem:$0x10100] =	vst v63  }
0x64: {  	v3 =	vadd.s32 v1, v3;
	s21 =	simm.s32 $0xD100  }
0x65: {  	[tilespmem:s21], [sflag:$0x2] =	stream.indirect_vreg.gather [hbm4b:s5+s3], $0x80, v4, vm0, $0xb8;
	[tilespmem:$0x10100] =	vst v63  }
0x66: {  	s21 =	simm.s32 $0xD900  }
0x67: {  	[tilespmem:s21], [sflag:$0x2] =	stream.indirect_vreg.gather [hbm4b:s6+s3], $0x80, v4, vm0, $0xb8;
	[tilespmem:$0x10100] =	vst v63  }
0x68: {  	s21 =	simm.s32 $0xE100  }
0x69: {  	[tilespmem:s21], [sflag:$0x2] =	stream.indirect_vreg.gather [hbm4b:s1+s3], $0x80, v3, vm0, $0xb8;
	[tilespmem:$0x10100] =	vst v63  }
0x6a: {  	s21 =	simm.s32 $0xE900  }
0x6b: {  	[tilespmem:s21], [sflag:$0x2] =	stream.indirect_vreg.gather [hbm4b:s4+s3], $0x80, v3, vm0, $0xb8;
	[tilespmem:$0x10100] =	vst v63  }
0x6c: {  	s21 =	simm.s32 $0xF100  }
0x6d: {  	[tilespmem:s21], [sflag:$0x2] =	stream.indirect_vreg.gather [hbm4b:s5+s3], $0x80, v3, vm0, $0xb8;
	[tilespmem:$0x10100] =	vst v63  }
0x6e: {  	s21 =	simm.s32 $0xF900  }
0x6f: {  	[tilespmem:s21], [sflag:$0x2] =	stream.indirect_vreg.gather [hbm4b:s6+s3], $0x80, v3, vm0, $0xb8;
	[tilespmem:$0x10100] =	vst v63  }
0x70: {  	_ =	swait.ge [sflag:s17], $0x8000  }
0x71: {  	[sflag:s17] =	ssyncset.done $0x0  }
0x72: {  	s21 =	rddreg [dreg:$0x5];
	[sflag:s17] =	ssyncadd.s32 $0xFFFF8000  }
0x73: {  	[hbm4b:s21+s3] =	stream.linear.scatter [tilespmem:s9], [sflag:$0x3], $0x8000, $0x38;
	[tilespmem:$0x10100] =	vst v63  }
0x74: {  	_ =	swait.ge [sflag:s18], $0x8000  }
0x75: {  	[sflag:s18] =	ssyncset.done $0x0  }
0x76: {  	[sflag:s18] =	ssyncadd.s32 $0xFFFF8000  }
0x77: {  	v3 =	vld [tilespmem:$0x40];
	_ =	sdelay $0x4  }
0x78: {  	v52 =	vshll.u32 v3, $0x3  }
0x79: {  	v3 =	vand.u32 $0x7, v3;
	v4 =	vand.u32 $0xFFFFFFC0, v52  }
0x7a: {  	v3 =	vor.u32 v3, v4  }
0x7b: {  	v4 =	vperm.xlane v3, v0;
	_ =	sdelay $0x1  }
0x7c: {  	v4 =	vadd.s32 v1, v4;
	_ =	sdelay $0x4  }
0x7d: {  	[tilespmem:s9], [sflag:$0x1] =	stream.indirect_vreg.gather [hbm4b:s1+s3], $0x80, v4, vm0, $0xb8;
	[tilespmem:$0x10100] =	vst v63  }
0x7e: {  	v3 =	vperm.xlane v3, v2  }
0x7f: {  	[tilespmem:s22], [sflag:$0x1] =	stream.indirect_vreg.gather [hbm4b:s4+s3], $0x80, v4, vm0, $0xb8;
	[tilespmem:$0x10100] =	vst v63  }
0x80: {  	v3 =	vadd.s32 v1, v3  }
0x81: {  	[tilespmem:s23], [sflag:$0x1] =	stream.indirect_vreg.gather [hbm4b:s5+s3], $0x80, v4, vm0, $0xb8;
	[tilespmem:$0x10100] =	vst v63  }
0x82: {  	_ = 	snop  }
0x83: {  	[tilespmem:s24], [sflag:$0x1] =	stream.indirect_vreg.gather [hbm4b:s6+s3], $0x80, v4, vm0, $0xb8;
	[tilespmem:$0x10100] =	vst v63  }
0x84: {  	_ = 	snop  }
0x85: {  	[tilespmem:s26], [sflag:$0x1] =	stream.indirect_vreg.gather [hbm4b:s1+s3], $0x80, v3, vm0, $0xb8;
	[tilespmem:$0x10100] =	vst v63  }
0x86: {  	_ = 	snop  }
0x87: {  	[tilespmem:s28], [sflag:$0x1] =	stream.indirect_vreg.gather [hbm4b:s4+s3], $0x80, v3, vm0, $0xb8;
	[tilespmem:$0x10100] =	vst v63  }
0x88: {  	_ = 	snop  }
0x89: {  	[tilespmem:s29], [sflag:$0x1] =	stream.indirect_vreg.gather [hbm4b:s5+s3], $0x80, v3, vm0, $0xb8;
	[tilespmem:$0x10100] =	vst v63  }
0x8a: {  	_ = 	snop  }
0x8b: {  	[tilespmem:s30], [sflag:$0x1] =	stream.indirect_vreg.gather [hbm4b:s6+s3], $0x80, v3, vm0, $0xb8;
	[tilespmem:$0x10100] =	vst v63  }
0x8c: {  	v3 =	vld [tilespmem:$0x50];
	_ =	sdelay $0x4  }
0x8d: {  	v53 =	vshll.u32 v3, $0x3  }
0x8e: {  	v3 =	vand.u32 $0x7, v3;
	v4 =	vand.u32 $0xFFFFFFC0, v53  }
0x8f: {  	v3 =	vor.u32 v3, v4  }
0x90: {  	v4 =	vperm.xlane v3, v0;
	_ =	sdelay $0x1  }
0x91: {  	v4 =	vadd.s32 v1, v4;
	_ =	sdelay $0x4  }
0x92: {  	[tilespmem:s31], [sflag:$0x1] =	stream.indirect_vreg.gather [hbm4b:s1+s3], $0x80, v4, vm0, $0xb8;
	[tilespmem:$0x10100] =	vst v63  }
0x93: {  	v3 =	vperm.xlane v3, v2  }
0x94: {  	[tilespmem:s2], [sflag:$0x1] =	stream.indirect_vreg.gather [hbm4b:s4+s3], $0x80, v4, vm0, $0xb8;
	[tilespmem:$0x10100] =	vst v63  }
0x95: {  	v3 =	vadd.s32 v1, v3  }
0x96: {  	[tilespmem:s15], [sflag:$0x1] =	stream.indirect_vreg.gather [hbm4b:s5+s3], $0x80, v4, vm0, $0xb8;
	[tilespmem:$0x10100] =	vst v63  }
0x97: {  	_ = 	snop  }
0x98: {  	[tilespmem:s8], [sflag:$0x1] =	stream.indirect_vreg.gather [hbm4b:s6+s3], $0x80, v4, vm0, $0xb8;
	[tilespmem:$0x10100] =	vst v63  }
0x99: {  	_ = 	snop  }
0x9a: {  	[tilespmem:s10], [sflag:$0x1] =	stream.indirect_vreg.gather [hbm4b:s1+s3], $0x80, v3, vm0, $0xb8;
	[tilespmem:$0x10100] =	vst v63  }
0x9b: {  	_ = 	snop  }
0x9c: {  	[tilespmem:s11], [sflag:$0x1] =	stream.indirect_vreg.gather [hbm4b:s4+s3], $0x80, v3, vm0, $0xb8;
	[tilespmem:$0x10100] =	vst v63  }
0x9d: {  	_ = 	snop  }
0x9e: {  	[tilespmem:s12], [sflag:$0x1] =	stream.indirect_vreg.gather [hbm4b:s5+s3], $0x80, v3, vm0, $0xb8;
	[tilespmem:$0x10100] =	vst v63  }
0x9f: {  	_ = 	snop  }
0xa0: {  	[tilespmem:s13], [sflag:$0x1] =	stream.indirect_vreg.gather [hbm4b:s6+s3], $0x80, v3, vm0, $0xb8;
	[tilespmem:$0x10100] =	vst v63  }
0xa1: {  	_ =	swait.ge [sflag:s19], $0x8000  }
0xa2: {  	[sflag:s19] =	ssyncset.done $0x0  }
0xa3: {  	s21 =	rddreg [dreg:$0x6];
	[sflag:s19] =	ssyncadd.s32 $0xFFFF8000  }
0xa4: {  	[hbm4b:s21+s3] =	stream.linear.scatter [tilespmem:s25], [sflag:$0x4], $0x8000, $0x38;
	[tilespmem:$0x10100] =	vst v63  }
0xa5: {  	_ =	swait.ge [sflag:s20], $0x8000  }
0xa6: {  	[sflag:s20] =	ssyncset.done $0x0  }
0xa7: {  	[sflag:s20] =	ssyncadd.s32 $0xFFFF8000  }
0xa8: {  	v3 =	vld [tilespmem:$0x60];
	_ =	sdelay $0x4  }
0xa9: {  	v54 =	vshll.u32 v3, $0x3  }
0xaa: {  	v3 =	vand.u32 $0x7, v3;
	v4 =	vand.u32 $0xFFFFFFC0, v54  }
0xab: {  	v3 =	vor.u32 v3, v4  }
0xac: {  	v4 =	vperm.xlane v3, v0;
	_ =	sdelay $0x1  }
0xad: {  	v4 =	vadd.s32 v1, v4;
	_ =	sdelay $0x4  }
0xae: {  	[tilespmem:s25], [sflag:$0x2] =	stream.indirect_vreg.gather [hbm4b:s1+s3], $0x80, v4, vm0, $0xb8;
	[tilespmem:$0x10100] =	vst v63  }
0xaf: {  	s0 =	simm.s32 $0x8900;
	v3 =	vperm.xlane v3, v2  }
0xb0: {  	[tilespmem:s0], [sflag:$0x2] =	stream.indirect_vreg.gather [hbm4b:s4+s3], $0x80, v4, vm0, $0xb8;
	[tilespmem:$0x10100] =	vst v63  }
0xb1: {  	v3 =	vadd.s32 v1, v3;
	s0 =	simm.s32 $0x9100  }
0xb2: {  	[tilespmem:s0], [sflag:$0x2] =	stream.indirect_vreg.gather [hbm4b:s5+s3], $0x80, v4, vm0, $0xb8;
	[tilespmem:$0x10100] =	vst v63  }
0xb3: {  	s21 =	simm.s32 $0x9900  }
0xb4: {  	[tilespmem:s21], [sflag:$0x2] =	stream.indirect_vreg.gather [hbm4b:s6+s3], $0x80, v4, vm0, $0xb8;
	[tilespmem:$0x10100] =	vst v63  }
0xb5: {  	s21 =	simm.s32 $0xA100  }
0xb6: {  	[tilespmem:s21], [sflag:$0x2] =	stream.indirect_vreg.gather [hbm4b:s1+s3], $0x80, v3, vm0, $0xb8;
	[tilespmem:$0x10100] =	vst v63  }
0xb7: {  	s21 =	simm.s32 $0xA900  }
0xb8: {  	[tilespmem:s21], [sflag:$0x2] =	stream.indirect_vreg.gather [hbm4b:s4+s3], $0x80, v3, vm0, $0xb8;
	[tilespmem:$0x10100] =	vst v63  }
0xb9: {  	s21 =	simm.s32 $0xB100  }
0xba: {  	[tilespmem:s21], [sflag:$0x2] =	stream.indirect_vreg.gather [hbm4b:s5+s3], $0x80, v3, vm0, $0xb8;
	[tilespmem:$0x10100] =	vst v63  }
0xbb: {  	s14 =	simm.s32 $0xB900  }
0xbc: {  	[tilespmem:s14], [sflag:$0x2] =	stream.indirect_vreg.gather [hbm4b:s6+s3], $0x80, v3, vm0, $0xb8;
	[tilespmem:$0x10100] =	vst v63  }
0xbd: {  	v3 =	vld [tilespmem:$0x70];
	_ =	sdelay $0x4  }
0xbe: {  	v55 =	vshll.u32 v3, $0x3  }
0xbf: {  	v3 =	vand.u32 $0x7, v3;
	v4 =	vand.u32 $0xFFFFFFC0, v55  }
0xc0: {  	v3 =	vor.u32 v3, v4  }
0xc1: {  	v4 =	vperm.xlane v3, v0;
	_ =	sdelay $0x1  }
0xc2: {  	v4 =	vadd.s32 v1, v4;
	_ =	sdelay $0x3  }
0xc3: {  	s16 =	simm.s32 $0xC100  }
0xc4: {  	[tilespmem:s16], [sflag:$0x2] =	stream.indirect_vreg.gather [hbm4b:s1+s3], $0x80, v4, vm0, $0xb8;
	[tilespmem:$0x10100] =	vst v63  }
0xc5: {  	s21 =	simm.s32 $0xC900;
	v3 =	vperm.xlane v3, v2  }
0xc6: {  	[tilespmem:s21], [sflag:$0x2] =	stream.indirect_vreg.gather [hbm4b:s4+s3], $0x80, v4, vm0, $0xb8;
	[tilespmem:$0x10100] =	vst v63  }
0xc7: {  	v3 =	vadd.s32 v1, v3;
	s16 =	simm.s32 $0xD100  }
0xc8: {  	[tilespmem:s16], [sflag:$0x2] =	stream.indirect_vreg.gather [hbm4b:s5+s3], $0x80, v4, vm0, $0xb8;
	[tilespmem:$0x10100] =	vst v63  }
0xc9: {  	s21 =	simm.s32 $0xD900  }
0xca: {  	[tilespmem:s21], [sflag:$0x2] =	stream.indirect_vreg.gather [hbm4b:s6+s3], $0x80, v4, vm0, $0xb8;
	[tilespmem:$0x10100] =	vst v63  }
0xcb: {  	s16 =	simm.s32 $0xE100  }
0xcc: {  	[tilespmem:s16], [sflag:$0x2] =	stream.indirect_vreg.gather [hbm4b:s1+s3], $0x80, v3, vm0, $0xb8;
	[tilespmem:$0x10100] =	vst v63  }
0xcd: {  	s21 =	simm.s32 $0xE900  }
0xce: {  	[tilespmem:s21], [sflag:$0x2] =	stream.indirect_vreg.gather [hbm4b:s4+s3], $0x80, v3, vm0, $0xb8;
	[tilespmem:$0x10100] =	vst v63  }
0xcf: {  	s16 =	simm.s32 $0xF100  }
0xd0: {  	[tilespmem:s16], [sflag:$0x2] =	stream.indirect_vreg.gather [hbm4b:s5+s3], $0x80, v3, vm0, $0xb8;
	[tilespmem:$0x10100] =	vst v63  }
0xd1: {  	s21 =	simm.s32 $0xF900  }
0xd2: {  	[tilespmem:s21], [sflag:$0x2] =	stream.indirect_vreg.gather [hbm4b:s6+s3], $0x80, v3, vm0, $0xb8;
	[tilespmem:$0x10100] =	vst v63  }
0xd3: {  	_ =	swait.ge [sflag:s17], $0x8000  }
0xd4: {  	[sflag:s17] =	ssyncset.done $0x0  }
0xd5: {  	s16 =	rddreg [dreg:$0x7];
	[sflag:s17] =	ssyncadd.s32 $0xFFFF8000  }
0xd6: {  	[hbm4b:s16+s3] =	stream.linear.scatter [tilespmem:s9], [sflag:$0x3], $0x8000, $0x38;
	[tilespmem:$0x10100] =	vst v63  }
0xd7: {  	_ =	swait.ge [sflag:s18], $0x8000  }
0xd8: {  	[sflag:s18] =	ssyncset.done $0x0  }
0xd9: {  	[sflag:s18] =	ssyncadd.s32 $0xFFFF8000  }
0xda: {  	v3 =	vld [tilespmem:$0x80];
	_ =	sdelay $0x4  }
0xdb: {  	v56 =	vshll.u32 v3, $0x3  }
0xdc: {  	v3 =	vand.u32 $0x7, v3;
	v4 =	vand.u32 $0xFFFFFFC0, v56  }
0xdd: {  	v3 =	vor.u32 v3, v4  }
0xde: {  	v4 =	vperm.xlane v3, v0;
	_ =	sdelay $0x1  }
0xdf: {  	v4 =	vadd.s32 v1, v4;
	_ =	sdelay $0x4  }
0xe0: {  	[tilespmem:s9], [sflag:$0x1] =	stream.indirect_vreg.gather [hbm4b:s1+s3], $0x80, v4, vm0, $0xb8;
	[tilespmem:$0x10100] =	vst v63  }
0xe1: {  	v3 =	vperm.xlane v3, v2  }
0xe2: {  	[tilespmem:s22], [sflag:$0x1] =	stream.indirect_vreg.gather [hbm4b:s4+s3], $0x80, v4, vm0, $0xb8;
	[tilespmem:$0x10100] =	vst v63  }
0xe3: {  	v3 =	vadd.s32 v1, v3  }
0xe4: {  	[tilespmem:s23], [sflag:$0x1] =	stream.indirect_vreg.gather [hbm4b:s5+s3], $0x80, v4, vm0, $0xb8;
	[tilespmem:$0x10100] =	vst v63  }
0xe5: {  	_ = 	snop  }
0xe6: {  	[tilespmem:s24], [sflag:$0x1] =	stream.indirect_vreg.gather [hbm4b:s6+s3], $0x80, v4, vm0, $0xb8;
	[tilespmem:$0x10100] =	vst v63  }
0xe7: {  	_ = 	snop  }
0xe8: {  	[tilespmem:s26], [sflag:$0x1] =	stream.indirect_vreg.gather [hbm4b:s1+s3], $0x80, v3, vm0, $0xb8;
	[tilespmem:$0x10100] =	vst v63  }
0xe9: {  	_ = 	snop  }
0xea: {  	[tilespmem:s28], [sflag:$0x1] =	stream.indirect_vreg.gather [hbm4b:s4+s3], $0x80, v3, vm0, $0xb8;
	[tilespmem:$0x10100] =	vst v63  }
0xeb: {  	_ = 	snop  }
0xec: {  	[tilespmem:s29], [sflag:$0x1] =	stream.indirect_vreg.gather [hbm4b:s5+s3], $0x80, v3, vm0, $0xb8;
	[tilespmem:$0x10100] =	vst v63  }
0xed: {  	_ = 	snop  }
0xee: {  	[tilespmem:s30], [sflag:$0x1] =	stream.indirect_vreg.gather [hbm4b:s6+s3], $0x80, v3, vm0, $0xb8;
	[tilespmem:$0x10100] =	vst v63  }
0xef: {  	v3 =	vld [tilespmem:$0x90];
	_ =	sdelay $0x4  }
0xf0: {  	v57 =	vshll.u32 v3, $0x3  }
0xf1: {  	v3 =	vand.u32 $0x7, v3;
	v4 =	vand.u32 $0xFFFFFFC0, v57  }
0xf2: {  	v3 =	vor.u32 v3, v4  }
0xf3: {  	v4 =	vperm.xlane v3, v0;
	_ =	sdelay $0x1  }
0xf4: {  	v4 =	vadd.s32 v1, v4;
	_ =	sdelay $0x4  }
0xf5: {  	[tilespmem:s31], [sflag:$0x1] =	stream.indirect_vreg.gather [hbm4b:s1+s3], $0x80, v4, vm0, $0xb8;
	[tilespmem:$0x10100] =	vst v63  }
0xf6: {  	v3 =	vperm.xlane v3, v2  }
0xf7: {  	[tilespmem:s2], [sflag:$0x1] =	stream.indirect_vreg.gather [hbm4b:s4+s3], $0x80, v4, vm0, $0xb8;
	[tilespmem:$0x10100] =	vst v63  }
0xf8: {  	v3 =	vadd.s32 v1, v3  }
0xf9: {  	[tilespmem:s15], [sflag:$0x1] =	stream.indirect_vreg.gather [hbm4b:s5+s3], $0x80, v4, vm0, $0xb8;
	[tilespmem:$0x10100] =	vst v63  }
0xfa: {  	_ = 	snop  }
0xfb: {  	[tilespmem:s8], [sflag:$0x1] =	stream.indirect_vreg.gather [hbm4b:s6+s3], $0x80, v4, vm0, $0xb8;
	[tilespmem:$0x10100] =	vst v63  }
0xfc: {  	_ = 	snop  }
0xfd: {  	[tilespmem:s10], [sflag:$0x1] =	stream.indirect_vreg.gather [hbm4b:s1+s3], $0x80, v3, vm0, $0xb8;
	[tilespmem:$0x10100] =	vst v63  }
0xfe: {  	_ = 	snop  }
0xff: {  	[tilespmem:s11], [sflag:$0x1] =	stream.indirect_vreg.gather [hbm4b:s4+s3], $0x80, v3, vm0, $0xb8;
	[tilespmem:$0x10100] =	vst v63  }
0x100: {  	_ = 	snop  }
0x101: {  	[tilespmem:s12], [sflag:$0x1] =	stream.indirect_vreg.gather [hbm4b:s5+s3], $0x80, v3, vm0, $0xb8;
	[tilespmem:$0x10100] =	vst v63  }
0x102: {  	_ = 	snop  }
0x103: {  	[tilespmem:s13], [sflag:$0x1] =	stream.indirect_vreg.gather [hbm4b:s6+s3], $0x80, v3, vm0, $0xb8;
	[tilespmem:$0x10100] =	vst v63  }
0x104: {  	_ =	swait.ge [sflag:s19], $0x8000  }
0x105: {  	[sflag:s19] =	ssyncset.done $0x0  }
0x106: {  	s14 =	rddreg [dreg:$0x8];
	[sflag:s19] =	ssyncadd.s32 $0xFFFF8000  }
0x107: {  	[hbm4b:s14+s3] =	stream.linear.scatter [tilespmem:s25], [sflag:$0x4], $0x8000, $0x38;
	[tilespmem:$0x10100] =	vst v63  }
0x108: {  	_ =	swait.ge [sflag:s20], $0x8000  }
0x109: {  	[sflag:s20] =	ssyncset.done $0x0  }
0x10a: {  	[sflag:s20] =	ssyncadd.s32 $0xFFFF8000  }
0x10b: {  	v3 =	vld [tilespmem:$0xA0];
	_ =	sdelay $0x4  }
0x10c: {  	v58 =	vshll.u32 v3, $0x3  }
0x10d: {  	v3 =	vand.u32 $0x7, v3;
	v4 =	vand.u32 $0xFFFFFFC0, v58  }
0x10e: {  	v3 =	vor.u32 v3, v4  }
0x10f: {  	v4 =	vperm.xlane v3, v0;
	_ =	sdelay $0x1  }
0x110: {  	v4 =	vadd.s32 v1, v4;
	_ =	sdelay $0x4  }
0x111: {  	[tilespmem:s25], [sflag:$0x2] =	stream.indirect_vreg.gather [hbm4b:s1+s3], $0x80, v4, vm0, $0xb8;
	[tilespmem:$0x10100] =	vst v63  }
0x112: {  	s16 =	simm.s32 $0x8900;
	v3 =	vperm.xlane v3, v2  }
0x113: {  	[tilespmem:s16], [sflag:$0x2] =	stream.indirect_vreg.gather [hbm4b:s4+s3], $0x80, v4, vm0, $0xb8;
	[tilespmem:$0x10100] =	vst v63  }
0x114: {  	v3 =	vadd.s32 v1, v3  }
0x115: {  	[tilespmem:s0], [sflag:$0x2] =	stream.indirect_vreg.gather [hbm4b:s5+s3], $0x80, v4, vm0, $0xb8;
	[tilespmem:$0x10100] =	vst v63  }
0x116: {  	s21 =	simm.s32 $0x9900  }
0x117: {  	[tilespmem:s21], [sflag:$0x2] =	stream.indirect_vreg.gather [hbm4b:s6+s3], $0x80, v4, vm0, $0xb8;
	[tilespmem:$0x10100] =	vst v63  }
0x118: {  	s16 =	simm.s32 $0xA100  }
0x119: {  	[tilespmem:s16], [sflag:$0x2] =	stream.indirect_vreg.gather [hbm4b:s1+s3], $0x80, v3, vm0, $0xb8;
	[tilespmem:$0x10100] =	vst v63  }
0x11a: {  	s21 =	simm.s32 $0xA900  }
0x11b: {  	[tilespmem:s21], [sflag:$0x2] =	stream.indirect_vreg.gather [hbm4b:s4+s3], $0x80, v3, vm0, $0xb8;
	[tilespmem:$0x10100] =	vst v63  }
0x11c: {  	s21 =	simm.s32 $0xB100  }
0x11d: {  	[tilespmem:s21], [sflag:$0x2] =	stream.indirect_vreg.gather [hbm4b:s5+s3], $0x80, v3, vm0, $0xb8;
	[tilespmem:$0x10100] =	vst v63  }
0x11e: {  	s21 =	simm.s32 $0xB900  }
0x11f: {  	[tilespmem:s21], [sflag:$0x2] =	stream.indirect_vreg.gather [hbm4b:s6+s3], $0x80, v3, vm0, $0xb8;
	[tilespmem:$0x10100] =	vst v63  }
0x120: {  	v3 =	vld [tilespmem:$0xB0];
	_ =	sdelay $0x4  }
0x121: {  	v59 =	vshll.u32 v3, $0x3  }
0x122: {  	v3 =	vand.u32 $0x7, v3;
	v4 =	vand.u32 $0xFFFFFFC0, v59  }
0x123: {  	v3 =	vor.u32 v3, v4  }
0x124: {  	v4 =	vperm.xlane v3, v0;
	_ =	sdelay $0x1  }
0x125: {  	v4 =	vadd.s32 v1, v4;
	_ =	sdelay $0x3  }
0x126: {  	s21 =	simm.s32 $0xC100  }
0x127: {  	[tilespmem:s21], [sflag:$0x2] =	stream.indirect_vreg.gather [hbm4b:s1+s3], $0x80, v4, vm0, $0xb8;
	[tilespmem:$0x10100] =	vst v63  }
0x128: {  	v3 =	vperm.xlane v3, v2;
	s21 =	simm.s32 $0xC900  }
0x129: {  	[tilespmem:s21], [sflag:$0x2] =	stream.indirect_vreg.gather [hbm4b:s4+s3], $0x80, v4, vm0, $0xb8;
	[tilespmem:$0x10100] =	vst v63  }
0x12a: {  	v3 =	vadd.s32 v1, v3;
	s21 =	simm.s32 $0xD100  }
0x12b: {  	[tilespmem:s21], [sflag:$0x2] =	stream.indirect_vreg.gather [hbm4b:s5+s3], $0x80, v4, vm0, $0xb8;
	[tilespmem:$0x10100] =	vst v63  }
0x12c: {  	s21 =	simm.s32 $0xD900  }
0x12d: {  	[tilespmem:s21], [sflag:$0x2] =	stream.indirect_vreg.gather [hbm4b:s6+s3], $0x80, v4, vm0, $0xb8;
	[tilespmem:$0x10100] =	vst v63  }
0x12e: {  	s21 =	simm.s32 $0xE100  }
0x12f: {  	[tilespmem:s21], [sflag:$0x2] =	stream.indirect_vreg.gather [hbm4b:s1+s3], $0x80, v3, vm0, $0xb8;
	[tilespmem:$0x10100] =	vst v63  }
0x130: {  	s21 =	simm.s32 $0xE900  }
0x131: {  	[tilespmem:s21], [sflag:$0x2] =	stream.indirect_vreg.gather [hbm4b:s4+s3], $0x80, v3, vm0, $0xb8;
	[tilespmem:$0x10100] =	vst v63  }
0x132: {  	s21 =	simm.s32 $0xF100  }
0x133: {  	[tilespmem:s21], [sflag:$0x2] =	stream.indirect_vreg.gather [hbm4b:s5+s3], $0x80, v3, vm0, $0xb8;
	[tilespmem:$0x10100] =	vst v63  }
0x134: {  	s21 =	simm.s32 $0xF900  }
0x135: {  	[tilespmem:s21], [sflag:$0x2] =	stream.indirect_vreg.gather [hbm4b:s6+s3], $0x80, v3, vm0, $0xb8;
	[tilespmem:$0x10100] =	vst v63  }
0x136: {  	_ =	swait.ge [sflag:s17], $0x8000  }
0x137: {  	[sflag:s17] =	ssyncset.done $0x0  }
0x138: {  	s21 =	rddreg [dreg:$0x9];
	[sflag:s17] =	ssyncadd.s32 $0xFFFF8000  }
0x139: {  	[hbm4b:s21+s3] =	stream.linear.scatter [tilespmem:s9], [sflag:$0x3], $0x8000, $0x38;
	[tilespmem:$0x10100] =	vst v63  }
0x13a: {  	_ =	swait.ge [sflag:s18], $0x8000  }
0x13b: {  	[sflag:s18] =	ssyncset.done $0x0  }
0x13c: {  	[sflag:s18] =	ssyncadd.s32 $0xFFFF8000  }
0x13d: {  	v3 =	vld [tilespmem:$0xC0];
	_ =	sdelay $0x4  }
0x13e: {  	v60 =	vshll.u32 v3, $0x3  }
0x13f: {  	v3 =	vand.u32 $0x7, v3;
	v4 =	vand.u32 $0xFFFFFFC0, v60  }
0x140: {  	v3 =	vor.u32 v3, v4  }
0x141: {  	v4 =	vperm.xlane v3, v0;
	_ =	sdelay $0x1  }
0x142: {  	v4 =	vadd.s32 v1, v4;
	_ =	sdelay $0x4  }
0x143: {  	[tilespmem:s9], [sflag:$0x1] =	stream.indirect_vreg.gather [hbm4b:s1+s3], $0x80, v4, vm0, $0xb8;
	[tilespmem:$0x10100] =	vst v63  }
0x144: {  	v3 =	vperm.xlane v3, v2  }
0x145: {  	[tilespmem:s22], [sflag:$0x1] =	stream.indirect_vreg.gather [hbm4b:s4+s3], $0x80, v4, vm0, $0xb8;
	[tilespmem:$0x10100] =	vst v63  }
0x146: {  	v3 =	vadd.s32 v1, v3  }
0x147: {  	[tilespmem:s23], [sflag:$0x1] =	stream.indirect_vreg.gather [hbm4b:s5+s3], $0x80, v4, vm0, $0xb8;
	[tilespmem:$0x10100] =	vst v63  }
0x148: {  	_ = 	snop  }
0x149: {  	[tilespmem:s24], [sflag:$0x1] =	stream.indirect_vreg.gather [hbm4b:s6+s3], $0x80, v4, vm0, $0xb8;
	[tilespmem:$0x10100] =	vst v63  }
0x14a: {  	_ = 	snop  }
0x14b: {  	[tilespmem:s26], [sflag:$0x1] =	stream.indirect_vreg.gather [hbm4b:s1+s3], $0x80, v3, vm0, $0xb8;
	[tilespmem:$0x10100] =	vst v63  }
0x14c: {  	_ = 	snop  }
0x14d: {  	[tilespmem:s28], [sflag:$0x1] =	stream.indirect_vreg.gather [hbm4b:s4+s3], $0x80, v3, vm0, $0xb8;
	[tilespmem:$0x10100] =	vst v63  }
0x14e: {  	_ = 	snop  }
0x14f: {  	[tilespmem:s29], [sflag:$0x1] =	stream.indirect_vreg.gather [hbm4b:s5+s3], $0x80, v3, vm0, $0xb8;
	[tilespmem:$0x10100] =	vst v63  }
0x150: {  	_ = 	snop  }
0x151: {  	[tilespmem:s30], [sflag:$0x1] =	stream.indirect_vreg.gather [hbm4b:s6+s3], $0x80, v3, vm0, $0xb8;
	[tilespmem:$0x10100] =	vst v63  }
0x152: {  	v3 =	vld [tilespmem:$0xD0];
	_ =	sdelay $0x4  }
0x153: {  	v61 =	vshll.u32 v3, $0x3  }
0x154: {  	v3 =	vand.u32 $0x7, v3;
	v4 =	vand.u32 $0xFFFFFFC0, v61  }
0x155: {  	v3 =	vor.u32 v3, v4  }
0x156: {  	v4 =	vperm.xlane v3, v0;
	_ =	sdelay $0x1  }
0x157: {  	v4 =	vadd.s32 v1, v4;
	_ =	sdelay $0x4  }
0x158: {  	[tilespmem:s31], [sflag:$0x1] =	stream.indirect_vreg.gather [hbm4b:s1+s3], $0x80, v4, vm0, $0xb8;
	[tilespmem:$0x10100] =	vst v63  }
0x159: {  	v3 =	vperm.xlane v3, v2  }
0x15a: {  	[tilespmem:s2], [sflag:$0x1] =	stream.indirect_vreg.gather [hbm4b:s4+s3], $0x80, v4, vm0, $0xb8;
	[tilespmem:$0x10100] =	vst v63  }
0x15b: {  	v3 =	vadd.s32 v1, v3  }
0x15c: {  	[tilespmem:s15], [sflag:$0x1] =	stream.indirect_vreg.gather [hbm4b:s5+s3], $0x80, v4, vm0, $0xb8;
	[tilespmem:$0x10100] =	vst v63  }
0x15d: {  	_ = 	snop  }
0x15e: {  	[tilespmem:s8], [sflag:$0x1] =	stream.indirect_vreg.gather [hbm4b:s6+s3], $0x80, v4, vm0, $0xb8;
	[tilespmem:$0x10100] =	vst v63  }
0x15f: {  	_ = 	snop  }
0x160: {  	[tilespmem:s10], [sflag:$0x1] =	stream.indirect_vreg.gather [hbm4b:s1+s3], $0x80, v3, vm0, $0xb8;
	[tilespmem:$0x10100] =	vst v63  }
0x161: {  	_ = 	snop  }
0x162: {  	[tilespmem:s11], [sflag:$0x1] =	stream.indirect_vreg.gather [hbm4b:s4+s3], $0x80, v3, vm0, $0xb8;
	[tilespmem:$0x10100] =	vst v63  }
0x163: {  	_ = 	snop  }
0x164: {  	[tilespmem:s12], [sflag:$0x1] =	stream.indirect_vreg.gather [hbm4b:s5+s3], $0x80, v3, vm0, $0xb8;
	[tilespmem:$0x10100] =	vst v63  }
0x165: {  	_ = 	snop  }
0x166: {  	[tilespmem:s13], [sflag:$0x1] =	stream.indirect_vreg.gather [hbm4b:s6+s3], $0x80, v3, vm0, $0xb8;
	[tilespmem:$0x10100] =	vst v63  }
0x167: {  	_ =	swait.ge [sflag:s19], $0x8000  }
0x168: {  	[sflag:s19] =	ssyncset.done $0x0  }
0x169: {  	s2 =	rddreg [dreg:$0xa];
	[sflag:s19] =	ssyncadd.s32 $0xFFFF8000  }
0x16a: {  	[hbm4b:s2+s3] =	stream.linear.scatter [tilespmem:s25], [sflag:$0x4], $0x8000, $0x38;
	[tilespmem:$0x10100] =	vst v63  }
0x16b: {  	_ =	swait.ge [sflag:s20], $0x8000  }
0x16c: {  	[sflag:s20] =	ssyncset.done $0x0  }
0x16d: {  	[sflag:s20] =	ssyncadd.s32 $0xFFFF8000  }
0x16e: {  	v3 =	vld [tilespmem:$0xE0];
	_ =	sdelay $0x4  }
0x16f: {  	v62 =	vshll.u32 v3, $0x3  }
0x170: {  	v3 =	vand.u32 $0x7, v3;
	v4 =	vand.u32 $0xFFFFFFC0, v62  }
0x171: {  	v3 =	vor.u32 v3, v4  }
0x172: {  	v4 =	vperm.xlane v3, v0;
	_ =	sdelay $0x1  }
0x173: {  	v4 =	vadd.s32 v1, v4;
	_ =	sdelay $0x4  }
0x174: {  	[tilespmem:s25], [sflag:$0x2] =	stream.indirect_vreg.gather [hbm4b:s1+s3], $0x80, v4, vm0, $0xb8;
	[tilespmem:$0x10100] =	vst v63  }
0x175: {  	s21 =	simm.s32 $0x8900;
	v3 =	vperm.xlane v3, v2  }
0x176: {  	[tilespmem:s21], [sflag:$0x2] =	stream.indirect_vreg.gather [hbm4b:s4+s3], $0x80, v4, vm0, $0xb8;
	[tilespmem:$0x10100] =	vst v63  }
0x177: {  	s0 =	simm.s32 $0x9100;
	v3 =	vadd.s32 v1, v3  }
0x178: {  	[tilespmem:s0], [sflag:$0x2] =	stream.indirect_vreg.gather [hbm4b:s5+s3], $0x80, v4, vm0, $0xb8;
	[tilespmem:$0x10100] =	vst v63  }
0x179: {  	s2 =	simm.s32 $0x9900  }
0x17a: {  	[tilespmem:s2], [sflag:$0x2] =	stream.indirect_vreg.gather [hbm4b:s6+s3], $0x80, v4, vm0, $0xb8;
	[tilespmem:$0x10100] =	vst v63  }
0x17b: {  	s14 =	simm.s32 $0xA100  }
0x17c: {  	[tilespmem:s14], [sflag:$0x2] =	stream.indirect_vreg.gather [hbm4b:s1+s3], $0x80, v3, vm0, $0xb8;
	[tilespmem:$0x10100] =	vst v63  }
0x17d: {  	s16 =	simm.s32 $0xA900  }
0x17e: {  	[tilespmem:s16], [sflag:$0x2] =	stream.indirect_vreg.gather [hbm4b:s4+s3], $0x80, v3, vm0, $0xb8;
	[tilespmem:$0x10100] =	vst v63  }
0x17f: {  	s21 =	simm.s32 $0xB100  }
0x180: {  	[tilespmem:s21], [sflag:$0x2] =	stream.indirect_vreg.gather [hbm4b:s5+s3], $0x80, v3, vm0, $0xb8;
	[tilespmem:$0x10100] =	vst v63  }
0x181: {  	s2 =	simm.s32 $0xB900  }
0x182: {  	[tilespmem:s2], [sflag:$0x2] =	stream.indirect_vreg.gather [hbm4b:s6+s3], $0x80, v3, vm0, $0xb8;
	[tilespmem:$0x10100] =	vst v63  }
0x183: {  	v3 =	vld [tilespmem:$0xF0];
	_ =	sdelay $0x4  }
0x184: {  	v63 =	vshll.u32 v3, $0x3  }
0x185: {  	v3 =	vand.u32 $0x7, v3;
	v4 =	vand.u32 $0xFFFFFFC0, v63  }
0x186: {  	v3 =	vor.u32 v3, v4  }
0x187: {  	v4 =	vperm.xlane v3, v0;
	_ =	sdelay $0x1  }
0x188: {  	v4 =	vadd.s32 v1, v4;
	_ =	sdelay $0x3  }
0x189: {  	s14 =	simm.s32 $0xC100  }
0x18a: {  	[tilespmem:s14], [sflag:$0x2] =	stream.indirect_vreg.gather [hbm4b:s1+s3], $0x80, v4, vm0, $0xb8;
	[tilespmem:$0x10100] =	vst v63  }
0x18b: {  	s16 =	simm.s32 $0xC900;
	v3 =	vperm.xlane v3, v2  }
0x18c: {  	[tilespmem:s16], [sflag:$0x2] =	stream.indirect_vreg.gather [hbm4b:s4+s3], $0x80, v4, vm0, $0xb8;
	[tilespmem:$0x10100] =	vst v63  }
0x18d: {  	s21 =	simm.s32 $0xD100;
	v3 =	vadd.s32 v1, v3  }
0x18e: {  	[tilespmem:s21], [sflag:$0x2] =	stream.indirect_vreg.gather [hbm4b:s5+s3], $0x80, v4, vm0, $0xb8;
	[tilespmem:$0x10100] =	vst v63  }
0x18f: {  	s2 =	simm.s32 $0xD900  }
0x190: {  	[tilespmem:s2], [sflag:$0x2] =	stream.indirect_vreg.gather [hbm4b:s6+s3], $0x80, v4, vm0, $0xb8;
	[tilespmem:$0x10100] =	vst v63  }
0x191: {  	s14 =	simm.s32 $0xE100  }
0x192: {  	[tilespmem:s14], [sflag:$0x2] =	stream.indirect_vreg.gather [hbm4b:s1+s3], $0x80, v3, vm0, $0xb8;
	[tilespmem:$0x10100] =	vst v63  }
0x193: {  	s16 =	simm.s32 $0xE900  }
0x194: {  	[tilespmem:s16], [sflag:$0x2] =	stream.indirect_vreg.gather [hbm4b:s4+s3], $0x80, v3, vm0, $0xb8;
	[tilespmem:$0x10100] =	vst v63  }
0x195: {  	s21 =	simm.s32 $0xF100  }
0x196: {  	[tilespmem:s21], [sflag:$0x2] =	stream.indirect_vreg.gather [hbm4b:s5+s3], $0x80, v3, vm0, $0xb8;
	[tilespmem:$0x10100] =	vst v63  }
0x197: {  	s2 =	simm.s32 $0xF900  }
0x198: {  	[tilespmem:s2], [sflag:$0x2] =	stream.indirect_vreg.gather [hbm4b:s6+s3], $0x80, v3, vm0, $0xb8;
	[tilespmem:$0x10100] =	vst v63  }
0x199: {  	_ =	swait.ge [sflag:s17], $0x8000  }
0x19a: {  	[sflag:s17] =	ssyncset.done $0x0  }
0x19b: {  	s14 =	rddreg [dreg:$0xb];
	[sflag:s17] =	ssyncadd.s32 $0xFFFF8000  }
0x19c: {  	[hbm4b:s14+s3] =	stream.linear.scatter [tilespmem:s9], [sflag:$0x3], $0x8000, $0x38;
	[tilespmem:$0x10100] =	vst v63  }
0x19d: {  	_ =	swait.ge [sflag:s19], $0x8000  }
0x19e: {  	[sflag:s19] =	ssyncset.done $0x0  }
0x19f: {  	s16 =	rddreg [dreg:$0xc];
	[sflag:s19] =	ssyncadd.s32 $0xFFFF8000  }
0x1a0: {  	[hbm4b:s16+s3] =	stream.linear.scatter [tilespmem:s25], [sflag:$0x4], $0x8000, $0x38;
	[tilespmem:$0x10100] =	vst v63  }
0x1a1: {  	p0 =	sne.s32 s7, $0x1;
	_ =	swait.ge [sflag:s18], $0x8000  }
.Ltmp0:
0x1a2: {  	[sflag:s18] =	ssyncset.done $0x0;
	(pc) =	sbr.rel @p0 .LBB2_1-.Ltmp0, $4  }
0x1a3: {  	[sflag:s18] =	ssyncadd.s32 $0xFFFF8000  }
0x1a4: {  	_ =	swait.ge [sflag:s20], $0x8000  }
0x1a5: {  	[sflag:s20] =	ssyncset.done $0x0  }
0x1a6: {  	s7 =	sadd.s32 $0xFFFFFFFF, s7;
	[sflag:s20] =	ssyncadd.s32 $0xFFFF8000  }
0x1a7: {  	_ =	sfence.sel $0x180000  }
0x1a8: {  	[bflag:$0x0] =	sbarrier.arrive $0xFFFF  }
0x1a9: {  	_ =	strace $0x90000047  }
0x1aa: {  	s0 =	stileid.u32;
	[bflag:$0x2] =	sbarrier.arrive $0xFFFF  }
0x1ab: {  	p0 =	sne.s32 s0, $0x0;
	s0 =	rddreg [dreg:$0x3]  }
0x1ac: {  	s0 =	sadd.s32 @!p0 $0x100000, s0  }
0x1ad: {  	[sflag:s0] =	ssyncadd.tile.s32 @!p0 $0x1;
	_ =	shalt  }
.Lfunc_end2:
_tile_overlayer_lowered:
.L_overlay_start_2:
0x1ae: {  	(tag) =	ssettag $0x2  }
0x1af: {  	s0 =	rddreg [dreg:$0x0];
	s2 =	stileid.u32  }
0x1b0: {  	s1 =	rddreg [dreg:$0x1];
	p0 =	sne.s32 s2, $0x0  }
0x1b1: {  	s3 =	rddreg [dreg:$0x2];
	[bflag:$0x3] =	sbarrier.arrive $0xFFFF;
	s2 =	simm.s32 @!p0 $0x1C05  }
0x1b2: {  	[timem:s3], [sflag:s2] =	dma.local @!p0 [hbm:s0], s1  }
0x1b3: {  	s0 =	simm.s32 @!p0 $0x5  }
0x1b4: {  	_ =	swait.ge @!p0 [sflag:s0], s1  }
0x1b5: {  	s1 =	ssub.s32 @!p0 $0x0, s1;
	[sflag:s0] =	ssyncset.done @!p0 $0x0  }
0x1b6: {  	[sflag:s0] =	ssyncadd.s32 @!p0 s1  }
0x1b7: {  	[bflag:$0x3] =	sbarrier.arrive $0xFFFF  }
0x1b8: {  	_ =	shalt  }

// kernel: kernel.9.cloned.1.call-start
scs
__scs_entry_jumppad:
0x0: {  	(pc) =	sbr.rel $0x88, $3  }
0x1: {  	(tag) =	ssettag $0x0;
	lr =	simm.s32 $0x1  }
0x2: {  	[smem:$0x3F9A] =	sst lr;
	_ =	strace $0xD0000000  }
0x3: {  	_ = 	snop  }
0x4: {  	_ = 	snop  }
0x5: {  	_ = 	snop  }
0x6: {  	_ = 	snop  }
0x7: {  	_ = 	snop  }
__scs_overlays_trampoline_lowered:
0x8: {  	[smem:$0x3FA9] =	sst s0  }
0x9: {  	[smem:$0x3FAA] =	sst s1  }
0xa: {  	[smem:$0x3FAB] =	sst s2  }
0xb: {  	[smem:$0x3FAC] =	sst s3  }
0xc: {  	[smem:$0x3FAD] =	sst s4  }
0xd: {  	[smem:$0x3FAE] =	sst s5  }
0xe: {  	[smem:$0x3FAF] =	sst s6  }
0xf: {  	[smem:$0x3FB0] =	sst s7  }
0x10: {  	[smem:$0x3FB1] =	sst s8  }
0x11: {  	[smem:$0x3FB2] =	sst s9;
	s0 =	simm.s32 @!p0 $0x0  }
0x12: {  	s1 =	sld [smem:$0x3F98];
	s0 =	simm.s32 @p0 $0x1  }
0x13: {  	[smem:$0x3FB3] =	sst s0;
	s0 =	simm.s32 @!p1 $0x0  }
0x14: {  	s2 =	sld [smem:$0x3F97];
	s0 =	simm.s32 @p1 $0x1  }
0x15: {  	[smem:$0x3FB4] =	sst s0;
	s0 =	simm.s32 @!p2 $0x0  }
0x16: {  	s3 =	sld [smem:$0x3FDB];
	s0 =	simm.s32 @p2 $0x1  }
0x17: {  	s4 =	simm.s32 $0x1BF5;
	[smem:$0x3FB6] =	sst s0  }
0x18: {  	s0 =	sld [smem:$0x3F99];
	_ =	swait.ge [sflag:s4], $0x0  }
0x19: {  	s7 =	sld [smem:$0x3F9A]  }
0x1a: {  	s8 =	sadd.s32 $0xFFFFE003, lr  }
0x1b: {  	s9 =	sadd.s32 $0xFFFFFEF7, lr;
	s5 =	simm.s32 $0xFFFFFFFF;
	p2 =	slt.u32 s8, $0xFFFFF086  }
0x1c: {  	p1 =	slt.u32 s9, $0xF7A;
	s5 =	simm.s32 @!p2 $0x0  }
0x1d: {  	s5 =	simm.s32 @p1 $0x1;
	p0 =	seq.s32 s7, s2  }
0x1e: {  	s7 =	smul.u32 @!p0 $0xF7A, s2;
	p2 =	seq.s32 @!p0 s5, $0x0  }
0x1f: {  	s9 =	smul.u32 $0xF7A, s1;
	s8 =	simm.s32 @!p0 $0x1BF5;
	p2 =	por !p2, p0  }
0x20: {  	[sflag:s8] =	ssyncset.s32 @!p0 $0xFFFFF086;
	s6 =	sadd.s32 @!p0 s3, s7;
	s7 =	simm.s32 @!p0 $0x108  }
0x21: {  	s3 =	sadd.s32 s3, s9;
	s6 =	sadd.s32 @!p0 $0x88, s6;
	s7 =	simm.s32 @p2 $0x1082  }
0x22: {  	[simem:s7], [sflag:s8] =	dma.local @!p0 [hbm:s6], $0xF7A  }
0x23: {  	s9 =	sor.u32 $0xD0000000, s2;
	s6 =	simm.s32 $0x108;
	_ =	swait.ge @!p0 [sflag:s8], $0x0  }
0x24: {  	s3 =	sadd.s32 $0x88, s3;
	s6 =	simm.s32 @!p1 $0x1082;
	[sflag:s4] =	ssyncset.s32 $0xFFFFF086  }
0x25: {  	[simem:s6], [sflag:s4] =	dma.local [hbm:s3], $0xF7A  }
0x26: {  	[smem:$0x3F9A] =	sst s1;
	(tag) =	ssettag s2;
	_ =	strace s9  }
0x27: {  	s1 =	sld [smem:$0x3FAA]  }
0x28: {  	s2 =	sld [smem:$0x3FAB]  }
0x29: {  	s4 =	sld [smem:$0x3FAD]  }
0x2a: {  	p0 =	seq.s32 s5, $0x0;
	s5 =	sld [smem:$0x3FAE]  }
0x2b: {  	s6 =	sld [smem:$0x3FAF]  }
0x2c: {  	s7 =	sld [smem:$0x3FB0]  }
0x2d: {  	s3 =	simm.s32 $0x108;
	s8 =	sld [smem:$0x3FB1]  }
0x2e: {  	s3 =	simm.s32 @!p0 $0x1082;
	s9 =	sld [smem:$0x3FB2]  }
0x2f: {  	lr =	sadd.s32 s0, s3;
	s0 =	sld [smem:$0x3FA9]  }
0x30: {  	s3 =	sld [smem:$0x3FAC]  }
0x31: {  	[smem:$0x3FB5] =	sst s10  }
0x32: {  	s10 =	sld [smem:$0x3FB3];
	_ =	sdelay $0x3  }
0x33: {  	p0 =	seq.s32 s10, $0x1;
	s10 =	sld [smem:$0x3FB5];
	_ =	sdelay $0x3  }
0x34: {  	[smem:$0x3FB5] =	sst s10  }
0x35: {  	s10 =	sld [smem:$0x3FB4];
	_ =	sdelay $0x3  }
0x36: {  	p1 =	seq.s32 s10, $0x1;
	s10 =	sld [smem:$0x3FB5];
	_ =	sdelay $0x3  }
0x37: {  	[smem:$0x3FB5] =	sst s10  }
0x38: {  	s10 =	sld [smem:$0x3FB6]  }
0x39: {  	_ = 	snop;
	(pc) =	sbr.ind lr, $3  }
0x3a: {  	_ = 	snop  }
0x3b: {  	_ = 	snop  }
0x3c: {  	p2 =	seq.s32 s10, $0x1;
	s10 =	sld [smem:$0x3FB5]  }
0x3d: {  	_ =	shalt  }
0x3e: {  	_ =	shalt  }
0x3f: {  	_ =	shalt  }
0x40: {  	_ =	shalt  }
0x41: {  	_ =	shalt  }
0x42: {  	_ =	shalt  }
0x43: {  	_ =	shalt  }
0x44: {  	_ =	shalt  }
0x45: {  	_ =	shalt  }
0x46: {  	_ =	shalt  }
0x47: {  	_ =	shalt  }
0x48: {  	_ =	shalt  }
0x49: {  	_ =	shalt  }
0x4a: {  	_ =	shalt  }
0x4b: {  	_ =	shalt  }
0x4c: {  	_ =	shalt  }
0x4d: {  	_ =	shalt  }
0x4e: {  	_ =	shalt  }
0x4f: {  	_ =	shalt  }
0x50: {  	_ =	shalt  }
0x51: {  	_ =	shalt  }
0x52: {  	_ =	shalt  }
0x53: {  	_ =	shalt  }
0x54: {  	_ =	shalt  }
0x55: {  	_ =	shalt  }
0x56: {  	_ =	shalt  }
0x57: {  	_ =	shalt  }
0x58: {  	_ =	shalt  }
0x59: {  	_ =	shalt  }
0x5a: {  	_ =	shalt  }
0x5b: {  	_ =	shalt  }
0x5c: {  	_ =	shalt  }
0x5d: {  	_ =	shalt  }
0x5e: {  	_ =	shalt  }
0x5f: {  	_ =	shalt  }
0x60: {  	_ =	shalt  }
0x61: {  	_ =	shalt  }
0x62: {  	_ =	shalt  }
0x63: {  	_ =	shalt  }
0x64: {  	_ =	shalt  }
0x65: {  	_ =	shalt  }
0x66: {  	_ =	shalt  }
0x67: {  	_ =	shalt  }
0x68: {  	_ =	shalt  }
0x69: {  	_ =	shalt  }
0x6a: {  	_ =	shalt  }
0x6b: {  	_ =	shalt  }
0x6c: {  	_ =	shalt  }
0x6d: {  	_ =	shalt  }
0x6e: {  	_ =	shalt  }
0x6f: {  	_ =	shalt  }
0x70: {  	_ =	shalt  }
0x71: {  	_ =	shalt  }
0x72: {  	_ =	shalt  }
0x73: {  	_ =	shalt  }
0x74: {  	_ =	shalt  }
0x75: {  	_ =	shalt  }
0x76: {  	_ =	shalt  }
0x77: {  	_ =	shalt  }
0x78: {  	_ =	shalt  }
0x79: {  	_ =	shalt  }
0x7a: {  	_ =	shalt  }
0x7b: {  	_ =	shalt  }
0x7c: {  	_ =	shalt  }
0x7d: {  	_ =	shalt  }
0x7e: {  	_ =	shalt  }
0x7f: {  	_ =	shalt  }
0x80: {  	_ =	shalt  }
0x81: {  	_ =	shalt  }
0x82: {  	_ =	shalt  }
0x83: {  	_ =	shalt  }
0x84: {  	_ =	shalt  }
0x85: {  	_ =	shalt  }
0x86: {  	_ =	shalt  }
0x87: {  	_ =	shalt  }
.Lfunc_end0:
.L_simem_size_0:
called_computation.1_lowered:
.L_overlay_start_0:
0x88: {  	s2 =	sld [smem:$0x3FD9]  }
0x89: {  	s3 =	sld [smem:$0x3FFE];
	_ =	sdelay $0x1  }
0x8a: {  	s1 =	srdreg.scid  }
0x8b: {  	s0 =	sand.u32 $0x1, s1  }
0x8c: {  	s17 =	sshll.u32 s0, $0xA;
	s2 =	sadd.s32 s3, s2  }
0x8d: {  	s2 =	sadd.s32 s2, s17  }
0x8e: {  	[smem:$0x3FC1] =	sst s2  }
0x8f: {  	_ = 	snop  }
0x90: {  	s18 =	sld [smem:$0x3FC7];
	(tm) =	ssettm $0x1  }
0x91: {  	s19 =	sld [smem:$0x3FFB];
	_ =	sdelay $0x3  }
0x92: {  	_ =	strace s19  }
0x93: {  	s2 =	sld [smem:$0x3FFC];
	_ =	sdelay $0x3  }
0x94: {  	_ =	strace s2  }
0x95: {  	s2 =	sld [smem:$0x3FFD];
	_ =	sdelay $0x3  }
0x96: {  	_ =	strace s2  }
0x97: {  	_ =	strace $0x8FFFFFFF  }
0x98: {  	s20 =	sld [smem:$0x3FDB];
	_ =	sdelay $0x1  }
0x99: {  	s4 =	simm.s32 $_scs_section_size  }
0x9a: {  	s5 =	simm.s32 $_size__tile_overlayer_lowered;
	s6 =	simm.s32 $_tile_overlayer_lowered  }
0x9b: {  	s7 =	simm.s32 $0x1BFF;
	s21 =	sshll.u32 s6, $0x1;
	s4 =	sadd.s32 s4, s20  }
0x9c: {  	s22 =	simm.s32 $0x0;
	s5 =	sshll.u32 s5, $0x1;
	s6 =	sadd.s32 s21, s4  }
0x9d: {  	[timem:s22], [sflag:s7] =	dma.local [hbm:s6], s5  }
0x9e: {  	_ =	swait.ge [sflag:s7], s5  }
0x9f: {  	s5 =	ssub.s32 $0x0, s5;
	[sflag:s7] =	ssyncset.done $0x0  }
0xa0: {  	[sflag:s7] =	ssyncadd.s32 s5;
	_ =	sdelay $0x1  }
0xa1: {  	s23 =	simm.s32 $0x1B8B  }
0xa2: {  	_ =	swait.ge [sflag:s23], $0x1  }
0xa3: {  	[sflag:s23] =	ssyncset.done $0x0  }
0xa4: {  	[sflag:s23] =	ssyncadd.s32 $0xFFFFFFFF  }
0xa5: {  	s5 =	sld [smem:$0x0]  }
0xa6: {  	s6 =	sand.u32 $0xFFFFFFFE, s1  }
0xa7: {  	p0 =	sne.s32 s1, s6  }
0xa8: {  	s6 =	sshll.u32 @p0 s6, $0xE  }
0xa9: {  	s6 =	sadd.s32 @p0 $0x11B8D, s6;
	s7 =	sshll.u32 @p0 s5, $0x11  }
0xaa: {  	s6 =	sor.u32 @p0 s7, s6  }
0xab: {  	[sflag:s6] =	ssyncadd.remote.s32 @p0 $0x1;
	_ =	sdelay $0x1  }
0xac: {  	s6 =	simm.s32 @p0 $0x1B8D  }
0xad: {  	_ =	swait.eq @p0 [sflag:s6], $0x1  }
0xae: {  	[sflag:s6] =	ssyncadd.s32 @p0 $0xFFFFFFFF  }
0xaf: {  	s7 =	sshll.u32 @!p0 s1, $0xE  }
0xb0: {  	s7 =	sor.u32 @!p0 $0x4000, s7;
	s6 =	simm.s32 @!p0 $0x1B8D  }
0xb1: {  	s5 =	sshll.u32 @!p0 s5, $0x11;
	s7 =	sadd.s32 @!p0 $0x11B8D, s7;
	_ =	swait.eq @!p0 [sflag:s6], $0x1  }
0xb2: {  	s5 =	sor.u32 @!p0 s5, s7;
	[sflag:s6] =	ssyncadd.s32 @!p0 $0xFFFFFFFF  }
0xb3: {  	s25 =	simm.s32 $0x1B8E;
	s24 =	sld [smem:$0x3FFE];
	[sflag:s5] =	ssyncadd.remote.s32 @!p0 $0x1  }
0xb4: {  	s26 =	simm.s32 $execute0_lowered;
	[smem:$0x3FD2] =	sst s25  }
0xb5: {  	s6 =	sshll.u32 s26, $0x1;
	_ =	strace $0x80000049;
	[dreg:$0x1] =	wrdreg $0xFFFFFFFF  }
0xb6: {  	s28 =	simm.s32 $_size_execute0_lowered;
	s4 =	sadd.s32 s4, s6;
	[dreg:$0x0] =	wrdreg $0x0  }
0xb7: {  	s6 =	sshll.u32 s28, $0x1;
	[dreg:$0x2] =	wrdreg s4  }
0xb8: {  	[dreg:$0x3] =	wrdreg s6  }
0xb9: {  	[dreg:$0x4] =	wrdreg $0xC0  }
0xba: {  	_ =	task [dreg:s22], $0x5FFFF  }
0xbb: {  	[dreg:$0x1] =	wrdreg $0xFFFFFFFF  }
0xbc: {  	[dreg:$0x0] =	wrdreg $0x60  }
0xbd: {  	[dreg:$0x2] =	wrdreg s18  }
0xbe: {  	[dreg:$0x3] =	wrdreg s24  }
0xbf: {  	[dreg:$0x4] =	wrdreg $0xA  }
0xc0: {  	_ =	task.clear_ibuf [dreg:s22], $0x5FFFF;
	_ =	strace $0x90000049  }
0xc1: {  	s29 =	simm.s32 $0xA;
	_ =	strace $0x8000004B  }
0xc2: {  	_ =	swait.ge [sflag:s29], $0x1  }
0xc3: {  	[sflag:s29] =	ssyncadd.s32 $0xFFFFFFFF  }
0xc4: {  	_ =	strace $0x9000004B  }
0xc5: {  	_ =	sfence  }
0xc6: {  	s30 =	sld [smem:$0x0];
	_ =	sdelay $0x2  }
0xc7: {  	s31 =	sshll.u32 s1, $0xD;
	s1 =	sshrl.u32 s1, $0x2  }
0xc8: {  	s4 =	sand.u32 $0x4000, s31;
	s1 =	sadd.s32 s1, s30  }
0xc9: {  	s0 =	sor.u32 s4, s0;
	s1 =	sshll.u32 s1, $0x11  }
0xca: {  	s0 =	sor.u32 s1, s0  }
0xcb: {  	s0 =	sadd.s32 $0x8F2B, s0  }
0xcc: {  	[sflag:s0] =	ssyncadd.remote.s32 $0x1  }
0xcd: {  	_ =	sfence.sel $0xFFFF  }
0xce: {  	[dreg:$0x0] =	wrdreg $0xFFFFFFFF;
	(pc) =	sbr.abs _section_cstart, $3  }
0xcf: {  	[dreg:$0x1] =	wrdreg $0xFFFFFFFF  }
0xd0: {  	_ =	task.clear_ibuf [dreg:s22], $0x2FFFF;
	_ =	strace $0x9FFFFFFF  }
0xd1: {  	(tm) =	ssettm $0x7FFFFFFF  }
tec
execute0_lowered:
.L_overlay_start_1:
0x0: {  	(tag) =	ssettag $0x1  }
0x1: {  	s0 =	srdreg.scid  }
0x2: {  	s1 =	stileid.u32;
	s2 =	rddreg [dreg:$0x0]  }
0x3: {  	s4 =	rddreg [dreg:$0x1];
	s9 =	simm.s32 $0x100;
	s17 =	simm.s32 $0x1  }
0x4: {  	s18 =	simm.s32 $0x3;
	s19 =	simm.s32 $0x2;
	s28 =	simm.s32 $0x2900  }
0x5: {  	s29 =	simm.s32 $0x3100;
	s30 =	simm.s32 $0x3900;
	s0 =	sand.u32 $0x1, s0  }
0x6: {  	s31 =	simm.s32 $0x4100;
	s1 =	sshll.u32 s1, $0x9;
	s3 =	sshll.u32 s0, $0x8  }
0x7: {  	s15 =	simm.s32 $0x5100;
	s8 =	simm.s32 $0x5900;
	s1 =	sor.u32 s3, s1  }
0x8: {  	s10 =	simm.s32 $0x6100;
	s11 =	simm.s32 $0x6900;
	s5 =	sshrl.u32 s1, $0x3  }
0x9: {  	s3 =	simm.s32 $0x0;
	s1 =	sshll.u32 s1, $0x7;
	s5 =	sadd.s32 s5, s4  }
0xa: {  	[smem:$0x7FF] =	sst s3;
	s1 =	sadd.s32 s1, s4;
	s20 =	sadd.s32 $0x101600, s5  }
0xb: {  	_ =	strace $0x8000004A;
	s21 =	sadd.s32 $0x101A00, s1;
	[dreg:$0x3] =	wrdreg s20  }
0xc: {  	s12 =	simm.s32 $0x7100;
	s22 =	sadd.s32 $0x102A00, s1;
	[dreg:$0x4] =	wrdreg s21  }
0xd: {  	s13 =	simm.s32 $0x7900;
	s23 =	sadd.s32 $0x103A00, s1;
	[dreg:$0x5] =	wrdreg s22  }
0xe: {  	s0 =	ssub.s32 $0x2, s0;
	s25 =	sadd.s32 $0x104A00, s1;
	[dreg:$0x6] =	wrdreg s23  }
0xf: {  	s24 =	sshrl.u32 s0, $0x1;
	s26 =	sadd.s32 $0x105A00, s1;
	[dreg:$0x7] =	wrdreg s25  }
0x10: {  	s0 =	ssub.s32 s0, s24;
	s6 =	sadd.s32 $0x106A00, s1;
	[dreg:$0x8] =	wrdreg s26  }
0x11: {  	s24 =	simm.s32 $0x1900;
	s7 =	sadd.s32 $0x107A00, s1;
	[dreg:$0x9] =	wrdreg s6  }
0x12: {  	s4 =	sadd.s32 $0x100, s2;
	s1 =	sadd.s32 $0x108A00, s1;
	[dreg:$0xa] =	wrdreg s7  }
0x13: {  	v2 =	vlaneseq.u32;
	s5 =	sadd.s32 $0x200, s2;
	s6 =	sadd.s32 $0x300, s2;
	[dreg:$0xb] =	wrdreg s1  }
0x14: {  	vm0 =	vmmov $0xffff;
	v1 =	vshrl.u32 v2, $0x3;
	s7 =	smax.u32 s0, $0x1;
	s25 =	simm.s32 $0x8100;
	s20 =	simm.s32 $0x4  }
0x15: {  	v0 =	vand.u32 $0x7, v2;
	v2 =	vor.u32 $0x8, v2;
	v1 =	vmul.u32 $0x8, v1;
	s22 =	simm.s32 $0x900;
	s23 =	simm.s32 $0x1100;
	s26 =	simm.s32 $0x2100  }
.LBB2_1:
0x16: {  	s21 =	rddreg [dreg:$0x3];
	s14 =	simm.s32 $0x5  }
0x17: {  	[tilespmem:s3], [sflag:$0x5] =	stream.linear.gather [hbm4b:s21+s3], $0x100, $0x38;
	[tilespmem:$0x10100] =	vst v63  }
0x18: {  	_ =	swait.ge [sflag:s14], $0x100  }
0x19: {  	[sflag:s14] =	ssyncset.done $0x0  }
0x1a: {  	[sflag:s14] =	ssyncadd.s32 $0xFFFFFF00  }
0x1b: {  	v3 =	vld [tilespmem:$0x0];
	_ =	sdelay $0x4  }
0x1c: {  	v4 =	vshll.u32 v3, $0x3  }
0x1d: {  	v3 =	vand.u32 $0x7, v3;
	v4 =	vand.u32 $0xFFFFFFC0, v4  }
0x1e: {  	v3 =	vor.u32 v3, v4  }
0x1f: {  	v4 =	vperm.xlane v3, v0;
	_ =	sdelay $0x1  }
0x20: {  	v4 =	vadd.s32 v1, v4;
	_ =	sdelay $0x4  }
0x21: {  	[tilespmem:s9], [sflag:$0x1] =	stream.indirect_vreg.gather [hbm4b:s2+s3], $0x80, v4, vm0, $0xb8;
	[tilespmem:$0x10100] =	vst v63  }
0x22: {  	v3 =	vperm.xlane v3, v2  }
0x23: {  	[tilespmem:s22], [sflag:$0x1] =	stream.indirect_vreg.gather [hbm4b:s4+s3], $0x80, v4, vm0, $0xb8;
	[tilespmem:$0x10100] =	vst v63  }
0x24: {  	v3 =	vadd.s32 v1, v3  }
0x25: {  	[tilespmem:s23], [sflag:$0x1] =	stream.indirect_vreg.gather [hbm4b:s5+s3], $0x80, v4, vm0, $0xb8;
	[tilespmem:$0x10100] =	vst v63  }
0x26: {  	_ = 	snop  }
0x27: {  	[tilespmem:s24], [sflag:$0x1] =	stream.indirect_vreg.gather [hbm4b:s6+s3], $0x80, v4, vm0, $0xb8;
	[tilespmem:$0x10100] =	vst v63  }
0x28: {  	_ = 	snop  }
0x29: {  	[tilespmem:s26], [sflag:$0x1] =	stream.indirect_vreg.gather [hbm4b:s2+s3], $0x80, v3, vm0, $0xb8;
	[tilespmem:$0x10100] =	vst v63  }
0x2a: {  	_ = 	snop  }
0x2b: {  	[tilespmem:s28], [sflag:$0x1] =	stream.indirect_vreg.gather [hbm4b:s4+s3], $0x80, v3, vm0, $0xb8;
	[tilespmem:$0x10100] =	vst v63  }
0x2c: {  	_ = 	snop  }
0x2d: {  	[tilespmem:s29], [sflag:$0x1] =	stream.indirect_vreg.gather [hbm4b:s5+s3], $0x80, v3, vm0, $0xb8;
	[tilespmem:$0x10100] =	vst v63  }
0x2e: {  	_ = 	snop  }
0x2f: {  	[tilespmem:s30], [sflag:$0x1] =	stream.indirect_vreg.gather [hbm4b:s6+s3], $0x80, v3, vm0, $0xb8;
	[tilespmem:$0x10100] =	vst v63  }
0x30: {  	v3 =	vld [tilespmem:$0x10];
	_ =	sdelay $0x4  }
0x31: {  	v49 =	vshll.u32 v3, $0x3  }
0x32: {  	v3 =	vand.u32 $0x7, v3;
	v4 =	vand.u32 $0xFFFFFFC0, v49  }
0x33: {  	v3 =	vor.u32 v3, v4  }
0x34: {  	v4 =	vperm.xlane v3, v0;
	_ =	sdelay $0x1  }
0x35: {  	v4 =	vadd.s32 v1, v4;
	_ =	sdelay $0x4  }
0x36: {  	[tilespmem:s31], [sflag:$0x1] =	stream.indirect_vreg.gather [hbm4b:s2+s3], $0x80, v4, vm0, $0xb8;
	[tilespmem:$0x10100] =	vst v63  }
0x37: {  	s1 =	simm.s32 $0x4900;
	v3 =	vperm.xlane v3, v2  }
0x38: {  	[tilespmem:s1], [sflag:$0x1] =	stream.indirect_vreg.gather [hbm4b:s4+s3], $0x80, v4, vm0, $0xb8;
	[tilespmem:$0x10100] =	vst v63  }
0x39: {  	v3 =	vadd.s32 v1, v3  }
0x3a: {  	[tilespmem:s15], [sflag:$0x1] =	stream.indirect_vreg.gather [hbm4b:s5+s3], $0x80, v4, vm0, $0xb8;
	[tilespmem:$0x10100] =	vst v63  }
0x3b: {  	_ = 	snop  }
0x3c: {  	[tilespmem:s8], [sflag:$0x1] =	stream.indirect_vreg.gather [hbm4b:s6+s3], $0x80, v4, vm0, $0xb8;
	[tilespmem:$0x10100] =	vst v63  }
0x3d: {  	_ = 	snop  }
0x3e: {  	[tilespmem:s10], [sflag:$0x1] =	stream.indirect_vreg.gather [hbm4b:s2+s3], $0x80, v3, vm0, $0xb8;
	[tilespmem:$0x10100] =	vst v63  }
0x3f: {  	_ = 	snop  }
0x40: {  	[tilespmem:s11], [sflag:$0x1] =	stream.indirect_vreg.gather [hbm4b:s4+s3], $0x80, v3, vm0, $0xb8;
	[tilespmem:$0x10100] =	vst v63  }
0x41: {  	_ = 	snop  }
0x42: {  	[tilespmem:s12], [sflag:$0x1] =	stream.indirect_vreg.gather [hbm4b:s5+s3], $0x80, v3, vm0, $0xb8;
	[tilespmem:$0x10100] =	vst v63  }
0x43: {  	_ = 	snop  }
0x44: {  	[tilespmem:s13], [sflag:$0x1] =	stream.indirect_vreg.gather [hbm4b:s6+s3], $0x80, v3, vm0, $0xb8;
	[tilespmem:$0x10100] =	vst v63  }
0x45: {  	v3 =	vld [tilespmem:$0x20];
	_ =	sdelay $0x4  }
0x46: {  	v50 =	vshll.u32 v3, $0x3  }
0x47: {  	v3 =	vand.u32 $0x7, v3;
	v4 =	vand.u32 $0xFFFFFFC0, v50  }
0x48: {  	v3 =	vor.u32 v3, v4  }
0x49: {  	v4 =	vperm.xlane v3, v0;
	_ =	sdelay $0x1  }
0x4a: {  	v4 =	vadd.s32 v1, v4;
	_ =	sdelay $0x4  }
0x4b: {  	[tilespmem:s25], [sflag:$0x2] =	stream.indirect_vreg.gather [hbm4b:s2+s3], $0x80, v4, vm0, $0xb8;
	[tilespmem:$0x10100] =	vst v63  }
0x4c: {  	s14 =	simm.s32 $0x8900;
	v3 =	vperm.xlane v3, v2  }
0x4d: {  	[tilespmem:s14], [sflag:$0x2] =	stream.indirect_vreg.gather [hbm4b:s4+s3], $0x80, v4, vm0, $0xb8;
	[tilespmem:$0x10100] =	vst v63  }
0x4e: {  	s16 =	simm.s32 $0x9100;
	v3 =	vadd.s32 v1, v3  }
0x4f: {  	[tilespmem:s16], [sflag:$0x2] =	stream.indirect_vreg.gather [hbm4b:s5+s3], $0x80, v4, vm0, $0xb8;
	[tilespmem:$0x10100] =	vst v63  }
0x50: {  	s21 =	simm.s32 $0x9900  }
0x51: {  	[tilespmem:s21], [sflag:$0x2] =	stream.indirect_vreg.gather [hbm4b:s6+s3], $0x80, v4, vm0, $0xb8;
	[tilespmem:$0x10100] =	vst v63  }
0x52: {  	s16 =	simm.s32 $0xA100  }
0x53: {  	[tilespmem:s16], [sflag:$0x2] =	stream.indirect_vreg.gather [hbm4b:s2+s3], $0x80, v3, vm0, $0xb8;
	[tilespmem:$0x10100] =	vst v63  }
0x54: {  	s14 =	simm.s32 $0xA900  }
0x55: {  	[tilespmem:s14], [sflag:$0x2] =	stream.indirect_vreg.gather [hbm4b:s4+s3], $0x80, v3, vm0, $0xb8;
	[tilespmem:$0x10100] =	vst v63  }
0x56: {  	s16 =	simm.s32 $0xB100  }
0x57: {  	[tilespmem:s16], [sflag:$0x2] =	stream.indirect_vreg.gather [hbm4b:s5+s3], $0x80, v3, vm0, $0xb8;
	[tilespmem:$0x10100] =	vst v63  }
0x58: {  	s14 =	simm.s32 $0xB900  }
0x59: {  	[tilespmem:s14], [sflag:$0x2] =	stream.indirect_vreg.gather [hbm4b:s6+s3], $0x80, v3, vm0, $0xb8;
	[tilespmem:$0x10100] =	vst v63  }
0x5a: {  	v3 =	vld [tilespmem:$0x30];
	_ =	sdelay $0x4  }
0x5b: {  	v51 =	vshll.u32 v3, $0x3  }
0x5c: {  	v3 =	vand.u32 $0x7, v3;
	v4 =	vand.u32 $0xFFFFFFC0, v51  }
0x5d: {  	v3 =	vor.u32 v3, v4  }
0x5e: {  	v4 =	vperm.xlane v3, v0;
	_ =	sdelay $0x1  }
0x5f: {  	v4 =	vadd.s32 v1, v4;
	_ =	sdelay $0x3  }
0x60: {  	s16 =	simm.s32 $0xC100  }
0x61: {  	[tilespmem:s16], [sflag:$0x2] =	stream.indirect_vreg.gather [hbm4b:s2+s3], $0x80, v4, vm0, $0xb8;
	[tilespmem:$0x10100] =	vst v63  }
0x62: {  	s21 =	simm.s32 $0xC900;
	v3 =	vperm.xlane v3, v2  }
0x63: {  	[tilespmem:s21], [sflag:$0x2] =	stream.indirect_vreg.gather [hbm4b:s4+s3], $0x80, v4, vm0, $0xb8;
	[tilespmem:$0x10100] =	vst v63  }
0x64: {  	v3 =	vadd.s32 v1, v3;
	s21 =	simm.s32 $0xD100  }
0x65: {  	[tilespmem:s21], [sflag:$0x2] =	stream.indirect_vreg.gather [hbm4b:s5+s3], $0x80, v4, vm0, $0xb8;
	[tilespmem:$0x10100] =	vst v63  }
0x66: {  	s21 =	simm.s32 $0xD900  }
0x67: {  	[tilespmem:s21], [sflag:$0x2] =	stream.indirect_vreg.gather [hbm4b:s6+s3], $0x80, v4, vm0, $0xb8;
	[tilespmem:$0x10100] =	vst v63  }
0x68: {  	s21 =	simm.s32 $0xE100  }
0x69: {  	[tilespmem:s21], [sflag:$0x2] =	stream.indirect_vreg.gather [hbm4b:s2+s3], $0x80, v3, vm0, $0xb8;
	[tilespmem:$0x10100] =	vst v63  }
0x6a: {  	s21 =	simm.s32 $0xE900  }
0x6b: {  	[tilespmem:s21], [sflag:$0x2] =	stream.indirect_vreg.gather [hbm4b:s4+s3], $0x80, v3, vm0, $0xb8;
	[tilespmem:$0x10100] =	vst v63  }
0x6c: {  	s21 =	simm.s32 $0xF100  }
0x6d: {  	[tilespmem:s21], [sflag:$0x2] =	stream.indirect_vreg.gather [hbm4b:s5+s3], $0x80, v3, vm0, $0xb8;
	[tilespmem:$0x10100] =	vst v63  }
0x6e: {  	s21 =	simm.s32 $0xF900  }
0x6f: {  	[tilespmem:s21], [sflag:$0x2] =	stream.indirect_vreg.gather [hbm4b:s6+s3], $0x80, v3, vm0, $0xb8;
	[tilespmem:$0x10100] =	vst v63  }
0x70: {  	_ =	swait.ge [sflag:s17], $0x8000  }
0x71: {  	[sflag:s17] =	ssyncset.done $0x0  }
0x72: {  	s21 =	rddreg [dreg:$0x4];
	[sflag:s17] =	ssyncadd.s32 $0xFFFF8000  }
0x73: {  	[hbm4b:s21+s3] =	stream.linear.scatter [tilespmem:s9], [sflag:$0x3], $0x8000, $0x38;
	[tilespmem:$0x10100] =	vst v63  }
0x74: {  	_ =	swait.ge [sflag:s18], $0x8000  }
0x75: {  	[sflag:s18] =	ssyncset.done $0x0  }
0x76: {  	[sflag:s18] =	ssyncadd.s32 $0xFFFF8000  }
0x77: {  	v3 =	vld [tilespmem:$0x40];
	_ =	sdelay $0x4  }
0x78: {  	v52 =	vshll.u32 v3, $0x3  }
0x79: {  	v3 =	vand.u32 $0x7, v3;
	v4 =	vand.u32 $0xFFFFFFC0, v52  }
0x7a: {  	v3 =	vor.u32 v3, v4  }
0x7b: {  	v4 =	vperm.xlane v3, v0;
	_ =	sdelay $0x1  }
0x7c: {  	v4 =	vadd.s32 v1, v4;
	_ =	sdelay $0x4  }
0x7d: {  	[tilespmem:s9], [sflag:$0x1] =	stream.indirect_vreg.gather [hbm4b:s2+s3], $0x80, v4, vm0, $0xb8;
	[tilespmem:$0x10100] =	vst v63  }
0x7e: {  	v3 =	vperm.xlane v3, v2  }
0x7f: {  	[tilespmem:s22], [sflag:$0x1] =	stream.indirect_vreg.gather [hbm4b:s4+s3], $0x80, v4, vm0, $0xb8;
	[tilespmem:$0x10100] =	vst v63  }
0x80: {  	v3 =	vadd.s32 v1, v3  }
0x81: {  	[tilespmem:s23], [sflag:$0x1] =	stream.indirect_vreg.gather [hbm4b:s5+s3], $0x80, v4, vm0, $0xb8;
	[tilespmem:$0x10100] =	vst v63  }
0x82: {  	_ = 	snop  }
0x83: {  	[tilespmem:s24], [sflag:$0x1] =	stream.indirect_vreg.gather [hbm4b:s6+s3], $0x80, v4, vm0, $0xb8;
	[tilespmem:$0x10100] =	vst v63  }
0x84: {  	_ = 	snop  }
0x85: {  	[tilespmem:s26], [sflag:$0x1] =	stream.indirect_vreg.gather [hbm4b:s2+s3], $0x80, v3, vm0, $0xb8;
	[tilespmem:$0x10100] =	vst v63  }
0x86: {  	_ = 	snop  }
0x87: {  	[tilespmem:s28], [sflag:$0x1] =	stream.indirect_vreg.gather [hbm4b:s4+s3], $0x80, v3, vm0, $0xb8;
	[tilespmem:$0x10100] =	vst v63  }
0x88: {  	_ = 	snop  }
0x89: {  	[tilespmem:s29], [sflag:$0x1] =	stream.indirect_vreg.gather [hbm4b:s5+s3], $0x80, v3, vm0, $0xb8;
	[tilespmem:$0x10100] =	vst v63  }
0x8a: {  	_ = 	snop  }
0x8b: {  	[tilespmem:s30], [sflag:$0x1] =	stream.indirect_vreg.gather [hbm4b:s6+s3], $0x80, v3, vm0, $0xb8;
	[tilespmem:$0x10100] =	vst v63  }
0x8c: {  	v3 =	vld [tilespmem:$0x50];
	_ =	sdelay $0x4  }
0x8d: {  	v53 =	vshll.u32 v3, $0x3  }
0x8e: {  	v3 =	vand.u32 $0x7, v3;
	v4 =	vand.u32 $0xFFFFFFC0, v53  }
0x8f: {  	v3 =	vor.u32 v3, v4  }
0x90: {  	v4 =	vperm.xlane v3, v0;
	_ =	sdelay $0x1  }
0x91: {  	v4 =	vadd.s32 v1, v4;
	_ =	sdelay $0x4  }
0x92: {  	[tilespmem:s31], [sflag:$0x1] =	stream.indirect_vreg.gather [hbm4b:s2+s3], $0x80, v4, vm0, $0xb8;
	[tilespmem:$0x10100] =	vst v63  }
0x93: {  	v3 =	vperm.xlane v3, v2  }
0x94: {  	[tilespmem:s1], [sflag:$0x1] =	stream.indirect_vreg.gather [hbm4b:s4+s3], $0x80, v4, vm0, $0xb8;
	[tilespmem:$0x10100] =	vst v63  }
0x95: {  	v3 =	vadd.s32 v1, v3  }
0x96: {  	[tilespmem:s15], [sflag:$0x1] =	stream.indirect_vreg.gather [hbm4b:s5+s3], $0x80, v4, vm0, $0xb8;
	[tilespmem:$0x10100] =	vst v63  }
0x97: {  	_ = 	snop  }
0x98: {  	[tilespmem:s8], [sflag:$0x1] =	stream.indirect_vreg.gather [hbm4b:s6+s3], $0x80, v4, vm0, $0xb8;
	[tilespmem:$0x10100] =	vst v63  }
0x99: {  	_ = 	snop  }
0x9a: {  	[tilespmem:s10], [sflag:$0x1] =	stream.indirect_vreg.gather [hbm4b:s2+s3], $0x80, v3, vm0, $0xb8;
	[tilespmem:$0x10100] =	vst v63  }
0x9b: {  	_ = 	snop  }
0x9c: {  	[tilespmem:s11], [sflag:$0x1] =	stream.indirect_vreg.gather [hbm4b:s4+s3], $0x80, v3, vm0, $0xb8;
	[tilespmem:$0x10100] =	vst v63  }
0x9d: {  	_ = 	snop  }
0x9e: {  	[tilespmem:s12], [sflag:$0x1] =	stream.indirect_vreg.gather [hbm4b:s5+s3], $0x80, v3, vm0, $0xb8;
	[tilespmem:$0x10100] =	vst v63  }
0x9f: {  	_ = 	snop  }
0xa0: {  	[tilespmem:s13], [sflag:$0x1] =	stream.indirect_vreg.gather [hbm4b:s6+s3], $0x80, v3, vm0, $0xb8;
	[tilespmem:$0x10100] =	vst v63  }
0xa1: {  	_ =	swait.ge [sflag:s19], $0x8000  }
0xa2: {  	[sflag:s19] =	ssyncset.done $0x0  }
0xa3: {  	s21 =	rddreg [dreg:$0x5];
	[sflag:s19] =	ssyncadd.s32 $0xFFFF8000  }
0xa4: {  	[hbm4b:s21+s3] =	stream.linear.scatter [tilespmem:s25], [sflag:$0x4], $0x8000, $0x38;
	[tilespmem:$0x10100] =	vst v63  }
0xa5: {  	_ =	swait.ge [sflag:s20], $0x8000  }
0xa6: {  	[sflag:s20] =	ssyncset.done $0x0  }
0xa7: {  	[sflag:s20] =	ssyncadd.s32 $0xFFFF8000  }
0xa8: {  	v3 =	vld [tilespmem:$0x60];
	_ =	sdelay $0x4  }
0xa9: {  	v54 =	vshll.u32 v3, $0x3  }
0xaa: {  	v3 =	vand.u32 $0x7, v3;
	v4 =	vand.u32 $0xFFFFFFC0, v54  }
0xab: {  	v3 =	vor.u32 v3, v4  }
0xac: {  	v4 =	vperm.xlane v3, v0;
	_ =	sdelay $0x1  }
0xad: {  	v4 =	vadd.s32 v1, v4;
	_ =	sdelay $0x4  }
0xae: {  	[tilespmem:s25], [sflag:$0x2] =	stream.indirect_vreg.gather [hbm4b:s2+s3], $0x80, v4, vm0, $0xb8;
	[tilespmem:$0x10100] =	vst v63  }
0xaf: {  	s0 =	simm.s32 $0x8900;
	v3 =	vperm.xlane v3, v2  }
0xb0: {  	[tilespmem:s0], [sflag:$0x2] =	stream.indirect_vreg.gather [hbm4b:s4+s3], $0x80, v4, vm0, $0xb8;
	[tilespmem:$0x10100] =	vst v63  }
0xb1: {  	v3 =	vadd.s32 v1, v3;
	s0 =	simm.s32 $0x9100  }
0xb2: {  	[tilespmem:s0], [sflag:$0x2] =	stream.indirect_vreg.gather [hbm4b:s5+s3], $0x80, v4, vm0, $0xb8;
	[tilespmem:$0x10100] =	vst v63  }
0xb3: {  	s21 =	simm.s32 $0x9900  }
0xb4: {  	[tilespmem:s21], [sflag:$0x2] =	stream.indirect_vreg.gather [hbm4b:s6+s3], $0x80, v4, vm0, $0xb8;
	[tilespmem:$0x10100] =	vst v63  }
0xb5: {  	s21 =	simm.s32 $0xA100  }
0xb6: {  	[tilespmem:s21], [sflag:$0x2] =	stream.indirect_vreg.gather [hbm4b:s2+s3], $0x80, v3, vm0, $0xb8;
	[tilespmem:$0x10100] =	vst v63  }
0xb7: {  	s21 =	simm.s32 $0xA900  }
0xb8: {  	[tilespmem:s21], [sflag:$0x2] =	stream.indirect_vreg.gather [hbm4b:s4+s3], $0x80, v3, vm0, $0xb8;
	[tilespmem:$0x10100] =	vst v63  }
0xb9: {  	s21 =	simm.s32 $0xB100  }
0xba: {  	[tilespmem:s21], [sflag:$0x2] =	stream.indirect_vreg.gather [hbm4b:s5+s3], $0x80, v3, vm0, $0xb8;
	[tilespmem:$0x10100] =	vst v63  }
0xbb: {  	s14 =	simm.s32 $0xB900  }
0xbc: {  	[tilespmem:s14], [sflag:$0x2] =	stream.indirect_vreg.gather [hbm4b:s6+s3], $0x80, v3, vm0, $0xb8;
	[tilespmem:$0x10100] =	vst v63  }
0xbd: {  	v3 =	vld [tilespmem:$0x70];
	_ =	sdelay $0x4  }
0xbe: {  	v55 =	vshll.u32 v3, $0x3  }
0xbf: {  	v3 =	vand.u32 $0x7, v3;
	v4 =	vand.u32 $0xFFFFFFC0, v55  }
0xc0: {  	v3 =	vor.u32 v3, v4  }
0xc1: {  	v4 =	vperm.xlane v3, v0;
	_ =	sdelay $0x1  }
0xc2: {  	v4 =	vadd.s32 v1, v4;
	_ =	sdelay $0x3  }
0xc3: {  	s16 =	simm.s32 $0xC100  }
0xc4: {  	[tilespmem:s16], [sflag:$0x2] =	stream.indirect_vreg.gather [hbm4b:s2+s3], $0x80, v4, vm0, $0xb8;
	[tilespmem:$0x10100] =	vst v63  }
0xc5: {  	s21 =	simm.s32 $0xC900;
	v3 =	vperm.xlane v3, v2  }
0xc6: {  	[tilespmem:s21], [sflag:$0x2] =	stream.indirect_vreg.gather [hbm4b:s4+s3], $0x80, v4, vm0, $0xb8;
	[tilespmem:$0x10100] =	vst v63  }
0xc7: {  	v3 =	vadd.s32 v1, v3;
	s16 =	simm.s32 $0xD100  }
0xc8: {  	[tilespmem:s16], [sflag:$0x2] =	stream.indirect_vreg.gather [hbm4b:s5+s3], $0x80, v4, vm0, $0xb8;
	[tilespmem:$0x10100] =	vst v63  }
0xc9: {  	s21 =	simm.s32 $0xD900  }
0xca: {  	[tilespmem:s21], [sflag:$0x2] =	stream.indirect_vreg.gather [hbm4b:s6+s3], $0x80, v4, vm0, $0xb8;
	[tilespmem:$0x10100] =	vst v63  }
0xcb: {  	s16 =	simm.s32 $0xE100  }
0xcc: {  	[tilespmem:s16], [sflag:$0x2] =	stream.indirect_vreg.gather [hbm4b:s2+s3], $0x80, v3, vm0, $0xb8;
	[tilespmem:$0x10100] =	vst v63  }
0xcd: {  	s21 =	simm.s32 $0xE900  }
0xce: {  	[tilespmem:s21], [sflag:$0x2] =	stream.indirect_vreg.gather [hbm4b:s4+s3], $0x80, v3, vm0, $0xb8;
	[tilespmem:$0x10100] =	vst v63  }
0xcf: {  	s16 =	simm.s32 $0xF100  }
0xd0: {  	[tilespmem:s16], [sflag:$0x2] =	stream.indirect_vreg.gather [hbm4b:s5+s3], $0x80, v3, vm0, $0xb8;
	[tilespmem:$0x10100] =	vst v63  }
0xd1: {  	s21 =	simm.s32 $0xF900  }
0xd2: {  	[tilespmem:s21], [sflag:$0x2] =	stream.indirect_vreg.gather [hbm4b:s6+s3], $0x80, v3, vm0, $0xb8;
	[tilespmem:$0x10100] =	vst v63  }
0xd3: {  	_ =	swait.ge [sflag:s17], $0x8000  }
0xd4: {  	[sflag:s17] =	ssyncset.done $0x0  }
0xd5: {  	s16 =	rddreg [dreg:$0x6];
	[sflag:s17] =	ssyncadd.s32 $0xFFFF8000  }
0xd6: {  	[hbm4b:s16+s3] =	stream.linear.scatter [tilespmem:s9], [sflag:$0x3], $0x8000, $0x38;
	[tilespmem:$0x10100] =	vst v63  }
0xd7: {  	_ =	swait.ge [sflag:s18], $0x8000  }
0xd8: {  	[sflag:s18] =	ssyncset.done $0x0  }
0xd9: {  	[sflag:s18] =	ssyncadd.s32 $0xFFFF8000  }
0xda: {  	v3 =	vld [tilespmem:$0x80];
	_ =	sdelay $0x4  }
0xdb: {  	v56 =	vshll.u32 v3, $0x3  }
0xdc: {  	v3 =	vand.u32 $0x7, v3;
	v4 =	vand.u32 $0xFFFFFFC0, v56  }
0xdd: {  	v3 =	vor.u32 v3, v4  }
0xde: {  	v4 =	vperm.xlane v3, v0;
	_ =	sdelay $0x1  }
0xdf: {  	v4 =	vadd.s32 v1, v4;
	_ =	sdelay $0x4  }
0xe0: {  	[tilespmem:s9], [sflag:$0x1] =	stream.indirect_vreg.gather [hbm4b:s2+s3], $0x80, v4, vm0, $0xb8;
	[tilespmem:$0x10100] =	vst v63  }
0xe1: {  	v3 =	vperm.xlane v3, v2  }
0xe2: {  	[tilespmem:s22], [sflag:$0x1] =	stream.indirect_vreg.gather [hbm4b:s4+s3], $0x80, v4, vm0, $0xb8;
	[tilespmem:$0x10100] =	vst v63  }
0xe3: {  	v3 =	vadd.s32 v1, v3  }
0xe4: {  	[tilespmem:s23], [sflag:$0x1] =	stream.indirect_vreg.gather [hbm4b:s5+s3], $0x80, v4, vm0, $0xb8;
	[tilespmem:$0x10100] =	vst v63  }
0xe5: {  	_ = 	snop  }
0xe6: {  	[tilespmem:s24], [sflag:$0x1] =	stream.indirect_vreg.gather [hbm4b:s6+s3], $0x80, v4, vm0, $0xb8;
	[tilespmem:$0x10100] =	vst v63  }
0xe7: {  	_ = 	snop  }
0xe8: {  	[tilespmem:s26], [sflag:$0x1] =	stream.indirect_vreg.gather [hbm4b:s2+s3], $0x80, v3, vm0, $0xb8;
	[tilespmem:$0x10100] =	vst v63  }
0xe9: {  	_ = 	snop  }
0xea: {  	[tilespmem:s28], [sflag:$0x1] =	stream.indirect_vreg.gather [hbm4b:s4+s3], $0x80, v3, vm0, $0xb8;
	[tilespmem:$0x10100] =	vst v63  }
0xeb: {  	_ = 	snop  }
0xec: {  	[tilespmem:s29], [sflag:$0x1] =	stream.indirect_vreg.gather [hbm4b:s5+s3], $0x80, v3, vm0, $0xb8;
	[tilespmem:$0x10100] =	vst v63  }
0xed: {  	_ = 	snop  }
0xee: {  	[tilespmem:s30], [sflag:$0x1] =	stream.indirect_vreg.gather [hbm4b:s6+s3], $0x80, v3, vm0, $0xb8;
	[tilespmem:$0x10100] =	vst v63  }
0xef: {  	v3 =	vld [tilespmem:$0x90];
	_ =	sdelay $0x4  }
0xf0: {  	v57 =	vshll.u32 v3, $0x3  }
0xf1: {  	v3 =	vand.u32 $0x7, v3;
	v4 =	vand.u32 $0xFFFFFFC0, v57  }
0xf2: {  	v3 =	vor.u32 v3, v4  }
0xf3: {  	v4 =	vperm.xlane v3, v0;
	_ =	sdelay $0x1  }
0xf4: {  	v4 =	vadd.s32 v1, v4;
	_ =	sdelay $0x4  }
0xf5: {  	[tilespmem:s31], [sflag:$0x1] =	stream.indirect_vreg.gather [hbm4b:s2+s3], $0x80, v4, vm0, $0xb8;
	[tilespmem:$0x10100] =	vst v63  }
0xf6: {  	v3 =	vperm.xlane v3, v2  }
0xf7: {  	[tilespmem:s1], [sflag:$0x1] =	stream.indirect_vreg.gather [hbm4b:s4+s3], $0x80, v4, vm0, $0xb8;
	[tilespmem:$0x10100] =	vst v63  }
0xf8: {  	v3 =	vadd.s32 v1, v3  }
0xf9: {  	[tilespmem:s15], [sflag:$0x1] =	stream.indirect_vreg.gather [hbm4b:s5+s3], $0x80, v4, vm0, $0xb8;
	[tilespmem:$0x10100] =	vst v63  }
0xfa: {  	_ = 	snop  }
0xfb: {  	[tilespmem:s8], [sflag:$0x1] =	stream.indirect_vreg.gather [hbm4b:s6+s3], $0x80, v4, vm0, $0xb8;
	[tilespmem:$0x10100] =	vst v63  }
0xfc: {  	_ = 	snop  }
0xfd: {  	[tilespmem:s10], [sflag:$0x1] =	stream.indirect_vreg.gather [hbm4b:s2+s3], $0x80, v3, vm0, $0xb8;
	[tilespmem:$0x10100] =	vst v63  }
0xfe: {  	_ = 	snop  }
0xff: {  	[tilespmem:s11], [sflag:$0x1] =	stream.indirect_vreg.gather [hbm4b:s4+s3], $0x80, v3, vm0, $0xb8;
	[tilespmem:$0x10100] =	vst v63  }
0x100: {  	_ = 	snop  }
0x101: {  	[tilespmem:s12], [sflag:$0x1] =	stream.indirect_vreg.gather [hbm4b:s5+s3], $0x80, v3, vm0, $0xb8;
	[tilespmem:$0x10100] =	vst v63  }
0x102: {  	_ = 	snop  }
0x103: {  	[tilespmem:s13], [sflag:$0x1] =	stream.indirect_vreg.gather [hbm4b:s6+s3], $0x80, v3, vm0, $0xb8;
	[tilespmem:$0x10100] =	vst v63  }
0x104: {  	_ =	swait.ge [sflag:s19], $0x8000  }
0x105: {  	[sflag:s19] =	ssyncset.done $0x0  }
0x106: {  	s14 =	rddreg [dreg:$0x7];
	[sflag:s19] =	ssyncadd.s32 $0xFFFF8000  }
0x107: {  	[hbm4b:s14+s3] =	stream.linear.scatter [tilespmem:s25], [sflag:$0x4], $0x8000, $0x38;
	[tilespmem:$0x10100] =	vst v63  }
0x108: {  	_ =	swait.ge [sflag:s20], $0x8000  }
0x109: {  	[sflag:s20] =	ssyncset.done $0x0  }
0x10a: {  	[sflag:s20] =	ssyncadd.s32 $0xFFFF8000  }
0x10b: {  	v3 =	vld [tilespmem:$0xA0];
	_ =	sdelay $0x4  }
0x10c: {  	v58 =	vshll.u32 v3, $0x3  }
0x10d: {  	v3 =	vand.u32 $0x7, v3;
	v4 =	vand.u32 $0xFFFFFFC0, v58  }
0x10e: {  	v3 =	vor.u32 v3, v4  }
0x10f: {  	v4 =	vperm.xlane v3, v0;
	_ =	sdelay $0x1  }
0x110: {  	v4 =	vadd.s32 v1, v4;
	_ =	sdelay $0x4  }
0x111: {  	[tilespmem:s25], [sflag:$0x2] =	stream.indirect_vreg.gather [hbm4b:s2+s3], $0x80, v4, vm0, $0xb8;
	[tilespmem:$0x10100] =	vst v63  }
0x112: {  	s16 =	simm.s32 $0x8900;
	v3 =	vperm.xlane v3, v2  }
0x113: {  	[tilespmem:s16], [sflag:$0x2] =	stream.indirect_vreg.gather [hbm4b:s4+s3], $0x80, v4, vm0, $0xb8;
	[tilespmem:$0x10100] =	vst v63  }
0x114: {  	v3 =	vadd.s32 v1, v3  }
0x115: {  	[tilespmem:s0], [sflag:$0x2] =	stream.indirect_vreg.gather [hbm4b:s5+s3], $0x80, v4, vm0, $0xb8;
	[tilespmem:$0x10100] =	vst v63  }
0x116: {  	s21 =	simm.s32 $0x9900  }
0x117: {  	[tilespmem:s21], [sflag:$0x2] =	stream.indirect_vreg.gather [hbm4b:s6+s3], $0x80, v4, vm0, $0xb8;
	[tilespmem:$0x10100] =	vst v63  }
0x118: {  	s16 =	simm.s32 $0xA100  }
0x119: {  	[tilespmem:s16], [sflag:$0x2] =	stream.indirect_vreg.gather [hbm4b:s2+s3], $0x80, v3, vm0, $0xb8;
	[tilespmem:$0x10100] =	vst v63  }
0x11a: {  	s21 =	simm.s32 $0xA900  }
0x11b: {  	[tilespmem:s21], [sflag:$0x2] =	stream.indirect_vreg.gather [hbm4b:s4+s3], $0x80, v3, vm0, $0xb8;
	[tilespmem:$0x10100] =	vst v63  }
0x11c: {  	s21 =	simm.s32 $0xB100  }
0x11d: {  	[tilespmem:s21], [sflag:$0x2] =	stream.indirect_vreg.gather [hbm4b:s5+s3], $0x80, v3, vm0, $0xb8;
	[tilespmem:$0x10100] =	vst v63  }
0x11e: {  	s21 =	simm.s32 $0xB900  }
0x11f: {  	[tilespmem:s21], [sflag:$0x2] =	stream.indirect_vreg.gather [hbm4b:s6+s3], $0x80, v3, vm0, $0xb8;
	[tilespmem:$0x10100] =	vst v63  }
0x120: {  	v3 =	vld [tilespmem:$0xB0];
	_ =	sdelay $0x4  }
0x121: {  	v59 =	vshll.u32 v3, $0x3  }
0x122: {  	v3 =	vand.u32 $0x7, v3;
	v4 =	vand.u32 $0xFFFFFFC0, v59  }
0x123: {  	v3 =	vor.u32 v3, v4  }
0x124: {  	v4 =	vperm.xlane v3, v0;
	_ =	sdelay $0x1  }
0x125: {  	v4 =	vadd.s32 v1, v4;
	_ =	sdelay $0x3  }
0x126: {  	s21 =	simm.s32 $0xC100  }
0x127: {  	[tilespmem:s21], [sflag:$0x2] =	stream.indirect_vreg.gather [hbm4b:s2+s3], $0x80, v4, vm0, $0xb8;
	[tilespmem:$0x10100] =	vst v63  }
0x128: {  	v3 =	vperm.xlane v3, v2;
	s21 =	simm.s32 $0xC900  }
0x129: {  	[tilespmem:s21], [sflag:$0x2] =	stream.indirect_vreg.gather [hbm4b:s4+s3], $0x80, v4, vm0, $0xb8;
	[tilespmem:$0x10100] =	vst v63  }
0x12a: {  	v3 =	vadd.s32 v1, v3;
	s21 =	simm.s32 $0xD100  }
0x12b: {  	[tilespmem:s21], [sflag:$0x2] =	stream.indirect_vreg.gather [hbm4b:s5+s3], $0x80, v4, vm0, $0xb8;
	[tilespmem:$0x10100] =	vst v63  }
0x12c: {  	s21 =	simm.s32 $0xD900  }
0x12d: {  	[tilespmem:s21], [sflag:$0x2] =	stream.indirect_vreg.gather [hbm4b:s6+s3], $0x80, v4, vm0, $0xb8;
	[tilespmem:$0x10100] =	vst v63  }
0x12e: {  	s21 =	simm.s32 $0xE100  }
0x12f: {  	[tilespmem:s21], [sflag:$0x2] =	stream.indirect_vreg.gather [hbm4b:s2+s3], $0x80, v3, vm0, $0xb8;
	[tilespmem:$0x10100] =	vst v63  }
0x130: {  	s21 =	simm.s32 $0xE900  }
0x131: {  	[tilespmem:s21], [sflag:$0x2] =	stream.indirect_vreg.gather [hbm4b:s4+s3], $0x80, v3, vm0, $0xb8;
	[tilespmem:$0x10100] =	vst v63  }
0x132: {  	s21 =	simm.s32 $0xF100  }
0x133: {  	[tilespmem:s21], [sflag:$0x2] =	stream.indirect_vreg.gather [hbm4b:s5+s3], $0x80, v3, vm0, $0xb8;
	[tilespmem:$0x10100] =	vst v63  }
0x134: {  	s21 =	simm.s32 $0xF900  }
0x135: {  	[tilespmem:s21], [sflag:$0x2] =	stream.indirect_vreg.gather [hbm4b:s6+s3], $0x80, v3, vm0, $0xb8;
	[tilespmem:$0x10100] =	vst v63  }
0x136: {  	_ =	swait.ge [sflag:s17], $0x8000  }
0x137: {  	[sflag:s17] =	ssyncset.done $0x0  }
0x138: {  	s21 =	rddreg [dreg:$0x8];
	[sflag:s17] =	ssyncadd.s32 $0xFFFF8000  }
0x139: {  	[hbm4b:s21+s3] =	stream.linear.scatter [tilespmem:s9], [sflag:$0x3], $0x8000, $0x38;
	[tilespmem:$0x10100] =	vst v63  }
0x13a: {  	_ =	swait.ge [sflag:s18], $0x8000  }
0x13b: {  	[sflag:s18] =	ssyncset.done $0x0  }
0x13c: {  	[sflag:s18] =	ssyncadd.s32 $0xFFFF8000  }
0x13d: {  	v3 =	vld [tilespmem:$0xC0];
	_ =	sdelay $0x4  }
0x13e: {  	v60 =	vshll.u32 v3, $0x3  }
0x13f: {  	v3 =	vand.u32 $0x7, v3;
	v4 =	vand.u32 $0xFFFFFFC0, v60  }
0x140: {  	v3 =	vor.u32 v3, v4  }
0x141: {  	v4 =	vperm.xlane v3, v0;
	_ =	sdelay $0x1  }
0x142: {  	v4 =	vadd.s32 v1, v4;
	_ =	sdelay $0x4  }
0x143: {  	[tilespmem:s9], [sflag:$0x1] =	stream.indirect_vreg.gather [hbm4b:s2+s3], $0x80, v4, vm0, $0xb8;
	[tilespmem:$0x10100] =	vst v63  }
0x144: {  	v3 =	vperm.xlane v3, v2  }
0x145: {  	[tilespmem:s22], [sflag:$0x1] =	stream.indirect_vreg.gather [hbm4b:s4+s3], $0x80, v4, vm0, $0xb8;
	[tilespmem:$0x10100] =	vst v63  }
0x146: {  	v3 =	vadd.s32 v1, v3  }
0x147: {  	[tilespmem:s23], [sflag:$0x1] =	stream.indirect_vreg.gather [hbm4b:s5+s3], $0x80, v4, vm0, $0xb8;
	[tilespmem:$0x10100] =	vst v63  }
0x148: {  	_ = 	snop  }
0x149: {  	[tilespmem:s24], [sflag:$0x1] =	stream.indirect_vreg.gather [hbm4b:s6+s3], $0x80, v4, vm0, $0xb8;
	[tilespmem:$0x10100] =	vst v63  }
0x14a: {  	_ = 	snop  }
0x14b: {  	[tilespmem:s26], [sflag:$0x1] =	stream.indirect_vreg.gather [hbm4b:s2+s3], $0x80, v3, vm0, $0xb8;
	[tilespmem:$0x10100] =	vst v63  }
0x14c: {  	_ = 	snop  }
0x14d: {  	[tilespmem:s28], [sflag:$0x1] =	stream.indirect_vreg.gather [hbm4b:s4+s3], $0x80, v3, vm0, $0xb8;
	[tilespmem:$0x10100] =	vst v63  }
0x14e: {  	_ = 	snop  }
0x14f: {  	[tilespmem:s29], [sflag:$0x1] =	stream.indirect_vreg.gather [hbm4b:s5+s3], $0x80, v3, vm0, $0xb8;
	[tilespmem:$0x10100] =	vst v63  }
0x150: {  	_ = 	snop  }
0x151: {  	[tilespmem:s30], [sflag:$0x1] =	stream.indirect_vreg.gather [hbm4b:s6+s3], $0x80, v3, vm0, $0xb8;
	[tilespmem:$0x10100] =	vst v63  }
0x152: {  	v3 =	vld [tilespmem:$0xD0];
	_ =	sdelay $0x4  }
0x153: {  	v61 =	vshll.u32 v3, $0x3  }
0x154: {  	v3 =	vand.u32 $0x7, v3;
	v4 =	vand.u32 $0xFFFFFFC0, v61  }
0x155: {  	v3 =	vor.u32 v3, v4  }
0x156: {  	v4 =	vperm.xlane v3, v0;
	_ =	sdelay $0x1  }
0x157: {  	v4 =	vadd.s32 v1, v4;
	_ =	sdelay $0x4  }
0x158: {  	[tilespmem:s31], [sflag:$0x1] =	stream.indirect_vreg.gather [hbm4b:s2+s3], $0x80, v4, vm0, $0xb8;
	[tilespmem:$0x10100] =	vst v63  }
0x159: {  	v3 =	vperm.xlane v3, v2  }
0x15a: {  	[tilespmem:s1], [sflag:$0x1] =	stream.indirect_vreg.gather [hbm4b:s4+s3], $0x80, v4, vm0, $0xb8;
	[tilespmem:$0x10100] =	vst v63  }
0x15b: {  	v3 =	vadd.s32 v1, v3  }
0x15c: {  	[tilespmem:s15], [sflag:$0x1] =	stream.indirect_vreg.gather [hbm4b:s5+s3], $0x80, v4, vm0, $0xb8;
	[tilespmem:$0x10100] =	vst v63  }
0x15d: {  	_ = 	snop  }
0x15e: {  	[tilespmem:s8], [sflag:$0x1] =	stream.indirect_vreg.gather [hbm4b:s6+s3], $0x80, v4, vm0, $0xb8;
	[tilespmem:$0x10100] =	vst v63  }
0x15f: {  	_ = 	snop  }
0x160: {  	[tilespmem:s10], [sflag:$0x1] =	stream.indirect_vreg.gather [hbm4b:s2+s3], $0x80, v3, vm0, $0xb8;
	[tilespmem:$0x10100] =	vst v63  }
0x161: {  	_ = 	snop  }
0x162: {  	[tilespmem:s11], [sflag:$0x1] =	stream.indirect_vreg.gather [hbm4b:s4+s3], $0x80, v3, vm0, $0xb8;
	[tilespmem:$0x10100] =	vst v63  }
0x163: {  	_ = 	snop  }
0x164: {  	[tilespmem:s12], [sflag:$0x1] =	stream.indirect_vreg.gather [hbm4b:s5+s3], $0x80, v3, vm0, $0xb8;
	[tilespmem:$0x10100] =	vst v63  }
0x165: {  	_ = 	snop  }
0x166: {  	[tilespmem:s13], [sflag:$0x1] =	stream.indirect_vreg.gather [hbm4b:s6+s3], $0x80, v3, vm0, $0xb8;
	[tilespmem:$0x10100] =	vst v63  }
0x167: {  	_ =	swait.ge [sflag:s19], $0x8000  }
0x168: {  	[sflag:s19] =	ssyncset.done $0x0  }
0x169: {  	s1 =	rddreg [dreg:$0x9];
	[sflag:s19] =	ssyncadd.s32 $0xFFFF8000  }
0x16a: {  	[hbm4b:s1+s3] =	stream.linear.scatter [tilespmem:s25], [sflag:$0x4], $0x8000, $0x38;
	[tilespmem:$0x10100] =	vst v63  }
0x16b: {  	_ =	swait.ge [sflag:s20], $0x8000  }
0x16c: {  	[sflag:s20] =	ssyncset.done $0x0  }
0x16d: {  	[sflag:s20] =	ssyncadd.s32 $0xFFFF8000  }
0x16e: {  	v3 =	vld [tilespmem:$0xE0];
	_ =	sdelay $0x4  }
0x16f: {  	v62 =	vshll.u32 v3, $0x3  }
0x170: {  	v3 =	vand.u32 $0x7, v3;
	v4 =	vand.u32 $0xFFFFFFC0, v62  }
0x171: {  	v3 =	vor.u32 v3, v4  }
0x172: {  	v4 =	vperm.xlane v3, v0;
	_ =	sdelay $0x1  }
0x173: {  	v4 =	vadd.s32 v1, v4;
	_ =	sdelay $0x4  }
0x174: {  	[tilespmem:s25], [sflag:$0x2] =	stream.indirect_vreg.gather [hbm4b:s2+s3], $0x80, v4, vm0, $0xb8;
	[tilespmem:$0x10100] =	vst v63  }
0x175: {  	s21 =	simm.s32 $0x8900;
	v3 =	vperm.xlane v3, v2  }
0x176: {  	[tilespmem:s21], [sflag:$0x2] =	stream.indirect_vreg.gather [hbm4b:s4+s3], $0x80, v4, vm0, $0xb8;
	[tilespmem:$0x10100] =	vst v63  }
0x177: {  	s0 =	simm.s32 $0x9100;
	v3 =	vadd.s32 v1, v3  }
0x178: {  	[tilespmem:s0], [sflag:$0x2] =	stream.indirect_vreg.gather [hbm4b:s5+s3], $0x80, v4, vm0, $0xb8;
	[tilespmem:$0x10100] =	vst v63  }
0x179: {  	s1 =	simm.s32 $0x9900  }
0x17a: {  	[tilespmem:s1], [sflag:$0x2] =	stream.indirect_vreg.gather [hbm4b:s6+s3], $0x80, v4, vm0, $0xb8;
	[tilespmem:$0x10100] =	vst v63  }
0x17b: {  	s14 =	simm.s32 $0xA100  }
0x17c: {  	[tilespmem:s14], [sflag:$0x2] =	stream.indirect_vreg.gather [hbm4b:s2+s3], $0x80, v3, vm0, $0xb8;
	[tilespmem:$0x10100] =	vst v63  }
0x17d: {  	s16 =	simm.s32 $0xA900  }
0x17e: {  	[tilespmem:s16], [sflag:$0x2] =	stream.indirect_vreg.gather [hbm4b:s4+s3], $0x80, v3, vm0, $0xb8;
	[tilespmem:$0x10100] =	vst v63  }
0x17f: {  	s21 =	simm.s32 $0xB100  }
0x180: {  	[tilespmem:s21], [sflag:$0x2] =	stream.indirect_vreg.gather [hbm4b:s5+s3], $0x80, v3, vm0, $0xb8;
	[tilespmem:$0x10100] =	vst v63  }
0x181: {  	s1 =	simm.s32 $0xB900  }
0x182: {  	[tilespmem:s1], [sflag:$0x2] =	stream.indirect_vreg.gather [hbm4b:s6+s3], $0x80, v3, vm0, $0xb8;
	[tilespmem:$0x10100] =	vst v63  }
0x183: {  	v3 =	vld [tilespmem:$0xF0];
	_ =	sdelay $0x4  }
0x184: {  	v63 =	vshll.u32 v3, $0x3  }
0x185: {  	v3 =	vand.u32 $0x7, v3;
	v4 =	vand.u32 $0xFFFFFFC0, v63  }
0x186: {  	v3 =	vor.u32 v3, v4  }
0x187: {  	v4 =	vperm.xlane v3, v0;
	_ =	sdelay $0x1  }
0x188: {  	v4 =	vadd.s32 v1, v4;
	_ =	sdelay $0x3  }
0x189: {  	s14 =	simm.s32 $0xC100  }
0x18a: {  	[tilespmem:s14], [sflag:$0x2] =	stream.indirect_vreg.gather [hbm4b:s2+s3], $0x80, v4, vm0, $0xb8;
	[tilespmem:$0x10100] =	vst v63  }
0x18b: {  	s16 =	simm.s32 $0xC900;
	v3 =	vperm.xlane v3, v2  }
0x18c: {  	[tilespmem:s16], [sflag:$0x2] =	stream.indirect_vreg.gather [hbm4b:s4+s3], $0x80, v4, vm0, $0xb8;
	[tilespmem:$0x10100] =	vst v63  }
0x18d: {  	s21 =	simm.s32 $0xD100;
	v3 =	vadd.s32 v1, v3  }
0x18e: {  	[tilespmem:s21], [sflag:$0x2] =	stream.indirect_vreg.gather [hbm4b:s5+s3], $0x80, v4, vm0, $0xb8;
	[tilespmem:$0x10100] =	vst v63  }
0x18f: {  	s1 =	simm.s32 $0xD900  }
0x190: {  	[tilespmem:s1], [sflag:$0x2] =	stream.indirect_vreg.gather [hbm4b:s6+s3], $0x80, v4, vm0, $0xb8;
	[tilespmem:$0x10100] =	vst v63  }
0x191: {  	s14 =	simm.s32 $0xE100  }
0x192: {  	[tilespmem:s14], [sflag:$0x2] =	stream.indirect_vreg.gather [hbm4b:s2+s3], $0x80, v3, vm0, $0xb8;
	[tilespmem:$0x10100] =	vst v63  }
0x193: {  	s16 =	simm.s32 $0xE900  }
0x194: {  	[tilespmem:s16], [sflag:$0x2] =	stream.indirect_vreg.gather [hbm4b:s4+s3], $0x80, v3, vm0, $0xb8;
	[tilespmem:$0x10100] =	vst v63  }
0x195: {  	s21 =	simm.s32 $0xF100  }
0x196: {  	[tilespmem:s21], [sflag:$0x2] =	stream.indirect_vreg.gather [hbm4b:s5+s3], $0x80, v3, vm0, $0xb8;
	[tilespmem:$0x10100] =	vst v63  }
0x197: {  	s1 =	simm.s32 $0xF900  }
0x198: {  	[tilespmem:s1], [sflag:$0x2] =	stream.indirect_vreg.gather [hbm4b:s6+s3], $0x80, v3, vm0, $0xb8;
	[tilespmem:$0x10100] =	vst v63  }
0x199: {  	_ =	swait.ge [sflag:s17], $0x8000  }
0x19a: {  	[sflag:s17] =	ssyncset.done $0x0  }
0x19b: {  	s14 =	rddreg [dreg:$0xa];
	[sflag:s17] =	ssyncadd.s32 $0xFFFF8000  }
0x19c: {  	[hbm4b:s14+s3] =	stream.linear.scatter [tilespmem:s9], [sflag:$0x3], $0x8000, $0x38;
	[tilespmem:$0x10100] =	vst v63  }
0x19d: {  	_ =	swait.ge [sflag:s19], $0x8000  }
0x19e: {  	[sflag:s19] =	ssyncset.done $0x0  }
0x19f: {  	s16 =	rddreg [dreg:$0xb];
	[sflag:s19] =	ssyncadd.s32 $0xFFFF8000  }
0x1a0: {  	[hbm4b:s16+s3] =	stream.linear.scatter [tilespmem:s25], [sflag:$0x4], $0x8000, $0x38;
	[tilespmem:$0x10100] =	vst v63  }
0x1a1: {  	p0 =	sne.s32 s7, $0x1;
	_ =	swait.ge [sflag:s18], $0x8000  }
.Ltmp0:
0x1a2: {  	[sflag:s18] =	ssyncset.done $0x0;
	(pc) =	sbr.rel @p0 .LBB2_1-.Ltmp0, $4  }
0x1a3: {  	[sflag:s18] =	ssyncadd.s32 $0xFFFF8000  }
0x1a4: {  	_ =	swait.ge [sflag:s20], $0x8000  }
0x1a5: {  	[sflag:s20] =	ssyncset.done $0x0  }
0x1a6: {  	s7 =	sadd.s32 $0xFFFFFFFF, s7;
	[sflag:s20] =	ssyncadd.s32 $0xFFFF8000  }
0x1a7: {  	_ =	sfence.sel $0x180000  }
0x1a8: {  	[bflag:$0x0] =	sbarrier.arrive $0xFFFF  }
0x1a9: {  	_ =	strace $0x9000004A  }
0x1aa: {  	s0 =	stileid.u32;
	[bflag:$0x2] =	sbarrier.arrive $0xFFFF  }
0x1ab: {  	p0 =	sne.s32 s0, $0x0;
	s0 =	rddreg [dreg:$0x2]  }
0x1ac: {  	s0 =	sadd.s32 @!p0 $0x100000, s0  }
0x1ad: {  	[sflag:s0] =	ssyncadd.tile.s32 @!p0 $0x1;
	_ =	shalt  }
.Lfunc_end2:
_tile_overlayer_lowered:
.L_overlay_start_2:
0x1ae: {  	(tag) =	ssettag $0x2  }
0x1af: {  	s0 =	rddreg [dreg:$0x0];
	s2 =	stileid.u32  }
0x1b0: {  	s1 =	rddreg [dreg:$0x1];
	p0 =	sne.s32 s2, $0x0  }
0x1b1: {  	s3 =	rddreg [dreg:$0x2];
	[bflag:$0x3] =	sbarrier.arrive $0xFFFF;
	s2 =	simm.s32 @!p0 $0x1C05  }
0x1b2: {  	[timem:s3], [sflag:s2] =	dma.local @!p0 [hbm:s0], s1  }
0x1b3: {  	s0 =	simm.s32 @!p0 $0x5  }
0x1b4: {  	_ =	swait.ge @!p0 [sflag:s0], s1  }
0x1b5: {  	s1 =	ssub.s32 @!p0 $0x0, s1;
	[sflag:s0] =	ssyncset.done @!p0 $0x0  }
0x1b6: {  	[sflag:s0] =	ssyncadd.s32 @!p0 s1  }
0x1b7: {  	[bflag:$0x3] =	sbarrier.arrive $0xFFFF  }
0x1b8: {  	_ =	shalt  }

</sc_bundles>
